<compile_context>
chip_gen: v7x
topology: tpu7x:2x2x1
jax: 0.10.2.dev20260603
libtpu: 0.0.44.dev20260713+nightly
codegen_flags: <defaults>
</compile_context>

<pallas_src>
import functools
import math

import jax
import jax.numpy as jnp
from jax import lax
from jax.experimental import pallas as pl
from jax.experimental.pallas import tpu as pltpu
from jax.experimental.pallas import tpu_sc as plsc



_TT = 2048


def _score_body(x_ref, w_ref, o_ref):
    o_ref[0] = lax.dot_general(
        w_ref[...], x_ref[...], (((1,), (1,)), ((), ())),
        preferred_element_type=jnp.float32)


def _scores(x2, w2r):
    nbt = x2.shape[0] // _TT
    d = x2.shape[1]
    return pl.pallas_call(
        _score_body,
        grid=(nbt,),
        in_specs=[
            pl.BlockSpec((_TT, d), lambda i: (i, 0)),
            pl.BlockSpec((1, d), lambda i: (0, 0)),
        ],
        out_specs=pl.BlockSpec((1, 1, _TT), lambda i: (i, 0, 0)),
        out_shape=jax.ShapeDtypeStruct((nbt, 1, _TT), jnp.float32),
    )(x2, w2r)



_RC = 512
_LB = 64


def _sortable(v):
    u = lax.bitcast_convert_type(v, jnp.int32)
    return u ^ (lax.shift_right_arithmetic(u, 31) & jnp.int32(0x7FFFFFFF))


def _topk_body(srow_ref, idx_ref, gidx_ref):
    b_sz, t = srow_ref.shape
    kh = idx_ref.shape[1]
    ones_col = jnp.ones((t, 1), jnp.float32)
    iota_col = lax.broadcasted_iota(jnp.int32, (t, 1), 0).astype(jnp.float32)
    hi_iota = lax.broadcasted_iota(jnp.int32, (kh, 1), 0)
    lo_iota = lax.broadcasted_iota(jnp.int32, (1, _LB), 1)
    jl_diag = (lax.broadcasted_iota(jnp.int32, (_RC, _RC), 1)
               < lax.broadcasted_iota(jnp.int32, (_RC, _RC), 0))
    ones_row = jnp.ones((1, _RC), jnp.float32)
    const_row = (lax.broadcasted_iota(jnp.int32, (1, srow_ref.shape[1]), 1)
                 & jnp.int32(~(_RC - 1))).astype(jnp.float32)
    for b in range(b_sz):
        ks_row = _sortable(srow_ref[b:b + 1, :])
        ks_col = jnp.transpose(ks_row, (1, 0))
        acc_blocks = []
        row_acc = const_row
        for ic in range(t // _RC):
            lo, hi = ic * _RC, (ic + 1) * _RC
            ks_i = ks_col[lo:hi, :]
            ksd = ks_row[:, lo:hi]
            diag = ((ksd > ks_i) | ((ksd == ks_i) & jl_diag)
                    ).astype(jnp.float32)
            a = jnp.dot(diag, ones_col[:_RC, :],
                        preferred_element_type=jnp.float32)
            if hi < t:
                m = (ks_row[:, hi:] > ks_i).astype(jnp.float32)
                a = a + jnp.dot(m, ones_col[:t - hi, :],
                                preferred_element_type=jnp.float32)
                cs = jnp.dot(ones_row, m,
                             preferred_element_type=jnp.float32)
                row_acc = jnp.concatenate(
                    [row_acc[:, :hi], row_acc[:, hi:] - cs], axis=1)
            acc_blocks.append(a)
        rank = (jnp.concatenate(acc_blocks, axis=0)
                + jnp.transpose(row_acc, (1, 0))).astype(jnp.int32)
        rank_row = jnp.transpose(rank, (1, 0))
        h_t = (hi_iota == lax.shift_right_logical(rank_row, 6)
               ).astype(jnp.float32)
        l_m = ((rank & jnp.int32(_LB - 1)) == lo_iota
               ).astype(jnp.float32)
        il = l_m * iota_col
        a_idx = jnp.dot(h_t, il,
                        preferred_element_type=jnp.float32)
        ai = a_idx.astype(jnp.int32)
        idx_ref[b] = ai
        gidx_ref[b] = ai + b * t


def _topk(srow, k):
    b, t = srow.shape
    kh = k // _LB
    return pl.pallas_call(
        _topk_body,
        out_shape=(
            jax.ShapeDtypeStruct((b, kh, _LB), jnp.int32),
            jax.ShapeDtypeStruct((b, kh, _LB), jnp.int32),
        ),
    )(srow)



_CH = 16


def _make_sc_gather(n_rows, d):
    info = plsc.get_sparse_core_info()
    nw = info.num_cores * info.num_subcores
    nc = info.num_cores
    b_per_w = n_rows // nw
    n_ch = b_per_w // _CH
    mesh = plsc.VectorSubcoreMesh(core_axis_name="c", subcore_axis_name="s")

    @functools.partial(
        pl.kernel,
        mesh=mesh,
        out_type=jax.ShapeDtypeStruct((n_rows, d), jnp.float32),
        scratch_types=[
            pltpu.VMEM((b_per_w,), jnp.int32),
            pltpu.VMEM((_CH,), jnp.int32),
            pltpu.VMEM((_CH,), jnp.int32),
            pltpu.VMEM((_CH,), jnp.int32),
            pltpu.VMEM((_CH, d), jnp.float32),
            pltpu.VMEM((_CH, d), jnp.float32),
            pltpu.VMEM((_CH, d), jnp.float32),
            pltpu.SemaphoreType.DMA,
            pltpu.SemaphoreType.DMA,
            pltpu.SemaphoreType.DMA,
            pltpu.SemaphoreType.DMA,
            pltpu.SemaphoreType.DMA,
            pltpu.SemaphoreType.DMA,
        ],
    )
    def gather_k(table_hbm, idx_hbm, out_hbm,
                 idx_all, i16_0, i16_1, i16_2, rows_v0, rows_v1, rows_v2,
                 sem_g0, sem_g1, sem_g2, sem_o0, sem_o1, sem_o2):
        wid = lax.axis_index("s") * nc + lax.axis_index("c")
        base = wid * b_per_w
        pltpu.sync_copy(idx_hbm.at[pl.ds(base, b_per_w)], idx_all)
        idx16 = [i16_0, i16_1, i16_2]
        rows_v = [rows_v0, rows_v1, rows_v2]
        sem_g = [sem_g0, sem_g1, sem_g2]
        sem_o = [sem_o0, sem_o1, sem_o2]

        def start_gather(c):
            p = c % 3
            idx16[p][...] = idx_all[pl.ds(c * _CH, _CH)]
            return pltpu.async_copy(table_hbm.at[idx16[p]], rows_v[p],
                                    sem_g[p])

        g = [None] * n_ch
        w = [None] * n_ch
        g[0] = start_gather(0)
        if n_ch > 1:
            g[1] = start_gather(1)
        for c in range(n_ch):
            p = c % 3
            g[c].wait()
            w[c] = pltpu.async_copy(
                rows_v[p], out_hbm.at[pl.ds(base + c * _CH, _CH)], sem_o[p])
            if c + 2 < n_ch:
                if c >= 1:
                    w[c - 1].wait()
                g[c + 2] = start_gather(c + 2)
        for c in range(max(0, n_ch - 3), n_ch):
            if w[c] is not None:
                w[c].wait()

    return gather_k



def kernel(x, W):
    b, t, d = x.shape
    k = max(1, math.ceil(0.5 * t))

    x2 = x.reshape(b * t, d)
    srow = _scores(x2, W.reshape(1, d)).reshape(b, t)
    indices, gidx = _topk(srow, k)

    gather_fn = _make_sc_gather(b * k, d)
    selected = gather_fn(x2, gidx.reshape(b * k))
    return selected.reshape(b, k, d), indices.reshape(b, k), srow

# --- scband reference (transcript-rebuilt; emitter-appended) ---
"""Pipeline reference for scband-mo-drouter-40329742909554 (READ-ONLY COPY).

The authoritative reference and input builder live on the scoring server;
editing this copy changes nothing except your own understanding.
"""

import jax, jax.numpy as jnp
import numpy as np
import math

B, T, D = 4, 4096, 2048
CAPACITY_FACTOR = 0.5
K = max(1, math.ceil(CAPACITY_FACTOR * T))

def setup_inputs(seed: int = 0) -> dict:
    key = jax.random.key(seed)
    kx, kw = jax.random.split(key)
    x = jax.random.normal(kx, (B, T, D), dtype=jnp.float32)
    # gate weight of nn.Linear(d_model, 1, bias=False): shape (1, d_model) in torch;
    # represented here as a vector (d_model,). Kaiming-uniform-ish init scale.
    bound = 1.0 / math.sqrt(D)
    W = jax.random.uniform(kw, (D,), dtype=jnp.float32, minval=-bound, maxval=bound)
    return {"x": x, "W": W}

def reference(x, W):
    # router_scores = gate(x).squeeze(-1) : (B, T)
    router_scores = jnp.einsum('btd,d->bt', x, W)
    # top-k token selection along T
    _, indices = jax.lax.top_k(router_scores, K)  # (B, K)
    # gather selected token embeddings: (B, K, D)
    selected_x = jnp.take_along_axis(x, indices[..., None], axis=1)
    return (selected_x, indices, router_scores)

if __name__ == "__main__":
    import jax
    _d = setup_inputs()
    print(jax.jit(kernel)(*tuple(_d.values())))

</pallas_src>

<mosaic_0001>
#map = affine_map<(d0, d1) -> (0, 0)>
#map1 = affine_map<(d0, d1) -> (0)>
module attributes {stable_mosaic.version = 14 : i64} {
  func.func @gather_k(%arg0: i32, %arg1: i32, %arg2: memref<16384x2048xf32, #tpu.memory_space<hbm>>, %arg3: memref<8192xi32, #tpu.memory_space<hbm>>, %arg4: memref<8192x2048xf32, #tpu.memory_space<hbm>>, %arg5: memref<256xi32, #tpu.memory_space<vmem>>, %arg6: memref<16xi32, #tpu.memory_space<vmem>>, %arg7: memref<16xi32, #tpu.memory_space<vmem>>, %arg8: memref<16xi32, #tpu.memory_space<vmem>>, %arg9: memref<16x2048xf32, #tpu.memory_space<vmem>>, %arg10: memref<16x2048xf32, #tpu.memory_space<vmem>>, %arg11: memref<16x2048xf32, #tpu.memory_space<vmem>>, %arg12: memref<!tpu.dma_semaphore, #tpu.memory_space<semaphore_mem>>, %arg13: memref<!tpu.dma_semaphore, #tpu.memory_space<semaphore_mem>>, %arg14: memref<!tpu.dma_semaphore, #tpu.memory_space<semaphore_mem>>, %arg15: memref<!tpu.dma_semaphore, #tpu.memory_space<semaphore_mem>>, %arg16: memref<!tpu.dma_semaphore, #tpu.memory_space<semaphore_mem>>, %arg17: memref<!tpu.dma_semaphore, #tpu.memory_space<semaphore_mem>>) attributes {dimension_semantics = [#tpu.dimension_semantics<core_parallel>, #tpu.dimension_semantics<subcore_parallel>], iteration_bounds = array<i64: 2, 16>, scalar_prefetch = 0 : i64, scratch_operands = 13 : i64, tpu.core_type = #tpu.core_type<sc_vector_subcore>, window_params = [{transform_indices = #map}, {transform_indices = #map1}, {transform_indices = #map}]} {
    %mul3A = arith.constant 2 : i32
    %mul3A_0 = arith.muli %arg1, %mul3A : i32
    %add3A = arith.addi %mul3A_0, %arg0 : i32
    %mul3A_1 = arith.constant 256 : i32
    %mul3A_2 = arith.muli %add3A, %mul3A_1 : i32
    "tpu.region"() ({
      %run_scoped3A = tpu.sem_alloc : memref<!tpu.dma_semaphore, #tpu.memory_space<semaphore_mem>>
      %dma_start3A_367 = tpu.memref_slice %arg3[%mul3A_2] : memref<8192xi32, #tpu.memory_space<hbm>> -> memref<256xi32, #tpu.memory_space<hbm>>
      %dma_start3A_368 = tpu.memref_slice %arg3[%mul3A_2] : memref<8192xi32, #tpu.memory_space<hbm>> -> memref<256xi32, #tpu.memory_space<hbm>>
      tpu.enqueue_dma source(%dma_start3A_368 : memref<256xi32, #tpu.memory_space<hbm>>) target(%arg5 : memref<256xi32, #tpu.memory_space<vmem>>) target_semaphore(%run_scoped3A : memref<!tpu.dma_semaphore, #tpu.memory_space<semaphore_mem>>)
      %dma_wait3A_369 = tpu.memref_slice %arg3[%mul3A_2] : memref<8192xi32, #tpu.memory_space<hbm>> -> memref<256xi32, #tpu.memory_space<hbm>>
      %dma_wait3A_370 = tpu.memref_slice %arg3[%mul3A_2] : memref<8192xi32, #tpu.memory_space<hbm>> -> memref<256xi32, #tpu.memory_space<hbm>>
      tpu.wait_dma2 semaphore(%run_scoped3A : memref<!tpu.dma_semaphore, #tpu.memory_space<semaphore_mem>>) src(%dma_wait3A_370 : memref<256xi32, #tpu.memory_space<hbm>>) dst(%arg5 : memref<256xi32, #tpu.memory_space<vmem>>)
      tpu.yield
    }) : () -> ()
    %get3A = arith.constant 0 : index
    %get3A_3 = tpu.vector_load %arg5[%get3A] {strides = array<i32>} : memref<256xi32, #tpu.memory_space<vmem>>, vector<16xi32>,
    %get3A_4 = vector.shape_cast %get3A_3 : vector<16xi32> to vector<16xi32>
    %swap3A = arith.constant 0 : index
    %swap3A_5 = tpu.vector_load %arg6[%swap3A] {strides = array<i32>} : memref<16xi32, #tpu.memory_space<vmem>>, vector<16xi32>,
    %swap3A_6 = vector.shape_cast %swap3A_5 : vector<16xi32> to vector<16xi32>
    %swap3A_7 = vector.shape_cast %get3A_4 : vector<16xi32> to vector<16xi32>
    tpu.vector_store %arg6[%swap3A], %swap3A_7 {strides = array<i32>} : memref<16xi32, #tpu.memory_space<vmem>>, vector<16xi32>,
    %dma_start3A = arith.constant 0 : i32
    %dma_start3A_8 = arith.constant 0 : i32
    %dma_start3A_9 = tpu.memref_slice %arg2[%dma_start3A, %dma_start3A_8] : memref<16384x2048xf32, #tpu.memory_space<hbm>> -> memref<16384x2048xf32, #tpu.memory_space<hbm>>
    tpu.enqueue_indirect_dma source(%dma_start3A_9 : memref<16384x2048xf32, #tpu.memory_space<hbm>>) target(%arg9 : memref<16x2048xf32, #tpu.memory_space<vmem>>) offsets(%arg6 : memref<16xi32, #tpu.memory_space<vmem>>) semaphore(%arg12 : memref<!tpu.dma_semaphore, #tpu.memory_space<semaphore_mem>>)
    %get3A_10 = arith.constant 16 : index
    %get3A_11 = tpu.vector_load %arg5[%get3A_10] {strides = array<i32>} : memref<256xi32, #tpu.memory_space<vmem>>, vector<16xi32>,
    %get3A_12 = vector.shape_cast %get3A_11 : vector<16xi32> to vector<16xi32>
    %swap3A_13 = arith.constant 0 : index
    %swap3A_14 = tpu.vector_load %arg7[%swap3A_13] {strides = array<i32>} : memref<16xi32, #tpu.memory_space<vmem>>, vector<16xi32>,
    %swap3A_15 = vector.shape_cast %swap3A_14 : vector<16xi32> to vector<16xi32>
    %swap3A_16 = vector.shape_cast %get3A_12 : vector<16xi32> to vector<16xi32>
    tpu.vector_store %arg7[%swap3A_13], %swap3A_16 {strides = array<i32>} : memref<16xi32, #tpu.memory_space<vmem>>, vector<16xi32>,
    %dma_start3A_17 = arith.constant 0 : i32
    %dma_start3A_18 = arith.constant 0 : i32
    %dma_start3A_19 = tpu.memref_slice %arg2[%dma_start3A_17, %dma_start3A_18] : memref<16384x2048xf32, #tpu.memory_space<hbm>> -> memref<16384x2048xf32, #tpu.memory_space<hbm>>
    tpu.enqueue_indirect_dma source(%dma_start3A_19 : memref<16384x2048xf32, #tpu.memory_space<hbm>>) target(%arg10 : memref<16x2048xf32, #tpu.memory_space<vmem>>) offsets(%arg7 : memref<16xi32, #tpu.memory_space<vmem>>) semaphore(%arg13 : memref<!tpu.dma_semaphore, #tpu.memory_space<semaphore_mem>>)
    %dma_wait3A = arith.constant 0 : i32
    %dma_wait3A_20 = arith.constant 0 : i32
    %dma_wait3A_21 = tpu.memref_slice %arg2[%dma_wait3A, %dma_wait3A_20] : memref<16384x2048xf32, #tpu.memory_space<hbm>> -> memref<16384x2048xf32, #tpu.memory_space<hbm>>
    tpu.wait_indirect_dma semaphore(%arg12 : memref<!tpu.dma_semaphore, #tpu.memory_space<semaphore_mem>>) src(%dma_wait3A_21 : memref<16384x2048xf32, #tpu.memory_space<hbm>>) dst(%arg9 : memref<16x2048xf32, #tpu.memory_space<vmem>>)
    %add3A_22 = arith.constant 0 : i32
    %add3A_23 = arith.addi %mul3A_2, %add3A_22 : i32
    %dma_start3A_24 = arith.constant 0 : i32
    %dma_start3A_25 = tpu.memref_slice %arg4[%add3A_23, %dma_start3A_24] : memref<8192x2048xf32, #tpu.memory_space<hbm>> -> memref<16x2048xf32, #tpu.memory_space<hbm>>
    %dma_start3A_26 = arith.constant 0 : i32
    %dma_start3A_27 = tpu.memref_slice %arg4[%add3A_23, %dma_start3A_26] : memref<8192x2048xf32, #tpu.memory_space<hbm>> -> memref<16x2048xf32, #tpu.memory_space<hbm>>
    tpu.enqueue_dma source(%arg9 : memref<16x2048xf32, #tpu.memory_space<vmem>>) target(%dma_start3A_27 : memref<16x2048xf32, #tpu.memory_space<hbm>>) target_semaphore(%arg15 : memref<!tpu.dma_semaphore, #tpu.memory_space<semaphore_mem>>)
    %get3A_28 = arith.constant 32 : index
    %get3A_29 = tpu.vector_load %arg5[%get3A_28] {strides = array<i32>} : memref<256xi32, #tpu.memory_space<vmem>>, vector<16xi32>,
    %get3A_30 = vector.shape_cast %get3A_29 : vector<16xi32> to vector<16xi32>
    %swap3A_31 = arith.constant 0 : index
    %swap3A_32 = tpu.vector_load %arg8[%swap3A_31] {strides = array<i32>} : memref<16xi32, #tpu.memory_space<vmem>>, vector<16xi32>,
    %swap3A_33 = vector.shape_cast %swap3A_32 : vector<16xi32> to vector<16xi32>
    %swap3A_34 = vector.shape_cast %get3A_30 : vector<16xi32> to vector<16xi32>
    tpu.vector_store %arg8[%swap3A_31], %swap3A_34 {strides = array<i32>} : memref<16xi32, #tpu.memory_space<vmem>>, vector<16xi32>,
    %dma_start3A_35 = arith.constant 0 : i32
    %dma_start3A_36 = arith.constant 0 : i32
    %dma_start3A_37 = tpu.memref_slice %arg2[%dma_start3A_35, %dma_start3A_36] : memref<16384x2048xf32, #tpu.memory_space<hbm>> -> memref<16384x2048xf32, #tpu.memory_space<hbm>>
    tpu.enqueue_indirect_dma source(%dma_start3A_37 : memref<16384x2048xf32, #tpu.memory_space<hbm>>) target(%arg11 : memref<16x2048xf32, #tpu.memory_space<vmem>>) offsets(%arg8 : memref<16xi32, #tpu.memory_space<vmem>>) semaphore(%arg14 : memref<!tpu.dma_semaphore, #tpu.memory_space<semaphore_mem>>)
    %dma_wait3A_38 = arith.constant 0 : i32
    %dma_wait3A_39 = arith.constant 0 : i32
    %dma_wait3A_40 = tpu.memref_slice %arg2[%dma_wait3A_38, %dma_wait3A_39] : memref<16384x2048xf32, #tpu.memory_space<hbm>> -> memref<16384x2048xf32, #tpu.memory_space<hbm>>
    tpu.wait_indirect_dma semaphore(%arg13 : memref<!tpu.dma_semaphore, #tpu.memory_space<semaphore_mem>>) src(%dma_wait3A_40 : memref<16384x2048xf32, #tpu.memory_space<hbm>>) dst(%arg10 : memref<16x2048xf32, #tpu.memory_space<vmem>>)
    %add3A_41 = arith.constant 16 : i32
    %add3A_42 = arith.addi %mul3A_2, %add3A_41 : i32
    %dma_start3A_43 = arith.constant 0 : i32
    %dma_start3A_44 = tpu.memref_slice %arg4[%add3A_42, %dma_start3A_43] : memref<8192x2048xf32, #tpu.memory_space<hbm>> -> memref<16x2048xf32, #tpu.memory_space<hbm>>
    %dma_start3A_45 = arith.constant 0 : i32
    %dma_start3A_46 = tpu.memref_slice %arg4[%add3A_42, %dma_start3A_45] : memref<8192x2048xf32, #tpu.memory_space<hbm>> -> memref<16x2048xf32, #tpu.memory_space<hbm>>
    tpu.enqueue_dma source(%arg10 : memref<16x2048xf32, #tpu.memory_space<vmem>>) target(%dma_start3A_46 : memref<16x2048xf32, #tpu.memory_space<hbm>>) target_semaphore(%arg16 : memref<!tpu.dma_semaphore, #tpu.memory_space<semaphore_mem>>)
    %dma_wait3A_47 = arith.constant 0 : i32
    %dma_wait3A_48 = tpu.memref_slice %arg4[%add3A_23, %dma_wait3A_47] : memref<8192x2048xf32, #tpu.memory_space<hbm>> -> memref<16x2048xf32, #tpu.memory_space<hbm>>
    %dma_wait3A_49 = arith.constant 0 : i32
    %dma_wait3A_50 = tpu.memref_slice %arg4[%add3A_23, %dma_wait3A_49] : memref<8192x2048xf32, #tpu.memory_space<hbm>> -> memref<16x2048xf32, #tpu.memory_space<hbm>>
    tpu.wait_dma2 semaphore(%arg15 : memref<!tpu.dma_semaphore, #tpu.memory_space<semaphore_mem>>) src(%arg9 : memref<16x2048xf32, #tpu.memory_space<vmem>>) dst(%dma_wait3A_50 : memref<16x2048xf32, #tpu.memory_space<hbm>>)
    %get3A_51 = arith.constant 48 : index
    %get3A_52 = tpu.vector_load %arg5[%get3A_51] {strides = array<i32>} : memref<256xi32, #tpu.memory_space<vmem>>, vector<16xi32>,
    %get3A_53 = vector.shape_cast %get3A_52 : vector<16xi32> to vector<16xi32>
    %swap3A_54 = arith.constant 0 : index
    %swap3A_55 = tpu.vector_load %arg6[%swap3A_54] {strides = array<i32>} : memref<16xi32, #tpu.memory_space<vmem>>, vector<16xi32>,
    %swap3A_56 = vector.shape_cast %swap3A_55 : vector<16xi32> to vector<16xi32>
    %swap3A_57 = vector.shape_cast %get3A_53 : vector<16xi32> to vector<16xi32>
    tpu.vector_store %arg6[%swap3A_54], %swap3A_57 {strides = array<i32>} : memref<16xi32, #tpu.memory_space<vmem>>, vector<16xi32>,
    %dma_start3A_58 = arith.constant 0 : i32
    %dma_start3A_59 = arith.constant 0 : i32
    %dma_start3A_60 = tpu.memref_slice %arg2[%dma_start3A_58, %dma_start3A_59] : memref<16384x2048xf32, #tpu.memory_space<hbm>> -> memref<16384x2048xf32, #tpu.memory_space<hbm>>
    tpu.enqueue_indirect_dma source(%dma_start3A_60 : memref<16384x2048xf32, #tpu.memory_space<hbm>>) target(%arg9 : memref<16x2048xf32, #tpu.memory_space<vmem>>) offsets(%arg6 : memref<16xi32, #tpu.memory_space<vmem>>) semaphore(%arg12 : memref<!tpu.dma_semaphore, #tpu.memory_space<semaphore_mem>>)
    %dma_wait3A_61 = arith.constant 0 : i32
    %dma_wait3A_62 = arith.constant 0 : i32
    %dma_wait3A_63 = tpu.memref_slice %arg2[%dma_wait3A_61, %dma_wait3A_62] : memref<16384x2048xf32, #tpu.memory_space<hbm>> -> memref<16384x2048xf32, #tpu.memory_space<hbm>>
    tpu.wait_indirect_dma semaphore(%arg14 : memref<!tpu.dma_semaphore, #tpu.memory_space<semaphore_mem>>) src(%dma_wait3A_63 : memref<16384x2048xf32, #tpu.memory_space<hbm>>) dst(%arg11 : memref<16x2048xf32, #tpu.memory_space<vmem>>)
    %add3A_64 = arith.constant 32 : i32
    %add3A_65 = arith.addi %mul3A_2, %add3A_64 : i32
    %dma_start3A_66 = arith.constant 0 : i32
    %dma_start3A_67 = tpu.memref_slice %arg4[%add3A_65, %dma_start3A_66] : memref<8192x2048xf32, #tpu.memory_space<hbm>> -> memref<16x2048xf32, #tpu.memory_space<hbm>>
    %dma_start3A_68 = arith.constant 0 : i32
    %dma_start3A_69 = tpu.memref_slice %arg4[%add3A_65, %dma_start3A_68] : memref<8192x2048xf32, #tpu.memory_space<hbm>> -> memref<16x2048xf32, #tpu.memory_space<hbm>>
    tpu.enqueue_dma source(%arg11 : memref<16x2048xf32, #tpu.memory_space<vmem>>) target(%dma_start3A_69 : memref<16x2048xf32, #tpu.memory_space<hbm>>) target_semaphore(%arg17 : memref<!tpu.dma_semaphore, #tpu.memory_space<semaphore_mem>>)
    %dma_wait3A_70 = arith.constant 0 : i32
    %dma_wait3A_71 = tpu.memref_slice %arg4[%add3A_42, %dma_wait3A_70] : memref<8192x2048xf32, #tpu.memory_space<hbm>> -> memref<16x2048xf32, #tpu.memory_space<hbm>>
    %dma_wait3A_72 = arith.constant 0 : i32
    %dma_wait3A_73 = tpu.memref_slice %arg4[%add3A_42, %dma_wait3A_72] : memref<8192x2048xf32, #tpu.memory_space<hbm>> -> memref<16x2048xf32, #tpu.memory_space<hbm>>
    tpu.wait_dma2 semaphore(%arg16 : memref<!tpu.dma_semaphore, #tpu.memory_space<semaphore_mem>>) src(%arg10 : memref<16x2048xf32, #tpu.memory_space<vmem>>) dst(%dma_wait3A_73 : memref<16x2048xf32, #tpu.memory_space<hbm>>)
    %get3A_74 = arith.constant 64 : index
    %get3A_75 = tpu.vector_load %arg5[%get3A_74] {strides = array<i32>} : memref<256xi32, #tpu.memory_space<vmem>>, vector<16xi32>,
    %get3A_76 = vector.shape_cast %get3A_75 : vector<16xi32> to vector<16xi32>
    %swap3A_77 = arith.constant 0 : index
    %swap3A_78 = tpu.vector_load %arg7[%swap3A_77] {strides = array<i32>} : memref<16xi32, #tpu.memory_space<vmem>>, vector<16xi32>,
    %swap3A_79 = vector.shape_cast %swap3A_78 : vector<16xi32> to vector<16xi32>
    %swap3A_80 = vector.shape_cast %get3A_76 : vector<16xi32> to vector<16xi32>
    tpu.vector_store %arg7[%swap3A_77], %swap3A_80 {strides = array<i32>} : memref<16xi32, #tpu.memory_space<vmem>>, vector<16xi32>,
    %dma_start3A_81 = arith.constant 0 : i32
    %dma_start3A_82 = arith.constant 0 : i32
    %dma_start3A_83 = tpu.memref_slice %arg2[%dma_start3A_81, %dma_start3A_82] : memref<16384x2048xf32, #tpu.memory_space<hbm>> -> memref<16384x2048xf32, #tpu.memory_space<hbm>>
    tpu.enqueue_indirect_dma source(%dma_start3A_83 : memref<16384x2048xf32, #tpu.memory_space<hbm>>) target(%arg10 : memref<16x2048xf32, #tpu.memory_space<vmem>>) offsets(%arg7 : memref<16xi32, #tpu.memory_space<vmem>>) semaphore(%arg13 : memref<!tpu.dma_semaphore, #tpu.memory_space<semaphore_mem>>)
    %dma_wait3A_84 = arith.constant 0 : i32
    %dma_wait3A_85 = arith.constant 0 : i32
    %dma_wait3A_86 = tpu.memref_slice %arg2[%dma_wait3A_84, %dma_wait3A_85] : memref<16384x2048xf32, #tpu.memory_space<hbm>> -> memref<16384x2048xf32, #tpu.memory_space<hbm>>
    tpu.wait_indirect_dma semaphore(%arg12 : memref<!tpu.dma_semaphore, #tpu.memory_space<semaphore_mem>>) src(%dma_wait3A_86 : memref<16384x2048xf32, #tpu.memory_space<hbm>>) dst(%arg9 : memref<16x2048xf32, #tpu.memory_space<vmem>>)
    %add3A_87 = arith.constant 48 : i32
    %add3A_88 = arith.addi %mul3A_2, %add3A_87 : i32
    %dma_start3A_89 = arith.constant 0 : i32
    %dma_start3A_90 = tpu.memref_slice %arg4[%add3A_88, %dma_start3A_89] : memref<8192x2048xf32, #tpu.memory_space<hbm>> -> memref<16x2048xf32, #tpu.memory_space<hbm>>
    %dma_start3A_91 = arith.constant 0 : i32
    %dma_start3A_92 = tpu.memref_slice %arg4[%add3A_88, %dma_start3A_91] : memref<8192x2048xf32, #tpu.memory_space<hbm>> -> memref<16x2048xf32, #tpu.memory_space<hbm>>
    tpu.enqueue_dma source(%arg9 : memref<16x2048xf32, #tpu.memory_space<vmem>>) target(%dma_start3A_92 : memref<16x2048xf32, #tpu.memory_space<hbm>>) target_semaphore(%arg15 : memref<!tpu.dma_semaphore, #tpu.memory_space<semaphore_mem>>)
    %dma_wait3A_93 = arith.constant 0 : i32
    %dma_wait3A_94 = tpu.memref_slice %arg4[%add3A_65, %dma_wait3A_93] : memref<8192x2048xf32, #tpu.memory_space<hbm>> -> memref<16x2048xf32, #tpu.memory_space<hbm>>
    %dma_wait3A_95 = arith.constant 0 : i32
    %dma_wait3A_96 = tpu.memref_slice %arg4[%add3A_65, %dma_wait3A_95] : memref<8192x2048xf32, #tpu.memory_space<hbm>> -> memref<16x2048xf32, #tpu.memory_space<hbm>>
    tpu.wait_dma2 semaphore(%arg17 : memref<!tpu.dma_semaphore, #tpu.memory_space<semaphore_mem>>) src(%arg11 : memref<16x2048xf32, #tpu.memory_space<vmem>>) dst(%dma_wait3A_96 : memref<16x2048xf32, #tpu.memory_space<hbm>>)
    %get3A_97 = arith.constant 80 : index
    %get3A_98 = tpu.vector_load %arg5[%get3A_97] {strides = array<i32>} : memref<256xi32, #tpu.memory_space<vmem>>, vector<16xi32>,
    %get3A_99 = vector.shape_cast %get3A_98 : vector<16xi32> to vector<16xi32>
    %swap3A_100 = arith.constant 0 : index
    %swap3A_101 = tpu.vector_load %arg8[%swap3A_100] {strides = array<i32>} : memref<16xi32, #tpu.memory_space<vmem>>, vector<16xi32>,
    %swap3A_102 = vector.shape_cast %swap3A_101 : vector<16xi32> to vector<16xi32>
    %swap3A_103 = vector.shape_cast %get3A_99 : vector<16xi32> to vector<16xi32>
    tpu.vector_store %arg8[%swap3A_100], %swap3A_103 {strides = array<i32>} : memref<16xi32, #tpu.memory_space<vmem>>, vector<16xi32>,
    %dma_start3A_104 = arith.constant 0 : i32
    %dma_start3A_105 = arith.constant 0 : i32
    %dma_start3A_106 = tpu.memref_slice %arg2[%dma_start3A_104, %dma_start3A_105] : memref<16384x2048xf32, #tpu.memory_space<hbm>> -> memref<16384x2048xf32, #tpu.memory_space<hbm>>
    tpu.enqueue_indirect_dma source(%dma_start3A_106 : memref<16384x2048xf32, #tpu.memory_space<hbm>>) target(%arg11 : memref<16x2048xf32, #tpu.memory_space<vmem>>) offsets(%arg8 : memref<16xi32, #tpu.memory_space<vmem>>) semaphore(%arg14 : memref<!tpu.dma_semaphore, #tpu.memory_space<semaphore_mem>>)
    %dma_wait3A_107 = arith.constant 0 : i32
    %dma_wait3A_108 = arith.constant 0 : i32
    %dma_wait3A_109 = tpu.memref_slice %arg2[%dma_wait3A_107, %dma_wait3A_108] : memref<16384x2048xf32, #tpu.memory_space<hbm>> -> memref<16384x2048xf32, #tpu.memory_space<hbm>>
    tpu.wait_indirect_dma semaphore(%arg13 : memref<!tpu.dma_semaphore, #tpu.memory_space<semaphore_mem>>) src(%dma_wait3A_109 : memref<16384x2048xf32, #tpu.memory_space<hbm>>) dst(%arg10 : memref<16x2048xf32, #tpu.memory_space<vmem>>)
    %add3A_110 = arith.constant 64 : i32
    %add3A_111 = arith.addi %mul3A_2, %add3A_110 : i32
    %dma_start3A_112 = arith.constant 0 : i32
    %dma_start3A_113 = tpu.memref_slice %arg4[%add3A_111, %dma_start3A_112] : memref<8192x2048xf32, #tpu.memory_space<hbm>> -> memref<16x2048xf32, #tpu.memory_space<hbm>>
    %dma_start3A_114 = arith.constant 0 : i32
    %dma_start3A_115 = tpu.memref_slice %arg4[%add3A_111, %dma_start3A_114] : memref<8192x2048xf32, #tpu.memory_space<hbm>> -> memref<16x2048xf32, #tpu.memory_space<hbm>>
    tpu.enqueue_dma source(%arg10 : memref<16x2048xf32, #tpu.memory_space<vmem>>) target(%dma_start3A_115 : memref<16x2048xf32, #tpu.memory_space<hbm>>) target_semaphore(%arg16 : memref<!tpu.dma_semaphore, #tpu.memory_space<semaphore_mem>>)
    %dma_wait3A_116 = arith.constant 0 : i32
    %dma_wait3A_117 = tpu.memref_slice %arg4[%add3A_88, %dma_wait3A_116] : memref<8192x2048xf32, #tpu.memory_space<hbm>> -> memref<16x2048xf32, #tpu.memory_space<hbm>>
    %dma_wait3A_118 = arith.constant 0 : i32
    %dma_wait3A_119 = tpu.memref_slice %arg4[%add3A_88, %dma_wait3A_118] : memref<8192x2048xf32, #tpu.memory_space<hbm>> -> memref<16x2048xf32, #tpu.memory_space<hbm>>
    tpu.wait_dma2 semaphore(%arg15 : memref<!tpu.dma_semaphore, #tpu.memory_space<semaphore_mem>>) src(%arg9 : memref<16x2048xf32, #tpu.memory_space<vmem>>) dst(%dma_wait3A_119 : memref<16x2048xf32, #tpu.memory_space<hbm>>)
    %get3A_120 = arith.constant 96 : index
    %get3A_121 = tpu.vector_load %arg5[%get3A_120] {strides = array<i32>} : memref<256xi32, #tpu.memory_space<vmem>>, vector<16xi32>,
    %get3A_122 = vector.shape_cast %get3A_121 : vector<16xi32> to vector<16xi32>
    %swap3A_123 = arith.constant 0 : index
    %swap3A_124 = tpu.vector_load %arg6[%swap3A_123] {strides = array<i32>} : memref<16xi32, #tpu.memory_space<vmem>>, vector<16xi32>,
    %swap3A_125 = vector.shape_cast %swap3A_124 : vector<16xi32> to vector<16xi32>
    %swap3A_126 = vector.shape_cast %get3A_122 : vector<16xi32> to vector<16xi32>
    tpu.vector_store %arg6[%swap3A_123], %swap3A_126 {strides = array<i32>} : memref<16xi32, #tpu.memory_space<vmem>>, vector<16xi32>,
    %dma_start3A_127 = arith.constant 0 : i32
    %dma_start3A_128 = arith.constant 0 : i32
    %dma_start3A_129 = tpu.memref_slice %arg2[%dma_start3A_127, %dma_start3A_128] : memref<16384x2048xf32, #tpu.memory_space<hbm>> -> memref<16384x2048xf32, #tpu.memory_space<hbm>>
    tpu.enqueue_indirect_dma source(%dma_start3A_129 : memref<16384x2048xf32, #tpu.memory_space<hbm>>) target(%arg9 : memref<16x2048xf32, #tpu.memory_space<vmem>>) offsets(%arg6 : memref<16xi32, #tpu.memory_space<vmem>>) semaphore(%arg12 : memref<!tpu.dma_semaphore, #tpu.memory_space<semaphore_mem>>)
    %dma_wait3A_130 = arith.constant 0 : i32
    %dma_wait3A_131 = arith.constant 0 : i32
    %dma_wait3A_132 = tpu.memref_slice %arg2[%dma_wait3A_130, %dma_wait3A_131] : memref<16384x2048xf32, #tpu.memory_space<hbm>> -> memref<16384x2048xf32, #tpu.memory_space<hbm>>
    tpu.wait_indirect_dma semaphore(%arg14 : memref<!tpu.dma_semaphore, #tpu.memory_space<semaphore_mem>>) src(%dma_wait3A_132 : memref<16384x2048xf32, #tpu.memory_space<hbm>>) dst(%arg11 : memref<16x2048xf32, #tpu.memory_space<vmem>>)
    %add3A_133 = arith.constant 80 : i32
    %add3A_134 = arith.addi %mul3A_2, %add3A_133 : i32
    %dma_start3A_135 = arith.constant 0 : i32
    %dma_start3A_136 = tpu.memref_slice %arg4[%add3A_134, %dma_start3A_135] : memref<8192x2048xf32, #tpu.memory_space<hbm>> -> memref<16x2048xf32, #tpu.memory_space<hbm>>
    %dma_start3A_137 = arith.constant 0 : i32
    %dma_start3A_138 = tpu.memref_slice %arg4[%add3A_134, %dma_start3A_137] : memref<8192x2048xf32, #tpu.memory_space<hbm>> -> memref<16x2048xf32, #tpu.memory_space<hbm>>
    tpu.enqueue_dma source(%arg11 : memref<16x2048xf32, #tpu.memory_space<vmem>>) target(%dma_start3A_138 : memref<16x2048xf32, #tpu.memory_space<hbm>>) target_semaphore(%arg17 : memref<!tpu.dma_semaphore, #tpu.memory_space<semaphore_mem>>)
    %dma_wait3A_139 = arith.constant 0 : i32
    %dma_wait3A_140 = tpu.memref_slice %arg4[%add3A_111, %dma_wait3A_139] : memref<8192x2048xf32, #tpu.memory_space<hbm>> -> memref<16x2048xf32, #tpu.memory_space<hbm>>
    %dma_wait3A_141 = arith.constant 0 : i32
    %dma_wait3A_142 = tpu.memref_slice %arg4[%add3A_111, %dma_wait3A_141] : memref<8192x2048xf32, #tpu.memory_space<hbm>> -> memref<16x2048xf32, #tpu.memory_space<hbm>>
    tpu.wait_dma2 semaphore(%arg16 : memref<!tpu.dma_semaphore, #tpu.memory_space<semaphore_mem>>) src(%arg10 : memref<16x2048xf32, #tpu.memory_space<vmem>>) dst(%dma_wait3A_142 : memref<16x2048xf32, #tpu.memory_space<hbm>>)
    %get3A_143 = arith.constant 112 : index
    %get3A_144 = tpu.vector_load %arg5[%get3A_143] {strides = array<i32>} : memref<256xi32, #tpu.memory_space<vmem>>, vector<16xi32>,
    %get3A_145 = vector.shape_cast %get3A_144 : vector<16xi32> to vector<16xi32>
    %swap3A_146 = arith.constant 0 : index
    %swap3A_147 = tpu.vector_load %arg7[%swap3A_146] {strides = array<i32>} : memref<16xi32, #tpu.memory_space<vmem>>, vector<16xi32>,
    %swap3A_148 = vector.shape_cast %swap3A_147 : vector<16xi32> to vector<16xi32>
    %swap3A_149 = vector.shape_cast %get3A_145 : vector<16xi32> to vector<16xi32>
    tpu.vector_store %arg7[%swap3A_146], %swap3A_149 {strides = array<i32>} : memref<16xi32, #tpu.memory_space<vmem>>, vector<16xi32>,
    %dma_start3A_150 = arith.constant 0 : i32
    %dma_start3A_151 = arith.constant 0 : i32
    %dma_start3A_152 = tpu.memref_slice %arg2[%dma_start3A_150, %dma_start3A_151] : memref<16384x2048xf32, #tpu.memory_space<hbm>> -> memref<16384x2048xf32, #tpu.memory_space<hbm>>
    tpu.enqueue_indirect_dma source(%dma_start3A_152 : memref<16384x2048xf32, #tpu.memory_space<hbm>>) target(%arg10 : memref<16x2048xf32, #tpu.memory_space<vmem>>) offsets(%arg7 : memref<16xi32, #tpu.memory_space<vmem>>) semaphore(%arg13 : memref<!tpu.dma_semaphore, #tpu.memory_space<semaphore_mem>>)
    %dma_wait3A_153 = arith.constant 0 : i32
    %dma_wait3A_154 = arith.constant 0 : i32
    %dma_wait3A_155 = tpu.memref_slice %arg2[%dma_wait3A_153, %dma_wait3A_154] : memref<16384x2048xf32, #tpu.memory_space<hbm>> -> memref<16384x2048xf32, #tpu.memory_space<hbm>>
    tpu.wait_indirect_dma semaphore(%arg12 : memref<!tpu.dma_semaphore, #tpu.memory_space<semaphore_mem>>) src(%dma_wait3A_155 : memref<16384x2048xf32, #tpu.memory_space<hbm>>) dst(%arg9 : memref<16x2048xf32, #tpu.memory_space<vmem>>)
    %add3A_156 = arith.constant 96 : i32
    %add3A_157 = arith.addi %mul3A_2, %add3A_156 : i32
    %dma_start3A_158 = arith.constant 0 : i32
    %dma_start3A_159 = tpu.memref_slice %arg4[%add3A_157, %dma_start3A_158] : memref<8192x2048xf32, #tpu.memory_space<hbm>> -> memref<16x2048xf32, #tpu.memory_space<hbm>>
    %dma_start3A_160 = arith.constant 0 : i32
    %dma_start3A_161 = tpu.memref_slice %arg4[%add3A_157, %dma_start3A_160] : memref<8192x2048xf32, #tpu.memory_space<hbm>> -> memref<16x2048xf32, #tpu.memory_space<hbm>>
    tpu.enqueue_dma source(%arg9 : memref<16x2048xf32, #tpu.memory_space<vmem>>) target(%dma_start3A_161 : memref<16x2048xf32, #tpu.memory_space<hbm>>) target_semaphore(%arg15 : memref<!tpu.dma_semaphore, #tpu.memory_space<semaphore_mem>>)
    %dma_wait3A_162 = arith.constant 0 : i32
    %dma_wait3A_163 = tpu.memref_slice %arg4[%add3A_134, %dma_wait3A_162] : memref<8192x2048xf32, #tpu.memory_space<hbm>> -> memref<16x2048xf32, #tpu.memory_space<hbm>>
    %dma_wait3A_164 = arith.constant 0 : i32
    %dma_wait3A_165 = tpu.memref_slice %arg4[%add3A_134, %dma_wait3A_164] : memref<8192x2048xf32, #tpu.memory_space<hbm>> -> memref<16x2048xf32, #tpu.memory_space<hbm>>
    tpu.wait_dma2 semaphore(%arg17 : memref<!tpu.dma_semaphore, #tpu.memory_space<semaphore_mem>>) src(%arg11 : memref<16x2048xf32, #tpu.memory_space<vmem>>) dst(%dma_wait3A_165 : memref<16x2048xf32, #tpu.memory_space<hbm>>)
    %get3A_166 = arith.constant 128 : index
    %get3A_167 = tpu.vector_load %arg5[%get3A_166] {strides = array<i32>} : memref<256xi32, #tpu.memory_space<vmem>>, vector<16xi32>,
    %get3A_168 = vector.shape_cast %get3A_167 : vector<16xi32> to vector<16xi32>
    %swap3A_169 = arith.constant 0 : index
    %swap3A_170 = tpu.vector_load %arg8[%swap3A_169] {strides = array<i32>} : memref<16xi32, #tpu.memory_space<vmem>>, vector<16xi32>,
    %swap3A_171 = vector.shape_cast %swap3A_170 : vector<16xi32> to vector<16xi32>
    %swap3A_172 = vector.shape_cast %get3A_168 : vector<16xi32> to vector<16xi32>
    tpu.vector_store %arg8[%swap3A_169], %swap3A_172 {strides = array<i32>} : memref<16xi32, #tpu.memory_space<vmem>>, vector<16xi32>,
    %dma_start3A_173 = arith.constant 0 : i32
    %dma_start3A_174 = arith.constant 0 : i32
    %dma_start3A_175 = tpu.memref_slice %arg2[%dma_start3A_173, %dma_start3A_174] : memref<16384x2048xf32, #tpu.memory_space<hbm>> -> memref<16384x2048xf32, #tpu.memory_space<hbm>>
    tpu.enqueue_indirect_dma source(%dma_start3A_175 : memref<16384x2048xf32, #tpu.memory_space<hbm>>) target(%arg11 : memref<16x2048xf32, #tpu.memory_space<vmem>>) offsets(%arg8 : memref<16xi32, #tpu.memory_space<vmem>>) semaphore(%arg14 : memref<!tpu.dma_semaphore, #tpu.memory_space<semaphore_mem>>)
    %dma_wait3A_176 = arith.constant 0 : i32
    %dma_wait3A_177 = arith.constant 0 : i32
    %dma_wait3A_178 = tpu.memref_slice %arg2[%dma_wait3A_176, %dma_wait3A_177] : memref<16384x2048xf32, #tpu.memory_space<hbm>> -> memref<16384x2048xf32, #tpu.memory_space<hbm>>
    tpu.wait_indirect_dma semaphore(%arg13 : memref<!tpu.dma_semaphore, #tpu.memory_space<semaphore_mem>>) src(%dma_wait3A_178 : memref<16384x2048xf32, #tpu.memory_space<hbm>>) dst(%arg10 : memref<16x2048xf32, #tpu.memory_space<vmem>>)
    %add3A_179 = arith.constant 112 : i32
    %add3A_180 = arith.addi %mul3A_2, %add3A_179 : i32
    %dma_start3A_181 = arith.constant 0 : i32
    %dma_start3A_182 = tpu.memref_slice %arg4[%add3A_180, %dma_start3A_181] : memref<8192x2048xf32, #tpu.memory_space<hbm>> -> memref<16x2048xf32, #tpu.memory_space<hbm>>
    %dma_start3A_183 = arith.constant 0 : i32
    %dma_start3A_184 = tpu.memref_slice %arg4[%add3A_180, %dma_start3A_183] : memref<8192x2048xf32, #tpu.memory_space<hbm>> -> memref<16x2048xf32, #tpu.memory_space<hbm>>
    tpu.enqueue_dma source(%arg10 : memref<16x2048xf32, #tpu.memory_space<vmem>>) target(%dma_start3A_184 : memref<16x2048xf32, #tpu.memory_space<hbm>>) target_semaphore(%arg16 : memref<!tpu.dma_semaphore, #tpu.memory_space<semaphore_mem>>)
    %dma_wait3A_185 = arith.constant 0 : i32
    %dma_wait3A_186 = tpu.memref_slice %arg4[%add3A_157, %dma_wait3A_185] : memref<8192x2048xf32, #tpu.memory_space<hbm>> -> memref<16x2048xf32, #tpu.memory_space<hbm>>
    %dma_wait3A_187 = arith.constant 0 : i32
    %dma_wait3A_188 = tpu.memref_slice %arg4[%add3A_157, %dma_wait3A_187] : memref<8192x2048xf32, #tpu.memory_space<hbm>> -> memref<16x2048xf32, #tpu.memory_space<hbm>>
    tpu.wait_dma2 semaphore(%arg15 : memref<!tpu.dma_semaphore, #tpu.memory_space<semaphore_mem>>) src(%arg9 : memref<16x2048xf32, #tpu.memory_space<vmem>>) dst(%dma_wait3A_188 : memref<16x2048xf32, #tpu.memory_space<hbm>>)
    %get3A_189 = arith.constant 144 : index
    %get3A_190 = tpu.vector_load %arg5[%get3A_189] {strides = array<i32>} : memref<256xi32, #tpu.memory_space<vmem>>, vector<16xi32>,
    %get3A_191 = vector.shape_cast %get3A_190 : vector<16xi32> to vector<16xi32>
    %swap3A_192 = arith.constant 0 : index
    %swap3A_193 = tpu.vector_load %arg6[%swap3A_192] {strides = array<i32>} : memref<16xi32, #tpu.memory_space<vmem>>, vector<16xi32>,
    %swap3A_194 = vector.shape_cast %swap3A_193 : vector<16xi32> to vector<16xi32>
    %swap3A_195 = vector.shape_cast %get3A_191 : vector<16xi32> to vector<16xi32>
    tpu.vector_store %arg6[%swap3A_192], %swap3A_195 {strides = array<i32>} : memref<16xi32, #tpu.memory_space<vmem>>, vector<16xi32>,
    %dma_start3A_196 = arith.constant 0 : i32
    %dma_start3A_197 = arith.constant 0 : i32
    %dma_start3A_198 = tpu.memref_slice %arg2[%dma_start3A_196, %dma_start3A_197] : memref<16384x2048xf32, #tpu.memory_space<hbm>> -> memref<16384x2048xf32, #tpu.memory_space<hbm>>
    tpu.enqueue_indirect_dma source(%dma_start3A_198 : memref<16384x2048xf32, #tpu.memory_space<hbm>>) target(%arg9 : memref<16x2048xf32, #tpu.memory_space<vmem>>) offsets(%arg6 : memref<16xi32, #tpu.memory_space<vmem>>) semaphore(%arg12 : memref<!tpu.dma_semaphore, #tpu.memory_space<semaphore_mem>>)
    %dma_wait3A_199 = arith.constant 0 : i32
    %dma_wait3A_200 = arith.constant 0 : i32
    %dma_wait3A_201 = tpu.memref_slice %arg2[%dma_wait3A_199, %dma_wait3A_200] : memref<16384x2048xf32, #tpu.memory_space<hbm>> -> memref<16384x2048xf32, #tpu.memory_space<hbm>>
    tpu.wait_indirect_dma semaphore(%arg14 : memref<!tpu.dma_semaphore, #tpu.memory_space<semaphore_mem>>) src(%dma_wait3A_201 : memref<16384x2048xf32, #tpu.memory_space<hbm>>) dst(%arg11 : memref<16x2048xf32, #tpu.memory_space<vmem>>)
    %add3A_202 = arith.constant 128 : i32
    %add3A_203 = arith.addi %mul3A_2, %add3A_202 : i32
    %dma_start3A_204 = arith.constant 0 : i32
    %dma_start3A_205 = tpu.memref_slice %arg4[%add3A_203, %dma_start3A_204] : memref<8192x2048xf32, #tpu.memory_space<hbm>> -> memref<16x2048xf32, #tpu.memory_space<hbm>>
    %dma_start3A_206 = arith.constant 0 : i32
    %dma_start3A_207 = tpu.memref_slice %arg4[%add3A_203, %dma_start3A_206] : memref<8192x2048xf32, #tpu.memory_space<hbm>> -> memref<16x2048xf32, #tpu.memory_space<hbm>>
    tpu.enqueue_dma source(%arg11 : memref<16x2048xf32, #tpu.memory_space<vmem>>) target(%dma_start3A_207 : memref<16x2048xf32, #tpu.memory_space<hbm>>) target_semaphore(%arg17 : memref<!tpu.dma_semaphore, #tpu.memory_space<semaphore_mem>>)
    %dma_wait3A_208 = arith.constant 0 : i32
    %dma_wait3A_209 = tpu.memref_slice %arg4[%add3A_180, %dma_wait3A_208] : memref<8192x2048xf32, #tpu.memory_space<hbm>> -> memref<16x2048xf32, #tpu.memory_space<hbm>>
    %dma_wait3A_210 = arith.constant 0 : i32
    %dma_wait3A_211 = tpu.memref_slice %arg4[%add3A_180, %dma_wait3A_210] : memref<8192x2048xf32, #tpu.memory_space<hbm>> -> memref<16x2048xf32, #tpu.memory_space<hbm>>
    tpu.wait_dma2 semaphore(%arg16 : memref<!tpu.dma_semaphore, #tpu.memory_space<semaphore_mem>>) src(%arg10 : memref<16x2048xf32, #tpu.memory_space<vmem>>) dst(%dma_wait3A_211 : memref<16x2048xf32, #tpu.memory_space<hbm>>)
    %get3A_212 = arith.constant 160 : index
    %get3A_213 = tpu.vector_load %arg5[%get3A_212] {strides = array<i32>} : memref<256xi32, #tpu.memory_space<vmem>>, vector<16xi32>,
    %get3A_214 = vector.shape_cast %get3A_213 : vector<16xi32> to vector<16xi32>
    %swap3A_215 = arith.constant 0 : index
    %swap3A_216 = tpu.vector_load %arg7[%swap3A_215] {strides = array<i32>} : memref<16xi32, #tpu.memory_space<vmem>>, vector<16xi32>,
    %swap3A_217 = vector.shape_cast %swap3A_216 : vector<16xi32> to vector<16xi32>
    %swap3A_218 = vector.shape_cast %get3A_214 : vector<16xi32> to vector<16xi32>
    tpu.vector_store %arg7[%swap3A_215], %swap3A_218 {strides = array<i32>} : memref<16xi32, #tpu.memory_space<vmem>>, vector<16xi32>,
    %dma_start3A_219 = arith.constant 0 : i32
    %dma_start3A_220 = arith.constant 0 : i32
    %dma_start3A_221 = tpu.memref_slice %arg2[%dma_start3A_219, %dma_start3A_220] : memref<16384x2048xf32, #tpu.memory_space<hbm>> -> memref<16384x2048xf32, #tpu.memory_space<hbm>>
    tpu.enqueue_indirect_dma source(%dma_start3A_221 : memref<16384x2048xf32, #tpu.memory_space<hbm>>) target(%arg10 : memref<16x2048xf32, #tpu.memory_space<vmem>>) offsets(%arg7 : memref<16xi32, #tpu.memory_space<vmem>>) semaphore(%arg13 : memref<!tpu.dma_semaphore, #tpu.memory_space<semaphore_mem>>)
    %dma_wait3A_222 = arith.constant 0 : i32
    %dma_wait3A_223 = arith.constant 0 : i32
    %dma_wait3A_224 = tpu.memref_slice %arg2[%dma_wait3A_222, %dma_wait3A_223] : memref<16384x2048xf32, #tpu.memory_space<hbm>> -> memref<16384x2048xf32, #tpu.memory_space<hbm>>
    tpu.wait_indirect_dma semaphore(%arg12 : memref<!tpu.dma_semaphore, #tpu.memory_space<semaphore_mem>>) src(%dma_wait3A_224 : memref<16384x2048xf32, #tpu.memory_space<hbm>>) dst(%arg9 : memref<16x2048xf32, #tpu.memory_space<vmem>>)
    %add3A_225 = arith.constant 144 : i32
    %add3A_226 = arith.addi %mul3A_2, %add3A_225 : i32
    %dma_start3A_227 = arith.constant 0 : i32
    %dma_start3A_228 = tpu.memref_slice %arg4[%add3A_226, %dma_start3A_227] : memref<8192x2048xf32, #tpu.memory_space<hbm>> -> memref<16x2048xf32, #tpu.memory_space<hbm>>
    %dma_start3A_229 = arith.constant 0 : i32
    %dma_start3A_230 = tpu.memref_slice %arg4[%add3A_226, %dma_start3A_229] : memref<8192x2048xf32, #tpu.memory_space<hbm>> -> memref<16x2048xf32, #tpu.memory_space<hbm>>
    tpu.enqueue_dma source(%arg9 : memref<16x2048xf32, #tpu.memory_space<vmem>>) target(%dma_start3A_230 : memref<16x2048xf32, #tpu.memory_space<hbm>>) target_semaphore(%arg15 : memref<!tpu.dma_semaphore, #tpu.memory_space<semaphore_mem>>)
    %dma_wait3A_231 = arith.constant 0 : i32
    %dma_wait3A_232 = tpu.memref_slice %arg4[%add3A_203, %dma_wait3A_231] : memref<8192x2048xf32, #tpu.memory_space<hbm>> -> memref<16x2048xf32, #tpu.memory_space<hbm>>
    %dma_wait3A_233 = arith.constant 0 : i32
    %dma_wait3A_234 = tpu.memref_slice %arg4[%add3A_203, %dma_wait3A_233] : memref<8192x2048xf32, #tpu.memory_space<hbm>> -> memref<16x2048xf32, #tpu.memory_space<hbm>>
    tpu.wait_dma2 semaphore(%arg17 : memref<!tpu.dma_semaphore, #tpu.memory_space<semaphore_mem>>) src(%arg11 : memref<16x2048xf32, #tpu.memory_space<vmem>>) dst(%dma_wait3A_234 : memref<16x2048xf32, #tpu.memory_space<hbm>>)
    %get3A_235 = arith.constant 176 : index
    %get3A_236 = tpu.vector_load %arg5[%get3A_235] {strides = array<i32>} : memref<256xi32, #tpu.memory_space<vmem>>, vector<16xi32>,
    %get3A_237 = vector.shape_cast %get3A_236 : vector<16xi32> to vector<16xi32>
    %swap3A_238 = arith.constant 0 : index
    %swap3A_239 = tpu.vector_load %arg8[%swap3A_238] {strides = array<i32>} : memref<16xi32, #tpu.memory_space<vmem>>, vector<16xi32>,
    %swap3A_240 = vector.shape_cast %swap3A_239 : vector<16xi32> to vector<16xi32>
    %swap3A_241 = vector.shape_cast %get3A_237 : vector<16xi32> to vector<16xi32>
    tpu.vector_store %arg8[%swap3A_238], %swap3A_241 {strides = array<i32>} : memref<16xi32, #tpu.memory_space<vmem>>, vector<16xi32>,
    %dma_start3A_242 = arith.constant 0 : i32
    %dma_start3A_243 = arith.constant 0 : i32
    %dma_start3A_244 = tpu.memref_slice %arg2[%dma_start3A_242, %dma_start3A_243] : memref<16384x2048xf32, #tpu.memory_space<hbm>> -> memref<16384x2048xf32, #tpu.memory_space<hbm>>
    tpu.enqueue_indirect_dma source(%dma_start3A_244 : memref<16384x2048xf32, #tpu.memory_space<hbm>>) target(%arg11 : memref<16x2048xf32, #tpu.memory_space<vmem>>) offsets(%arg8 : memref<16xi32, #tpu.memory_space<vmem>>) semaphore(%arg14 : memref<!tpu.dma_semaphore, #tpu.memory_space<semaphore_mem>>)
    %dma_wait3A_245 = arith.constant 0 : i32
    %dma_wait3A_246 = arith.constant 0 : i32
    %dma_wait3A_247 = tpu.memref_slice %arg2[%dma_wait3A_245, %dma_wait3A_246] : memref<16384x2048xf32, #tpu.memory_space<hbm>> -> memref<16384x2048xf32, #tpu.memory_space<hbm>>
    tpu.wait_indirect_dma semaphore(%arg13 : memref<!tpu.dma_semaphore, #tpu.memory_space<semaphore_mem>>) src(%dma_wait3A_247 : memref<16384x2048xf32, #tpu.memory_space<hbm>>) dst(%arg10 : memref<16x2048xf32, #tpu.memory_space<vmem>>)
    %add3A_248 = arith.constant 160 : i32
    %add3A_249 = arith.addi %mul3A_2, %add3A_248 : i32
    %dma_start3A_250 = arith.constant 0 : i32
    %dma_start3A_251 = tpu.memref_slice %arg4[%add3A_249, %dma_start3A_250] : memref<8192x2048xf32, #tpu.memory_space<hbm>> -> memref<16x2048xf32, #tpu.memory_space<hbm>>
    %dma_start3A_252 = arith.constant 0 : i32
    %dma_start3A_253 = tpu.memref_slice %arg4[%add3A_249, %dma_start3A_252] : memref<8192x2048xf32, #tpu.memory_space<hbm>> -> memref<16x2048xf32, #tpu.memory_space<hbm>>
    tpu.enqueue_dma source(%arg10 : memref<16x2048xf32, #tpu.memory_space<vmem>>) target(%dma_start3A_253 : memref<16x2048xf32, #tpu.memory_space<hbm>>) target_semaphore(%arg16 : memref<!tpu.dma_semaphore, #tpu.memory_space<semaphore_mem>>)
    %dma_wait3A_254 = arith.constant 0 : i32
    %dma_wait3A_255 = tpu.memref_slice %arg4[%add3A_226, %dma_wait3A_254] : memref<8192x2048xf32, #tpu.memory_space<hbm>> -> memref<16x2048xf32, #tpu.memory_space<hbm>>
    %dma_wait3A_256 = arith.constant 0 : i32
    %dma_wait3A_257 = tpu.memref_slice %arg4[%add3A_226, %dma_wait3A_256] : memref<8192x2048xf32, #tpu.memory_space<hbm>> -> memref<16x2048xf32, #tpu.memory_space<hbm>>
    tpu.wait_dma2 semaphore(%arg15 : memref<!tpu.dma_semaphore, #tpu.memory_space<semaphore_mem>>) src(%arg9 : memref<16x2048xf32, #tpu.memory_space<vmem>>) dst(%dma_wait3A_257 : memref<16x2048xf32, #tpu.memory_space<hbm>>)
    %get3A_258 = arith.constant 192 : index
    %get3A_259 = tpu.vector_load %arg5[%get3A_258] {strides = array<i32>} : memref<256xi32, #tpu.memory_space<vmem>>, vector<16xi32>,
    %get3A_260 = vector.shape_cast %get3A_259 : vector<16xi32> to vector<16xi32>
    %swap3A_261 = arith.constant 0 : index
    %swap3A_262 = tpu.vector_load %arg6[%swap3A_261] {strides = array<i32>} : memref<16xi32, #tpu.memory_space<vmem>>, vector<16xi32>,
    %swap3A_263 = vector.shape_cast %swap3A_262 : vector<16xi32> to vector<16xi32>
    %swap3A_264 = vector.shape_cast %get3A_260 : vector<16xi32> to vector<16xi32>
    tpu.vector_store %arg6[%swap3A_261], %swap3A_264 {strides = array<i32>} : memref<16xi32, #tpu.memory_space<vmem>>, vector<16xi32>,
    %dma_start3A_265 = arith.constant 0 : i32
    %dma_start3A_266 = arith.constant 0 : i32
    %dma_start3A_267 = tpu.memref_slice %arg2[%dma_start3A_265, %dma_start3A_266] : memref<16384x2048xf32, #tpu.memory_space<hbm>> -> memref<16384x2048xf32, #tpu.memory_space<hbm>>
    tpu.enqueue_indirect_dma source(%dma_start3A_267 : memref<16384x2048xf32, #tpu.memory_space<hbm>>) target(%arg9 : memref<16x2048xf32, #tpu.memory_space<vmem>>) offsets(%arg6 : memref<16xi32, #tpu.memory_space<vmem>>) semaphore(%arg12 : memref<!tpu.dma_semaphore, #tpu.memory_space<semaphore_mem>>)
    %dma_wait3A_268 = arith.constant 0 : i32
    %dma_wait3A_269 = arith.constant 0 : i32
    %dma_wait3A_270 = tpu.memref_slice %arg2[%dma_wait3A_268, %dma_wait3A_269] : memref<16384x2048xf32, #tpu.memory_space<hbm>> -> memref<16384x2048xf32, #tpu.memory_space<hbm>>
    tpu.wait_indirect_dma semaphore(%arg14 : memref<!tpu.dma_semaphore, #tpu.memory_space<semaphore_mem>>) src(%dma_wait3A_270 : memref<16384x2048xf32, #tpu.memory_space<hbm>>) dst(%arg11 : memref<16x2048xf32, #tpu.memory_space<vmem>>)
    %add3A_271 = arith.constant 176 : i32
    %add3A_272 = arith.addi %mul3A_2, %add3A_271 : i32
    %dma_start3A_273 = arith.constant 0 : i32
    %dma_start3A_274 = tpu.memref_slice %arg4[%add3A_272, %dma_start3A_273] : memref<8192x2048xf32, #tpu.memory_space<hbm>> -> memref<16x2048xf32, #tpu.memory_space<hbm>>
    %dma_start3A_275 = arith.constant 0 : i32
    %dma_start3A_276 = tpu.memref_slice %arg4[%add3A_272, %dma_start3A_275] : memref<8192x2048xf32, #tpu.memory_space<hbm>> -> memref<16x2048xf32, #tpu.memory_space<hbm>>
    tpu.enqueue_dma source(%arg11 : memref<16x2048xf32, #tpu.memory_space<vmem>>) target(%dma_start3A_276 : memref<16x2048xf32, #tpu.memory_space<hbm>>) target_semaphore(%arg17 : memref<!tpu.dma_semaphore, #tpu.memory_space<semaphore_mem>>)
    %dma_wait3A_277 = arith.constant 0 : i32
    %dma_wait3A_278 = tpu.memref_slice %arg4[%add3A_249, %dma_wait3A_277] : memref<8192x2048xf32, #tpu.memory_space<hbm>> -> memref<16x2048xf32, #tpu.memory_space<hbm>>
    %dma_wait3A_279 = arith.constant 0 : i32
    %dma_wait3A_280 = tpu.memref_slice %arg4[%add3A_249, %dma_wait3A_279] : memref<8192x2048xf32, #tpu.memory_space<hbm>> -> memref<16x2048xf32, #tpu.memory_space<hbm>>
    tpu.wait_dma2 semaphore(%arg16 : memref<!tpu.dma_semaphore, #tpu.memory_space<semaphore_mem>>) src(%arg10 : memref<16x2048xf32, #tpu.memory_space<vmem>>) dst(%dma_wait3A_280 : memref<16x2048xf32, #tpu.memory_space<hbm>>)
    %get3A_281 = arith.constant 208 : index
    %get3A_282 = tpu.vector_load %arg5[%get3A_281] {strides = array<i32>} : memref<256xi32, #tpu.memory_space<vmem>>, vector<16xi32>,
    %get3A_283 = vector.shape_cast %get3A_282 : vector<16xi32> to vector<16xi32>
    %swap3A_284 = arith.constant 0 : index
    %swap3A_285 = tpu.vector_load %arg7[%swap3A_284] {strides = array<i32>} : memref<16xi32, #tpu.memory_space<vmem>>, vector<16xi32>,
    %swap3A_286 = vector.shape_cast %swap3A_285 : vector<16xi32> to vector<16xi32>
    %swap3A_287 = vector.shape_cast %get3A_283 : vector<16xi32> to vector<16xi32>
    tpu.vector_store %arg7[%swap3A_284], %swap3A_287 {strides = array<i32>} : memref<16xi32, #tpu.memory_space<vmem>>, vector<16xi32>,
    %dma_start3A_288 = arith.constant 0 : i32
    %dma_start3A_289 = arith.constant 0 : i32
    %dma_start3A_290 = tpu.memref_slice %arg2[%dma_start3A_288, %dma_start3A_289] : memref<16384x2048xf32, #tpu.memory_space<hbm>> -> memref<16384x2048xf32, #tpu.memory_space<hbm>>
    tpu.enqueue_indirect_dma source(%dma_start3A_290 : memref<16384x2048xf32, #tpu.memory_space<hbm>>) target(%arg10 : memref<16x2048xf32, #tpu.memory_space<vmem>>) offsets(%arg7 : memref<16xi32, #tpu.memory_space<vmem>>) semaphore(%arg13 : memref<!tpu.dma_semaphore, #tpu.memory_space<semaphore_mem>>)
    %dma_wait3A_291 = arith.constant 0 : i32
    %dma_wait3A_292 = arith.constant 0 : i32
    %dma_wait3A_293 = tpu.memref_slice %arg2[%dma_wait3A_291, %dma_wait3A_292] : memref<16384x2048xf32, #tpu.memory_space<hbm>> -> memref<16384x2048xf32, #tpu.memory_space<hbm>>
    tpu.wait_indirect_dma semaphore(%arg12 : memref<!tpu.dma_semaphore, #tpu.memory_space<semaphore_mem>>) src(%dma_wait3A_293 : memref<16384x2048xf32, #tpu.memory_space<hbm>>) dst(%arg9 : memref<16x2048xf32, #tpu.memory_space<vmem>>)
    %add3A_294 = arith.constant 192 : i32
    %add3A_295 = arith.addi %mul3A_2, %add3A_294 : i32
    %dma_start3A_296 = arith.constant 0 : i32
    %dma_start3A_297 = tpu.memref_slice %arg4[%add3A_295, %dma_start3A_296] : memref<8192x2048xf32, #tpu.memory_space<hbm>> -> memref<16x2048xf32, #tpu.memory_space<hbm>>
    %dma_start3A_298 = arith.constant 0 : i32
    %dma_start3A_299 = tpu.memref_slice %arg4[%add3A_295, %dma_start3A_298] : memref<8192x2048xf32, #tpu.memory_space<hbm>> -> memref<16x2048xf32, #tpu.memory_space<hbm>>
    tpu.enqueue_dma source(%arg9 : memref<16x2048xf32, #tpu.memory_space<vmem>>) target(%dma_start3A_299 : memref<16x2048xf32, #tpu.memory_space<hbm>>) target_semaphore(%arg15 : memref<!tpu.dma_semaphore, #tpu.memory_space<semaphore_mem>>)
    %dma_wait3A_300 = arith.constant 0 : i32
    %dma_wait3A_301 = tpu.memref_slice %arg4[%add3A_272, %dma_wait3A_300] : memref<8192x2048xf32, #tpu.memory_space<hbm>> -> memref<16x2048xf32, #tpu.memory_space<hbm>>
    %dma_wait3A_302 = arith.constant 0 : i32
    %dma_wait3A_303 = tpu.memref_slice %arg4[%add3A_272, %dma_wait3A_302] : memref<8192x2048xf32, #tpu.memory_space<hbm>> -> memref<16x2048xf32, #tpu.memory_space<hbm>>
    tpu.wait_dma2 semaphore(%arg17 : memref<!tpu.dma_semaphore, #tpu.memory_space<semaphore_mem>>) src(%arg11 : memref<16x2048xf32, #tpu.memory_space<vmem>>) dst(%dma_wait3A_303 : memref<16x2048xf32, #tpu.memory_space<hbm>>)
    %get3A_304 = arith.constant 224 : index
    %get3A_305 = tpu.vector_load %arg5[%get3A_304] {strides = array<i32>} : memref<256xi32, #tpu.memory_space<vmem>>, vector<16xi32>,
    %get3A_306 = vector.shape_cast %get3A_305 : vector<16xi32> to vector<16xi32>
    %swap3A_307 = arith.constant 0 : index
    %swap3A_308 = tpu.vector_load %arg8[%swap3A_307] {strides = array<i32>} : memref<16xi32, #tpu.memory_space<vmem>>, vector<16xi32>,
    %swap3A_309 = vector.shape_cast %swap3A_308 : vector<16xi32> to vector<16xi32>
    %swap3A_310 = vector.shape_cast %get3A_306 : vector<16xi32> to vector<16xi32>
    tpu.vector_store %arg8[%swap3A_307], %swap3A_310 {strides = array<i32>} : memref<16xi32, #tpu.memory_space<vmem>>, vector<16xi32>,
    %dma_start3A_311 = arith.constant 0 : i32
    %dma_start3A_312 = arith.constant 0 : i32
    %dma_start3A_313 = tpu.memref_slice %arg2[%dma_start3A_311, %dma_start3A_312] : memref<16384x2048xf32, #tpu.memory_space<hbm>> -> memref<16384x2048xf32, #tpu.memory_space<hbm>>
    tpu.enqueue_indirect_dma source(%dma_start3A_313 : memref<16384x2048xf32, #tpu.memory_space<hbm>>) target(%arg11 : memref<16x2048xf32, #tpu.memory_space<vmem>>) offsets(%arg8 : memref<16xi32, #tpu.memory_space<vmem>>) semaphore(%arg14 : memref<!tpu.dma_semaphore, #tpu.memory_space<semaphore_mem>>)
    %dma_wait3A_314 = arith.constant 0 : i32
    %dma_wait3A_315 = arith.constant 0 : i32
    %dma_wait3A_316 = tpu.memref_slice %arg2[%dma_wait3A_314, %dma_wait3A_315] : memref<16384x2048xf32, #tpu.memory_space<hbm>> -> memref<16384x2048xf32, #tpu.memory_space<hbm>>
    tpu.wait_indirect_dma semaphore(%arg13 : memref<!tpu.dma_semaphore, #tpu.memory_space<semaphore_mem>>) src(%dma_wait3A_316 : memref<16384x2048xf32, #tpu.memory_space<hbm>>) dst(%arg10 : memref<16x2048xf32, #tpu.memory_space<vmem>>)
    %add3A_317 = arith.constant 208 : i32
    %add3A_318 = arith.addi %mul3A_2, %add3A_317 : i32
    %dma_start3A_319 = arith.constant 0 : i32
    %dma_start3A_320 = tpu.memref_slice %arg4[%add3A_318, %dma_start3A_319] : memref<8192x2048xf32, #tpu.memory_space<hbm>> -> memref<16x2048xf32, #tpu.memory_space<hbm>>
    %dma_start3A_321 = arith.constant 0 : i32
    %dma_start3A_322 = tpu.memref_slice %arg4[%add3A_318, %dma_start3A_321] : memref<8192x2048xf32, #tpu.memory_space<hbm>> -> memref<16x2048xf32, #tpu.memory_space<hbm>>
    tpu.enqueue_dma source(%arg10 : memref<16x2048xf32, #tpu.memory_space<vmem>>) target(%dma_start3A_322 : memref<16x2048xf32, #tpu.memory_space<hbm>>) target_semaphore(%arg16 : memref<!tpu.dma_semaphore, #tpu.memory_space<semaphore_mem>>)
    %dma_wait3A_323 = arith.constant 0 : i32
    %dma_wait3A_324 = tpu.memref_slice %arg4[%add3A_295, %dma_wait3A_323] : memref<8192x2048xf32, #tpu.memory_space<hbm>> -> memref<16x2048xf32, #tpu.memory_space<hbm>>
    %dma_wait3A_325 = arith.constant 0 : i32
    %dma_wait3A_326 = tpu.memref_slice %arg4[%add3A_295, %dma_wait3A_325] : memref<8192x2048xf32, #tpu.memory_space<hbm>> -> memref<16x2048xf32, #tpu.memory_space<hbm>>
    tpu.wait_dma2 semaphore(%arg15 : memref<!tpu.dma_semaphore, #tpu.memory_space<semaphore_mem>>) src(%arg9 : memref<16x2048xf32, #tpu.memory_space<vmem>>) dst(%dma_wait3A_326 : memref<16x2048xf32, #tpu.memory_space<hbm>>)
    %get3A_327 = arith.constant 240 : index
    %get3A_328 = tpu.vector_load %arg5[%get3A_327] {strides = array<i32>} : memref<256xi32, #tpu.memory_space<vmem>>, vector<16xi32>,
    %get3A_329 = vector.shape_cast %get3A_328 : vector<16xi32> to vector<16xi32>
    %swap3A_330 = arith.constant 0 : index
    %swap3A_331 = tpu.vector_load %arg6[%swap3A_330] {strides = array<i32>} : memref<16xi32, #tpu.memory_space<vmem>>, vector<16xi32>,
    %swap3A_332 = vector.shape_cast %swap3A_331 : vector<16xi32> to vector<16xi32>
    %swap3A_333 = vector.shape_cast %get3A_329 : vector<16xi32> to vector<16xi32>
    tpu.vector_store %arg6[%swap3A_330], %swap3A_333 {strides = array<i32>} : memref<16xi32, #tpu.memory_space<vmem>>, vector<16xi32>,
    %dma_start3A_334 = arith.constant 0 : i32
    %dma_start3A_335 = arith.constant 0 : i32
    %dma_start3A_336 = tpu.memref_slice %arg2[%dma_start3A_334, %dma_start3A_335] : memref<16384x2048xf32, #tpu.memory_space<hbm>> -> memref<16384x2048xf32, #tpu.memory_space<hbm>>
    tpu.enqueue_indirect_dma source(%dma_start3A_336 : memref<16384x2048xf32, #tpu.memory_space<hbm>>) target(%arg9 : memref<16x2048xf32, #tpu.memory_space<vmem>>) offsets(%arg6 : memref<16xi32, #tpu.memory_space<vmem>>) semaphore(%arg12 : memref<!tpu.dma_semaphore, #tpu.memory_space<semaphore_mem>>)
    %dma_wait3A_337 = arith.constant 0 : i32
    %dma_wait3A_338 = arith.constant 0 : i32
    %dma_wait3A_339 = tpu.memref_slice %arg2[%dma_wait3A_337, %dma_wait3A_338] : memref<16384x2048xf32, #tpu.memory_space<hbm>> -> memref<16384x2048xf32, #tpu.memory_space<hbm>>
    tpu.wait_indirect_dma semaphore(%arg14 : memref<!tpu.dma_semaphore, #tpu.memory_space<semaphore_mem>>) src(%dma_wait3A_339 : memref<16384x2048xf32, #tpu.memory_space<hbm>>) dst(%arg11 : memref<16x2048xf32, #tpu.memory_space<vmem>>)
    %add3A_340 = arith.constant 224 : i32
    %add3A_341 = arith.addi %mul3A_2, %add3A_340 : i32
    %dma_start3A_342 = arith.constant 0 : i32
    %dma_start3A_343 = tpu.memref_slice %arg4[%add3A_341, %dma_start3A_342] : memref<8192x2048xf32, #tpu.memory_space<hbm>> -> memref<16x2048xf32, #tpu.memory_space<hbm>>
    %dma_start3A_344 = arith.constant 0 : i32
    %dma_start3A_345 = tpu.memref_slice %arg4[%add3A_341, %dma_start3A_344] : memref<8192x2048xf32, #tpu.memory_space<hbm>> -> memref<16x2048xf32, #tpu.memory_space<hbm>>
    tpu.enqueue_dma source(%arg11 : memref<16x2048xf32, #tpu.memory_space<vmem>>) target(%dma_start3A_345 : memref<16x2048xf32, #tpu.memory_space<hbm>>) target_semaphore(%arg17 : memref<!tpu.dma_semaphore, #tpu.memory_space<semaphore_mem>>)
    %dma_wait3A_346 = arith.constant 0 : i32
    %dma_wait3A_347 = arith.constant 0 : i32
    %dma_wait3A_348 = tpu.memref_slice %arg2[%dma_wait3A_346, %dma_wait3A_347] : memref<16384x2048xf32, #tpu.memory_space<hbm>> -> memref<16384x2048xf32, #tpu.memory_space<hbm>>
    tpu.wait_indirect_dma semaphore(%arg12 : memref<!tpu.dma_semaphore, #tpu.memory_space<semaphore_mem>>) src(%dma_wait3A_348 : memref<16384x2048xf32, #tpu.memory_space<hbm>>) dst(%arg9 : memref<16x2048xf32, #tpu.memory_space<vmem>>)
    %add3A_349 = arith.constant 240 : i32
    %add3A_350 = arith.addi %mul3A_2, %add3A_349 : i32
    %dma_start3A_351 = arith.constant 0 : i32
    %dma_start3A_352 = tpu.memref_slice %arg4[%add3A_350, %dma_start3A_351] : memref<8192x2048xf32, #tpu.memory_space<hbm>> -> memref<16x2048xf32, #tpu.memory_space<hbm>>
    %dma_start3A_353 = arith.constant 0 : i32
    %dma_start3A_354 = tpu.memref_slice %arg4[%add3A_350, %dma_start3A_353] : memref<8192x2048xf32, #tpu.memory_space<hbm>> -> memref<16x2048xf32, #tpu.memory_space<hbm>>
    tpu.enqueue_dma source(%arg9 : memref<16x2048xf32, #tpu.memory_space<vmem>>) target(%dma_start3A_354 : memref<16x2048xf32, #tpu.memory_space<hbm>>) target_semaphore(%arg15 : memref<!tpu.dma_semaphore, #tpu.memory_space<semaphore_mem>>)
    %dma_wait3A_355 = arith.constant 0 : i32
    %dma_wait3A_356 = tpu.memref_slice %arg4[%add3A_318, %dma_wait3A_355] : memref<8192x2048xf32, #tpu.memory_space<hbm>> -> memref<16x2048xf32, #tpu.memory_space<hbm>>
    %dma_wait3A_357 = arith.constant 0 : i32
    %dma_wait3A_358 = tpu.memref_slice %arg4[%add3A_318, %dma_wait3A_357] : memref<8192x2048xf32, #tpu.memory_space<hbm>> -> memref<16x2048xf32, #tpu.memory_space<hbm>>
    tpu.wait_dma2 semaphore(%arg16 : memref<!tpu.dma_semaphore, #tpu.memory_space<semaphore_mem>>) src(%arg10 : memref<16x2048xf32, #tpu.memory_space<vmem>>) dst(%dma_wait3A_358 : memref<16x2048xf32, #tpu.memory_space<hbm>>)
    %dma_wait3A_359 = arith.constant 0 : i32
    %dma_wait3A_360 = tpu.memref_slice %arg4[%add3A_341, %dma_wait3A_359] : memref<8192x2048xf32, #tpu.memory_space<hbm>> -> memref<16x2048xf32, #tpu.memory_space<hbm>>
    %dma_wait3A_361 = arith.constant 0 : i32
    %dma_wait3A_362 = tpu.memref_slice %arg4[%add3A_341, %dma_wait3A_361] : memref<8192x2048xf32, #tpu.memory_space<hbm>> -> memref<16x2048xf32, #tpu.memory_space<hbm>>
    tpu.wait_dma2 semaphore(%arg17 : memref<!tpu.dma_semaphore, #tpu.memory_space<semaphore_mem>>) src(%arg11 : memref<16x2048xf32, #tpu.memory_space<vmem>>) dst(%dma_wait3A_362 : memref<16x2048xf32, #tpu.memory_space<hbm>>)
    %dma_wait3A_363 = arith.constant 0 : i32
    %dma_wait3A_364 = tpu.memref_slice %arg4[%add3A_350, %dma_wait3A_363] : memref<8192x2048xf32, #tpu.memory_space<hbm>> -> memref<16x2048xf32, #tpu.memory_space<hbm>>
    %dma_wait3A_365 = arith.constant 0 : i32
    %dma_wait3A_366 = tpu.memref_slice %arg4[%add3A_350, %dma_wait3A_365] : memref<8192x2048xf32, #tpu.memory_space<hbm>> -> memref<16x2048xf32, #tpu.memory_space<hbm>>
    tpu.wait_dma2 semaphore(%arg15 : memref<!tpu.dma_semaphore, #tpu.memory_space<semaphore_mem>>) src(%arg9 : memref<16x2048xf32, #tpu.memory_space<vmem>>) dst(%dma_wait3A_366 : memref<16x2048xf32, #tpu.memory_space<hbm>>)
    return
  }
}

module attributes {stable_mosaic.version = 14 : i64} {
  func.func @_topk_body(%arg0: memref<4x4096xf32, #tpu.memory_space<vmem>>, %arg1: memref<4x32x64xi32, #tpu.memory_space<vmem>>, %arg2: memref<4x32x64xi32, #tpu.memory_space<vmem>>) attributes {dimension_semantics = [], scalar_prefetch = 0 : i64, scratch_operands = 0 : i64, tpu.core_type = #tpu.core_type<tc>} {
    %broadcast_in_dim3A = arith.constant 1.000000e+00 : f32
    %broadcast_in_dim3A_0 = vector.broadcast %broadcast_in_dim3A : f32 to vector<4096x1xf32>
    %iota3A = tpu.iota {dimensions = array<i32: 0>} : vector<4096x1xi32>
    %convert_element_type3A = arith.sitofp %iota3A : vector<4096x1xi32> to vector<4096x1xf32>
    %iota3A_1 = tpu.iota {dimensions = array<i32: 0>} : vector<32x1xi32>
    %iota3A_2 = tpu.iota {dimensions = array<i32: 1>} : vector<1x64xi32>
    %iota3A_3 = tpu.iota {dimensions = array<i32: 1>} : vector<512x512xi32>
    %iota3A_4 = tpu.iota {dimensions = array<i32: 0>} : vector<512x512xi32>
    %lt3A = arith.cmpi slt, %iota3A_3, %iota3A_4 : vector<512x512xi32>
    %broadcast_in_dim3A_5 = arith.constant 1.000000e+00 : f32
    %broadcast_in_dim3A_6 = vector.broadcast %broadcast_in_dim3A_5 : f32 to vector<1x512xf32>
    %iota3A_7 = tpu.iota {dimensions = array<i32: 1>} : vector<1x4096xi32>
    %and3A = arith.constant -512 : i32
    %and3A_8 = vector.broadcast %and3A : i32 to vector<1x4096xi32>
    %and3A_9 = arith.andi %iota3A_7, %and3A_8 : vector<1x4096xi32>
    %convert_element_type3A_10 = arith.sitofp %and3A_9 : vector<1x4096xi32> to vector<1x4096xf32>
    %get3A = arith.constant 0 : index
    %get3A_11 = arith.constant 0 : index
    %get3A_12 = vector.load %arg0[%get3A, %get3A_11] : memref<4x4096xf32, #tpu.memory_space<vmem>>, vector<1x4096xf32>
    %bitcast_convert_type3A = tpu.bitcast %get3A_12 : vector<1x4096xf32> -> vector<1x4096xi32>
    %shift_right_arithmetic3A = arith.constant 31 : i32
    %shift_right_arithmetic3A_13 = vector.broadcast %shift_right_arithmetic3A : i32 to vector<1x4096xi32>
    %shift_right_arithmetic3A_14 = arith.shrsi %bitcast_convert_type3A, %shift_right_arithmetic3A_13 : vector<1x4096xi32>
    %and3A_15 = arith.constant 2147483647 : i32
    %and3A_16 = vector.broadcast %and3A_15 : i32 to vector<1x4096xi32>
    %and3A_17 = arith.andi %shift_right_arithmetic3A_14, %and3A_16 : vector<1x4096xi32>
    %xor3A = arith.xori %bitcast_convert_type3A, %and3A_17 : vector<1x4096xi32>
    %transpose3A = tpu.transpose %xor3A, [1, 0] : vector<1x4096xi32> -> vector<4096x1xi32>
    %slice3A = vector.extract_strided_slice %transpose3A {offsets = [0, 0], sizes = [512, 1], strides = [1, 1]} : vector<4096x1xi32> to vector<512x1xi32>
    %slice3A_18 = vector.extract_strided_slice %xor3A {offsets = [0, 0], sizes = [1, 512], strides = [1, 1]} : vector<1x4096xi32> to vector<1x512xi32>
    %gt3A = vector.broadcast %slice3A_18 : vector<1x512xi32> to vector<512x512xi32>
    %gt3A_19 = vector.broadcast %slice3A : vector<512x1xi32> to vector<512x512xi32>
    %gt3A_20 = arith.cmpi sgt, %gt3A, %gt3A_19 : vector<512x512xi32>
    %eq3A = vector.broadcast %slice3A_18 : vector<1x512xi32> to vector<512x512xi32>
    %eq3A_21 = vector.broadcast %slice3A : vector<512x1xi32> to vector<512x512xi32>
    %eq3A_22 = arith.cmpi eq, %eq3A, %eq3A_21 : vector<512x512xi32>
    %and3A_23 = arith.andi %eq3A_22, %lt3A : vector<512x512xi1>
    %or3A = arith.ori %gt3A_20, %and3A_23 : vector<512x512xi1>
    %convert_element_type3A_24 = arith.extui %or3A : vector<512x512xi1> to vector<512x512xi32>
    %convert_element_type3A_25 = arith.sitofp %convert_element_type3A_24 : vector<512x512xi32> to vector<512x512xf32>
    %slice3A_26 = vector.extract_strided_slice %broadcast_in_dim3A_0 {offsets = [0, 0], sizes = [512, 1], strides = [1, 1]} : vector<4096x1xf32> to vector<512x1xf32>
    %dot_general3A = arith.constant dense<0.000000e+00> : vector<512x1xf32>
    %dot_general3A_27 = tpu.matmul %convert_element_type3A_25, %slice3A_26, %dot_general3A {dimension_numbers = #tpu.dot_dimension_numbers<[1], [0], [0], [1], [0, 0, 1, 1], [], []>, transpose_lhs_hint = false} : vector<512x512xf32>, vector<512x1xf32>, vector<512x1xf32> -> vector<512x1xf32>
    %slice3A_28 = vector.extract_strided_slice %xor3A {offsets = [0, 512], sizes = [1, 3584], strides = [1, 1]} : vector<1x4096xi32> to vector<1x3584xi32>
    %gt3A_29 = vector.broadcast %slice3A_28 : vector<1x3584xi32> to vector<512x3584xi32>
    %gt3A_30 = vector.broadcast %slice3A : vector<512x1xi32> to vector<512x3584xi32>
    %gt3A_31 = arith.cmpi sgt, %gt3A_29, %gt3A_30 : vector<512x3584xi32>
    %convert_element_type3A_32 = arith.extui %gt3A_31 : vector<512x3584xi1> to vector<512x3584xi32>
    %convert_element_type3A_33 = arith.sitofp %convert_element_type3A_32 : vector<512x3584xi32> to vector<512x3584xf32>
    %slice3A_34 = vector.extract_strided_slice %broadcast_in_dim3A_0 {offsets = [0, 0], sizes = [3584, 1], strides = [1, 1]} : vector<4096x1xf32> to vector<3584x1xf32>
    %dot_general3A_35 = arith.constant dense<0.000000e+00> : vector<512x1xf32>
    %dot_general3A_36 = tpu.matmul %convert_element_type3A_33, %slice3A_34, %dot_general3A_35 {dimension_numbers = #tpu.dot_dimension_numbers<[1], [0], [0], [1], [0, 0, 1, 1], [], []>, transpose_lhs_hint = false} : vector<512x3584xf32>, vector<3584x1xf32>, vector<512x1xf32> -> vector<512x1xf32>
    %add3A = arith.addf %dot_general3A_27, %dot_general3A_36 : vector<512x1xf32>
    %dot_general3A_37 = arith.constant dense<0.000000e+00> : vector<1x3584xf32>
    %dot_general3A_38 = tpu.matmul %broadcast_in_dim3A_6, %convert_element_type3A_33, %dot_general3A_37 {dimension_numbers = #tpu.dot_dimension_numbers<[1], [0], [0], [1], [0, 0, 1, 1], [], []>, transpose_lhs_hint = false} : vector<1x512xf32>, vector<512x3584xf32>, vector<1x3584xf32> -> vector<1x3584xf32>
    %slice3A_39 = vector.extract_strided_slice %convert_element_type3A_10 {offsets = [0, 0], sizes = [1, 512], strides = [1, 1]} : vector<1x4096xf32> to vector<1x512xf32>
    %slice3A_40 = vector.extract_strided_slice %convert_element_type3A_10 {offsets = [0, 512], sizes = [1, 3584], strides = [1, 1]} : vector<1x4096xf32> to vector<1x3584xf32>
    %sub3A = arith.subf %slice3A_40, %dot_general3A_38 : vector<1x3584xf32>
    %concatenate3A = tpu.concatenate %slice3A_39, %sub3A in 1 : vector<1x512xf32>, vector<1x3584xf32> -> vector<1x4096xf32>
    %slice3A_41 = vector.extract_strided_slice %transpose3A {offsets = [512, 0], sizes = [512, 1], strides = [1, 1]} : vector<4096x1xi32> to vector<512x1xi32>
    %slice3A_42 = vector.extract_strided_slice %xor3A {offsets = [0, 512], sizes = [1, 512], strides = [1, 1]} : vector<1x4096xi32> to vector<1x512xi32>
    %gt3A_43 = vector.broadcast %slice3A_42 : vector<1x512xi32> to vector<512x512xi32>
    %gt3A_44 = vector.broadcast %slice3A_41 : vector<512x1xi32> to vector<512x512xi32>
    %gt3A_45 = arith.cmpi sgt, %gt3A_43, %gt3A_44 : vector<512x512xi32>
    %eq3A_46 = vector.broadcast %slice3A_42 : vector<1x512xi32> to vector<512x512xi32>
    %eq3A_47 = vector.broadcast %slice3A_41 : vector<512x1xi32> to vector<512x512xi32>
    %eq3A_48 = arith.cmpi eq, %eq3A_46, %eq3A_47 : vector<512x512xi32>
    %and3A_49 = arith.andi %eq3A_48, %lt3A : vector<512x512xi1>
    %or3A_50 = arith.ori %gt3A_45, %and3A_49 : vector<512x512xi1>
    %convert_element_type3A_51 = arith.extui %or3A_50 : vector<512x512xi1> to vector<512x512xi32>
    %convert_element_type3A_52 = arith.sitofp %convert_element_type3A_51 : vector<512x512xi32> to vector<512x512xf32>
    %slice3A_53 = vector.extract_strided_slice %broadcast_in_dim3A_0 {offsets = [0, 0], sizes = [512, 1], strides = [1, 1]} : vector<4096x1xf32> to vector<512x1xf32>
    %dot_general3A_54 = arith.constant dense<0.000000e+00> : vector<512x1xf32>
    %dot_general3A_55 = tpu.matmul %convert_element_type3A_52, %slice3A_53, %dot_general3A_54 {dimension_numbers = #tpu.dot_dimension_numbers<[1], [0], [0], [1], [0, 0, 1, 1], [], []>, transpose_lhs_hint = false} : vector<512x512xf32>, vector<512x1xf32>, vector<512x1xf32> -> vector<512x1xf32>
    %slice3A_56 = vector.extract_strided_slice %xor3A {offsets = [0, 1024], sizes = [1, 3072], strides = [1, 1]} : vector<1x4096xi32> to vector<1x3072xi32>
    %gt3A_57 = vector.broadcast %slice3A_56 : vector<1x3072xi32> to vector<512x3072xi32>
    %gt3A_58 = vector.broadcast %slice3A_41 : vector<512x1xi32> to vector<512x3072xi32>
    %gt3A_59 = arith.cmpi sgt, %gt3A_57, %gt3A_58 : vector<512x3072xi32>
    %convert_element_type3A_60 = arith.extui %gt3A_59 : vector<512x3072xi1> to vector<512x3072xi32>
    %convert_element_type3A_61 = arith.sitofp %convert_element_type3A_60 : vector<512x3072xi32> to vector<512x3072xf32>
    %slice3A_62 = vector.extract_strided_slice %broadcast_in_dim3A_0 {offsets = [0, 0], sizes = [3072, 1], strides = [1, 1]} : vector<4096x1xf32> to vector<3072x1xf32>
    %dot_general3A_63 = arith.constant dense<0.000000e+00> : vector<512x1xf32>
    %dot_general3A_64 = tpu.matmul %convert_element_type3A_61, %slice3A_62, %dot_general3A_63 {dimension_numbers = #tpu.dot_dimension_numbers<[1], [0], [0], [1], [0, 0, 1, 1], [], []>, transpose_lhs_hint = false} : vector<512x3072xf32>, vector<3072x1xf32>, vector<512x1xf32> -> vector<512x1xf32>
    %add3A_65 = arith.addf %dot_general3A_55, %dot_general3A_64 : vector<512x1xf32>
    %dot_general3A_66 = arith.constant dense<0.000000e+00> : vector<1x3072xf32>
    %dot_general3A_67 = tpu.matmul %broadcast_in_dim3A_6, %convert_element_type3A_61, %dot_general3A_66 {dimension_numbers = #tpu.dot_dimension_numbers<[1], [0], [0], [1], [0, 0, 1, 1], [], []>, transpose_lhs_hint = false} : vector<1x512xf32>, vector<512x3072xf32>, vector<1x3072xf32> -> vector<1x3072xf32>
    %slice3A_68 = vector.extract_strided_slice %concatenate3A {offsets = [0, 0], sizes = [1, 1024], strides = [1, 1]} : vector<1x4096xf32> to vector<1x1024xf32>
    %slice3A_69 = vector.extract_strided_slice %concatenate3A {offsets = [0, 1024], sizes = [1, 3072], strides = [1, 1]} : vector<1x4096xf32> to vector<1x3072xf32>
    %sub3A_70 = arith.subf %slice3A_69, %dot_general3A_67 : vector<1x3072xf32>
    %concatenate3A_71 = tpu.concatenate %slice3A_68, %sub3A_70 in 1 : vector<1x1024xf32>, vector<1x3072xf32> -> vector<1x4096xf32>
    %slice3A_72 = vector.extract_strided_slice %transpose3A {offsets = [1024, 0], sizes = [512, 1], strides = [1, 1]} : vector<4096x1xi32> to vector<512x1xi32>
    %slice3A_73 = vector.extract_strided_slice %xor3A {offsets = [0, 1024], sizes = [1, 512], strides = [1, 1]} : vector<1x4096xi32> to vector<1x512xi32>
    %gt3A_74 = vector.broadcast %slice3A_73 : vector<1x512xi32> to vector<512x512xi32>
    %gt3A_75 = vector.broadcast %slice3A_72 : vector<512x1xi32> to vector<512x512xi32>
    %gt3A_76 = arith.cmpi sgt, %gt3A_74, %gt3A_75 : vector<512x512xi32>
    %eq3A_77 = vector.broadcast %slice3A_73 : vector<1x512xi32> to vector<512x512xi32>
    %eq3A_78 = vector.broadcast %slice3A_72 : vector<512x1xi32> to vector<512x512xi32>
    %eq3A_79 = arith.cmpi eq, %eq3A_77, %eq3A_78 : vector<512x512xi32>
    %and3A_80 = arith.andi %eq3A_79, %lt3A : vector<512x512xi1>
    %or3A_81 = arith.ori %gt3A_76, %and3A_80 : vector<512x512xi1>
    %convert_element_type3A_82 = arith.extui %or3A_81 : vector<512x512xi1> to vector<512x512xi32>
    %convert_element_type3A_83 = arith.sitofp %convert_element_type3A_82 : vector<512x512xi32> to vector<512x512xf32>
    %slice3A_84 = vector.extract_strided_slice %broadcast_in_dim3A_0 {offsets = [0, 0], sizes = [512, 1], strides = [1, 1]} : vector<4096x1xf32> to vector<512x1xf32>
    %dot_general3A_85 = arith.constant dense<0.000000e+00> : vector<512x1xf32>
    %dot_general3A_86 = tpu.matmul %convert_element_type3A_83, %slice3A_84, %dot_general3A_85 {dimension_numbers = #tpu.dot_dimension_numbers<[1], [0], [0], [1], [0, 0, 1, 1], [], []>, transpose_lhs_hint = false} : vector<512x512xf32>, vector<512x1xf32>, vector<512x1xf32> -> vector<512x1xf32>
    %slice3A_87 = vector.extract_strided_slice %xor3A {offsets = [0, 1536], sizes = [1, 2560], strides = [1, 1]} : vector<1x4096xi32> to vector<1x2560xi32>
    %gt3A_88 = vector.broadcast %slice3A_87 : vector<1x2560xi32> to vector<512x2560xi32>
    %gt3A_89 = vector.broadcast %slice3A_72 : vector<512x1xi32> to vector<512x2560xi32>
    %gt3A_90 = arith.cmpi sgt, %gt3A_88, %gt3A_89 : vector<512x2560xi32>
    %convert_element_type3A_91 = arith.extui %gt3A_90 : vector<512x2560xi1> to vector<512x2560xi32>
    %convert_element_type3A_92 = arith.sitofp %convert_element_type3A_91 : vector<512x2560xi32> to vector<512x2560xf32>
    %slice3A_93 = vector.extract_strided_slice %broadcast_in_dim3A_0 {offsets = [0, 0], sizes = [2560, 1], strides = [1, 1]} : vector<4096x1xf32> to vector<2560x1xf32>
    %dot_general3A_94 = arith.constant dense<0.000000e+00> : vector<512x1xf32>
    %dot_general3A_95 = tpu.matmul %convert_element_type3A_92, %slice3A_93, %dot_general3A_94 {dimension_numbers = #tpu.dot_dimension_numbers<[1], [0], [0], [1], [0, 0, 1, 1], [], []>, transpose_lhs_hint = false} : vector<512x2560xf32>, vector<2560x1xf32>, vector<512x1xf32> -> vector<512x1xf32>
    %add3A_96 = arith.addf %dot_general3A_86, %dot_general3A_95 : vector<512x1xf32>
    %dot_general3A_97 = arith.constant dense<0.000000e+00> : vector<1x2560xf32>
    %dot_general3A_98 = tpu.matmul %broadcast_in_dim3A_6, %convert_element_type3A_92, %dot_general3A_97 {dimension_numbers = #tpu.dot_dimension_numbers<[1], [0], [0], [1], [0, 0, 1, 1], [], []>, transpose_lhs_hint = false} : vector<1x512xf32>, vector<512x2560xf32>, vector<1x2560xf32> -> vector<1x2560xf32>
    %slice3A_99 = vector.extract_strided_slice %concatenate3A_71 {offsets = [0, 0], sizes = [1, 1536], strides = [1, 1]} : vector<1x4096xf32> to vector<1x1536xf32>
    %slice3A_100 = vector.extract_strided_slice %concatenate3A_71 {offsets = [0, 1536], sizes = [1, 2560], strides = [1, 1]} : vector<1x4096xf32> to vector<1x2560xf32>
    %sub3A_101 = arith.subf %slice3A_100, %dot_general3A_98 : vector<1x2560xf32>
    %concatenate3A_102 = tpu.concatenate %slice3A_99, %sub3A_101 in 1 : vector<1x1536xf32>, vector<1x2560xf32> -> vector<1x4096xf32>
    %slice3A_103 = vector.extract_strided_slice %transpose3A {offsets = [1536, 0], sizes = [512, 1], strides = [1, 1]} : vector<4096x1xi32> to vector<512x1xi32>
    %slice3A_104 = vector.extract_strided_slice %xor3A {offsets = [0, 1536], sizes = [1, 512], strides = [1, 1]} : vector<1x4096xi32> to vector<1x512xi32>
    %gt3A_105 = vector.broadcast %slice3A_104 : vector<1x512xi32> to vector<512x512xi32>
    %gt3A_106 = vector.broadcast %slice3A_103 : vector<512x1xi32> to vector<512x512xi32>
    %gt3A_107 = arith.cmpi sgt, %gt3A_105, %gt3A_106 : vector<512x512xi32>
    %eq3A_108 = vector.broadcast %slice3A_104 : vector<1x512xi32> to vector<512x512xi32>
    %eq3A_109 = vector.broadcast %slice3A_103 : vector<512x1xi32> to vector<512x512xi32>
    %eq3A_110 = arith.cmpi eq, %eq3A_108, %eq3A_109 : vector<512x512xi32>
    %and3A_111 = arith.andi %eq3A_110, %lt3A : vector<512x512xi1>
    %or3A_112 = arith.ori %gt3A_107, %and3A_111 : vector<512x512xi1>
    %convert_element_type3A_113 = arith.extui %or3A_112 : vector<512x512xi1> to vector<512x512xi32>
    %convert_element_type3A_114 = arith.sitofp %convert_element_type3A_113 : vector<512x512xi32> to vector<512x512xf32>
    %slice3A_115 = vector.extract_strided_slice %broadcast_in_dim3A_0 {offsets = [0, 0], sizes = [512, 1], strides = [1, 1]} : vector<4096x1xf32> to vector<512x1xf32>
    %dot_general3A_116 = arith.constant dense<0.000000e+00> : vector<512x1xf32>
    %dot_general3A_117 = tpu.matmul %convert_element_type3A_114, %slice3A_115, %dot_general3A_116 {dimension_numbers = #tpu.dot_dimension_numbers<[1], [0], [0], [1], [0, 0, 1, 1], [], []>, transpose_lhs_hint = false} : vector<512x512xf32>, vector<512x1xf32>, vector<512x1xf32> -> vector<512x1xf32>
    %slice3A_118 = vector.extract_strided_slice %xor3A {offsets = [0, 2048], sizes = [1, 2048], strides = [1, 1]} : vector<1x4096xi32> to vector<1x2048xi32>
    %gt3A_119 = vector.broadcast %slice3A_118 : vector<1x2048xi32> to vector<512x2048xi32>
    %gt3A_120 = vector.broadcast %slice3A_103 : vector<512x1xi32> to vector<512x2048xi32>
    %gt3A_121 = arith.cmpi sgt, %gt3A_119, %gt3A_120 : vector<512x2048xi32>
    %convert_element_type3A_122 = arith.extui %gt3A_121 : vector<512x2048xi1> to vector<512x2048xi32>
    %convert_element_type3A_123 = arith.sitofp %convert_element_type3A_122 : vector<512x2048xi32> to vector<512x2048xf32>
    %slice3A_124 = vector.extract_strided_slice %broadcast_in_dim3A_0 {offsets = [0, 0], sizes = [2048, 1], strides = [1, 1]} : vector<4096x1xf32> to vector<2048x1xf32>
    %dot_general3A_125 = arith.constant dense<0.000000e+00> : vector<512x1xf32>
    %dot_general3A_126 = tpu.matmul %convert_element_type3A_123, %slice3A_124, %dot_general3A_125 {dimension_numbers = #tpu.dot_dimension_numbers<[1], [0], [0], [1], [0, 0, 1, 1], [], []>, transpose_lhs_hint = false} : vector<512x2048xf32>, vector<2048x1xf32>, vector<512x1xf32> -> vector<512x1xf32>
    %add3A_127 = arith.addf %dot_general3A_117, %dot_general3A_126 : vector<512x1xf32>
    %dot_general3A_128 = arith.constant dense<0.000000e+00> : vector<1x2048xf32>
    %dot_general3A_129 = tpu.matmul %broadcast_in_dim3A_6, %convert_element_type3A_123, %dot_general3A_128 {dimension_numbers = #tpu.dot_dimension_numbers<[1], [0], [0], [1], [0, 0, 1, 1], [], []>, transpose_lhs_hint = false} : vector<1x512xf32>, vector<512x2048xf32>, vector<1x2048xf32> -> vector<1x2048xf32>
    %slice3A_130 = vector.extract_strided_slice %concatenate3A_102 {offsets = [0, 0], sizes = [1, 2048], strides = [1, 1]} : vector<1x4096xf32> to vector<1x2048xf32>
    %slice3A_131 = vector.extract_strided_slice %concatenate3A_102 {offsets = [0, 2048], sizes = [1, 2048], strides = [1, 1]} : vector<1x4096xf32> to vector<1x2048xf32>
    %sub3A_132 = arith.subf %slice3A_131, %dot_general3A_129 : vector<1x2048xf32>
    %concatenate3A_133 = tpu.concatenate %slice3A_130, %sub3A_132 in 1 : vector<1x2048xf32>, vector<1x2048xf32> -> vector<1x4096xf32>
    %slice3A_134 = vector.extract_strided_slice %transpose3A {offsets = [2048, 0], sizes = [512, 1], strides = [1, 1]} : vector<4096x1xi32> to vector<512x1xi32>
    %slice3A_135 = vector.extract_strided_slice %xor3A {offsets = [0, 2048], sizes = [1, 512], strides = [1, 1]} : vector<1x4096xi32> to vector<1x512xi32>
    %gt3A_136 = vector.broadcast %slice3A_135 : vector<1x512xi32> to vector<512x512xi32>
    %gt3A_137 = vector.broadcast %slice3A_134 : vector<512x1xi32> to vector<512x512xi32>
    %gt3A_138 = arith.cmpi sgt, %gt3A_136, %gt3A_137 : vector<512x512xi32>
    %eq3A_139 = vector.broadcast %slice3A_135 : vector<1x512xi32> to vector<512x512xi32>
    %eq3A_140 = vector.broadcast %slice3A_134 : vector<512x1xi32> to vector<512x512xi32>
    %eq3A_141 = arith.cmpi eq, %eq3A_139, %eq3A_140 : vector<512x512xi32>
    %and3A_142 = arith.andi %eq3A_141, %lt3A : vector<512x512xi1>
    %or3A_143 = arith.ori %gt3A_138, %and3A_142 : vector<512x512xi1>
    %convert_element_type3A_144 = arith.extui %or3A_143 : vector<512x512xi1> to vector<512x512xi32>
    %convert_element_type3A_145 = arith.sitofp %convert_element_type3A_144 : vector<512x512xi32> to vector<512x512xf32>
    %slice3A_146 = vector.extract_strided_slice %broadcast_in_dim3A_0 {offsets = [0, 0], sizes = [512, 1], strides = [1, 1]} : vector<4096x1xf32> to vector<512x1xf32>
    %dot_general3A_147 = arith.constant dense<0.000000e+00> : vector<512x1xf32>
    %dot_general3A_148 = tpu.matmul %convert_element_type3A_145, %slice3A_146, %dot_general3A_147 {dimension_numbers = #tpu.dot_dimension_numbers<[1], [0], [0], [1], [0, 0, 1, 1], [], []>, transpose_lhs_hint = false} : vector<512x512xf32>, vector<512x1xf32>, vector<512x1xf32> -> vector<512x1xf32>
    %slice3A_149 = vector.extract_strided_slice %xor3A {offsets = [0, 2560], sizes = [1, 1536], strides = [1, 1]} : vector<1x4096xi32> to vector<1x1536xi32>
    %gt3A_150 = vector.broadcast %slice3A_149 : vector<1x1536xi32> to vector<512x1536xi32>
    %gt3A_151 = vector.broadcast %slice3A_134 : vector<512x1xi32> to vector<512x1536xi32>
    %gt3A_152 = arith.cmpi sgt, %gt3A_150, %gt3A_151 : vector<512x1536xi32>
    %convert_element_type3A_153 = arith.extui %gt3A_152 : vector<512x1536xi1> to vector<512x1536xi32>
    %convert_element_type3A_154 = arith.sitofp %convert_element_type3A_153 : vector<512x1536xi32> to vector<512x1536xf32>
    %slice3A_155 = vector.extract_strided_slice %broadcast_in_dim3A_0 {offsets = [0, 0], sizes = [1536, 1], strides = [1, 1]} : vector<4096x1xf32> to vector<1536x1xf32>
    %dot_general3A_156 = arith.constant dense<0.000000e+00> : vector<512x1xf32>
    %dot_general3A_157 = tpu.matmul %convert_element_type3A_154, %slice3A_155, %dot_general3A_156 {dimension_numbers = #tpu.dot_dimension_numbers<[1], [0], [0], [1], [0, 0, 1, 1], [], []>, transpose_lhs_hint = false} : vector<512x1536xf32>, vector<1536x1xf32>, vector<512x1xf32> -> vector<512x1xf32>
    %add3A_158 = arith.addf %dot_general3A_148, %dot_general3A_157 : vector<512x1xf32>
    %dot_general3A_159 = arith.constant dense<0.000000e+00> : vector<1x1536xf32>
    %dot_general3A_160 = tpu.matmul %broadcast_in_dim3A_6, %convert_element_type3A_154, %dot_general3A_159 {dimension_numbers = #tpu.dot_dimension_numbers<[1], [0], [0], [1], [0, 0, 1, 1], [], []>, transpose_lhs_hint = false} : vector<1x512xf32>, vector<512x1536xf32>, vector<1x1536xf32> -> vector<1x1536xf32>
    %slice3A_161 = vector.extract_strided_slice %concatenate3A_133 {offsets = [0, 0], sizes = [1, 2560], strides = [1, 1]} : vector<1x4096xf32> to vector<1x2560xf32>
    %slice3A_162 = vector.extract_strided_slice %concatenate3A_133 {offsets = [0, 2560], sizes = [1, 1536], strides = [1, 1]} : vector<1x4096xf32> to vector<1x1536xf32>
    %sub3A_163 = arith.subf %slice3A_162, %dot_general3A_160 : vector<1x1536xf32>
    %concatenate3A_164 = tpu.concatenate %slice3A_161, %sub3A_163 in 1 : vector<1x2560xf32>, vector<1x1536xf32> -> vector<1x4096xf32>
    %slice3A_165 = vector.extract_strided_slice %transpose3A {offsets = [2560, 0], sizes = [512, 1], strides = [1, 1]} : vector<4096x1xi32> to vector<512x1xi32>
    %slice3A_166 = vector.extract_strided_slice %xor3A {offsets = [0, 2560], sizes = [1, 512], strides = [1, 1]} : vector<1x4096xi32> to vector<1x512xi32>
    %gt3A_167 = vector.broadcast %slice3A_166 : vector<1x512xi32> to vector<512x512xi32>
    %gt3A_168 = vector.broadcast %slice3A_165 : vector<512x1xi32> to vector<512x512xi32>
    %gt3A_169 = arith.cmpi sgt, %gt3A_167, %gt3A_168 : vector<512x512xi32>
    %eq3A_170 = vector.broadcast %slice3A_166 : vector<1x512xi32> to vector<512x512xi32>
    %eq3A_171 = vector.broadcast %slice3A_165 : vector<512x1xi32> to vector<512x512xi32>
    %eq3A_172 = arith.cmpi eq, %eq3A_170, %eq3A_171 : vector<512x512xi32>
    %and3A_173 = arith.andi %eq3A_172, %lt3A : vector<512x512xi1>
    %or3A_174 = arith.ori %gt3A_169, %and3A_173 : vector<512x512xi1>
    %convert_element_type3A_175 = arith.extui %or3A_174 : vector<512x512xi1> to vector<512x512xi32>
    %convert_element_type3A_176 = arith.sitofp %convert_element_type3A_175 : vector<512x512xi32> to vector<512x512xf32>
    %slice3A_177 = vector.extract_strided_slice %broadcast_in_dim3A_0 {offsets = [0, 0], sizes = [512, 1], strides = [1, 1]} : vector<4096x1xf32> to vector<512x1xf32>
    %dot_general3A_178 = arith.constant dense<0.000000e+00> : vector<512x1xf32>
    %dot_general3A_179 = tpu.matmul %convert_element_type3A_176, %slice3A_177, %dot_general3A_178 {dimension_numbers = #tpu.dot_dimension_numbers<[1], [0], [0], [1], [0, 0, 1, 1], [], []>, transpose_lhs_hint = false} : vector<512x512xf32>, vector<512x1xf32>, vector<512x1xf32> -> vector<512x1xf32>
    %slice3A_180 = vector.extract_strided_slice %xor3A {offsets = [0, 3072], sizes = [1, 1024], strides = [1, 1]} : vector<1x4096xi32> to vector<1x1024xi32>
    %gt3A_181 = vector.broadcast %slice3A_180 : vector<1x1024xi32> to vector<512x1024xi32>
    %gt3A_182 = vector.broadcast %slice3A_165 : vector<512x1xi32> to vector<512x1024xi32>
    %gt3A_183 = arith.cmpi sgt, %gt3A_181, %gt3A_182 : vector<512x1024xi32>
    %convert_element_type3A_184 = arith.extui %gt3A_183 : vector<512x1024xi1> to vector<512x1024xi32>
    %convert_element_type3A_185 = arith.sitofp %convert_element_type3A_184 : vector<512x1024xi32> to vector<512x1024xf32>
    %slice3A_186 = vector.extract_strided_slice %broadcast_in_dim3A_0 {offsets = [0, 0], sizes = [1024, 1], strides = [1, 1]} : vector<4096x1xf32> to vector<1024x1xf32>
    %dot_general3A_187 = arith.constant dense<0.000000e+00> : vector<512x1xf32>
    %dot_general3A_188 = tpu.matmul %convert_element_type3A_185, %slice3A_186, %dot_general3A_187 {dimension_numbers = #tpu.dot_dimension_numbers<[1], [0], [0], [1], [0, 0, 1, 1], [], []>, transpose_lhs_hint = false} : vector<512x1024xf32>, vector<1024x1xf32>, vector<512x1xf32> -> vector<512x1xf32>
    %add3A_189 = arith.addf %dot_general3A_179, %dot_general3A_188 : vector<512x1xf32>
    %dot_general3A_190 = arith.constant dense<0.000000e+00> : vector<1x1024xf32>
    %dot_general3A_191 = tpu.matmul %broadcast_in_dim3A_6, %convert_element_type3A_185, %dot_general3A_190 {dimension_numbers = #tpu.dot_dimension_numbers<[1], [0], [0], [1], [0, 0, 1, 1], [], []>, transpose_lhs_hint = false} : vector<1x512xf32>, vector<512x1024xf32>, vector<1x1024xf32> -> vector<1x1024xf32>
    %slice3A_192 = vector.extract_strided_slice %concatenate3A_164 {offsets = [0, 0], sizes = [1, 3072], strides = [1, 1]} : vector<1x4096xf32> to vector<1x3072xf32>
    %slice3A_193 = vector.extract_strided_slice %concatenate3A_164 {offsets = [0, 3072], sizes = [1, 1024], strides = [1, 1]} : vector<1x4096xf32> to vector<1x1024xf32>
    %sub3A_194 = arith.subf %slice3A_193, %dot_general3A_191 : vector<1x1024xf32>
    %concatenate3A_195 = tpu.concatenate %slice3A_192, %sub3A_194 in 1 : vector<1x3072xf32>, vector<1x1024xf32> -> vector<1x4096xf32>
    %slice3A_196 = vector.extract_strided_slice %transpose3A {offsets = [3072, 0], sizes = [512, 1], strides = [1, 1]} : vector<4096x1xi32> to vector<512x1xi32>
    %slice3A_197 = vector.extract_strided_slice %xor3A {offsets = [0, 3072], sizes = [1, 512], strides = [1, 1]} : vector<1x4096xi32> to vector<1x512xi32>
    %gt3A_198 = vector.broadcast %slice3A_197 : vector<1x512xi32> to vector<512x512xi32>
    %gt3A_199 = vector.broadcast %slice3A_196 : vector<512x1xi32> to vector<512x512xi32>
    %gt3A_200 = arith.cmpi sgt, %gt3A_198, %gt3A_199 : vector<512x512xi32>
    %eq3A_201 = vector.broadcast %slice3A_197 : vector<1x512xi32> to vector<512x512xi32>
    %eq3A_202 = vector.broadcast %slice3A_196 : vector<512x1xi32> to vector<512x512xi32>
    %eq3A_203 = arith.cmpi eq, %eq3A_201, %eq3A_202 : vector<512x512xi32>
    %and3A_204 = arith.andi %eq3A_203, %lt3A : vector<512x512xi1>
    %or3A_205 = arith.ori %gt3A_200, %and3A_204 : vector<512x512xi1>
    %convert_element_type3A_206 = arith.extui %or3A_205 : vector<512x512xi1> to vector<512x512xi32>
    %convert_element_type3A_207 = arith.sitofp %convert_element_type3A_206 : vector<512x512xi32> to vector<512x512xf32>
    %slice3A_208 = vector.extract_strided_slice %broadcast_in_dim3A_0 {offsets = [0, 0], sizes = [512, 1], strides = [1, 1]} : vector<4096x1xf32> to vector<512x1xf32>
    %dot_general3A_209 = arith.constant dense<0.000000e+00> : vector<512x1xf32>
    %dot_general3A_210 = tpu.matmul %convert_element_type3A_207, %slice3A_208, %dot_general3A_209 {dimension_numbers = #tpu.dot_dimension_numbers<[1], [0], [0], [1], [0, 0, 1, 1], [], []>, transpose_lhs_hint = false} : vector<512x512xf32>, vector<512x1xf32>, vector<512x1xf32> -> vector<512x1xf32>
    %slice3A_211 = vector.extract_strided_slice %xor3A {offsets = [0, 3584], sizes = [1, 512], strides = [1, 1]} : vector<1x4096xi32> to vector<1x512xi32>
    %gt3A_212 = vector.broadcast %slice3A_211 : vector<1x512xi32> to vector<512x512xi32>
    %gt3A_213 = vector.broadcast %slice3A_196 : vector<512x1xi32> to vector<512x512xi32>
    %gt3A_214 = arith.cmpi sgt, %gt3A_212, %gt3A_213 : vector<512x512xi32>
    %convert_element_type3A_215 = arith.extui %gt3A_214 : vector<512x512xi1> to vector<512x512xi32>
    %convert_element_type3A_216 = arith.sitofp %convert_element_type3A_215 : vector<512x512xi32> to vector<512x512xf32>
    %slice3A_217 = vector.extract_strided_slice %broadcast_in_dim3A_0 {offsets = [0, 0], sizes = [512, 1], strides = [1, 1]} : vector<4096x1xf32> to vector<512x1xf32>
    %dot_general3A_218 = arith.constant dense<0.000000e+00> : vector<512x1xf32>
    %dot_general3A_219 = tpu.matmul %convert_element_type3A_216, %slice3A_217, %dot_general3A_218 {dimension_numbers = #tpu.dot_dimension_numbers<[1], [0], [0], [1], [0, 0, 1, 1], [], []>, transpose_lhs_hint = false} : vector<512x512xf32>, vector<512x1xf32>, vector<512x1xf32> -> vector<512x1xf32>
    %add3A_220 = arith.addf %dot_general3A_210, %dot_general3A_219 : vector<512x1xf32>
    %dot_general3A_221 = arith.constant dense<0.000000e+00> : vector<1x512xf32>
    %dot_general3A_222 = tpu.matmul %broadcast_in_dim3A_6, %convert_element_type3A_216, %dot_general3A_221 {dimension_numbers = #tpu.dot_dimension_numbers<[1], [0], [0], [1], [0, 0, 1, 1], [], []>, transpose_lhs_hint = false} : vector<1x512xf32>, vector<512x512xf32>, vector<1x512xf32> -> vector<1x512xf32>
    %slice3A_223 = vector.extract_strided_slice %concatenate3A_195 {offsets = [0, 0], sizes = [1, 3584], strides = [1, 1]} : vector<1x4096xf32> to vector<1x3584xf32>
    %slice3A_224 = vector.extract_strided_slice %concatenate3A_195 {offsets = [0, 3584], sizes = [1, 512], strides = [1, 1]} : vector<1x4096xf32> to vector<1x512xf32>
    %sub3A_225 = arith.subf %slice3A_224, %dot_general3A_222 : vector<1x512xf32>
    %concatenate3A_226 = tpu.concatenate %slice3A_223, %sub3A_225 in 1 : vector<1x3584xf32>, vector<1x512xf32> -> vector<1x4096xf32>
    %slice3A_227 = vector.extract_strided_slice %transpose3A {offsets = [3584, 0], sizes = [512, 1], strides = [1, 1]} : vector<4096x1xi32> to vector<512x1xi32>
    %slice3A_228 = vector.extract_strided_slice %xor3A {offsets = [0, 3584], sizes = [1, 512], strides = [1, 1]} : vector<1x4096xi32> to vector<1x512xi32>
    %gt3A_229 = vector.broadcast %slice3A_228 : vector<1x512xi32> to vector<512x512xi32>
    %gt3A_230 = vector.broadcast %slice3A_227 : vector<512x1xi32> to vector<512x512xi32>
    %gt3A_231 = arith.cmpi sgt, %gt3A_229, %gt3A_230 : vector<512x512xi32>
    %eq3A_232 = vector.broadcast %slice3A_228 : vector<1x512xi32> to vector<512x512xi32>
    %eq3A_233 = vector.broadcast %slice3A_227 : vector<512x1xi32> to vector<512x512xi32>
    %eq3A_234 = arith.cmpi eq, %eq3A_232, %eq3A_233 : vector<512x512xi32>
    %and3A_235 = arith.andi %eq3A_234, %lt3A : vector<512x512xi1>
    %or3A_236 = arith.ori %gt3A_231, %and3A_235 : vector<512x512xi1>
    %convert_element_type3A_237 = arith.extui %or3A_236 : vector<512x512xi1> to vector<512x512xi32>
    %convert_element_type3A_238 = arith.sitofp %convert_element_type3A_237 : vector<512x512xi32> to vector<512x512xf32>
    %slice3A_239 = vector.extract_strided_slice %broadcast_in_dim3A_0 {offsets = [0, 0], sizes = [512, 1], strides = [1, 1]} : vector<4096x1xf32> to vector<512x1xf32>
    %dot_general3A_240 = arith.constant dense<0.000000e+00> : vector<512x1xf32>
    %dot_general3A_241 = tpu.matmul %convert_element_type3A_238, %slice3A_239, %dot_general3A_240 {dimension_numbers = #tpu.dot_dimension_numbers<[1], [0], [0], [1], [0, 0, 1, 1], [], []>, transpose_lhs_hint = false} : vector<512x512xf32>, vector<512x1xf32>, vector<512x1xf32> -> vector<512x1xf32>
    %concatenate3A_242 = tpu.concatenate %add3A, %add3A_65, %add3A_96, %add3A_127, %add3A_158, %add3A_189, %add3A_220, %dot_general3A_241 in 0 : vector<512x1xf32>, vector<512x1xf32>, vector<512x1xf32>, vector<512x1xf32>, vector<512x1xf32>, vector<512x1xf32>, vector<512x1xf32>, vector<512x1xf32> -> vector<4096x1xf32>
    %transpose3A_243 = tpu.transpose %concatenate3A_226, [1, 0] : vector<1x4096xf32> -> vector<4096x1xf32>
    %add3A_244 = arith.addf %concatenate3A_242, %transpose3A_243 : vector<4096x1xf32>
    %convert_element_type3A_245 = arith.fptosi %add3A_244 : vector<4096x1xf32> to vector<4096x1xi32>
    %transpose3A_246 = tpu.transpose %convert_element_type3A_245, [1, 0] : vector<4096x1xi32> -> vector<1x4096xi32>
    %shift_right_logical3A = arith.constant 6 : i32
    %shift_right_logical3A_247 = vector.broadcast %shift_right_logical3A : i32 to vector<1x4096xi32>
    %shift_right_logical3A_248 = arith.shrui %transpose3A_246, %shift_right_logical3A_247 : vector<1x4096xi32>
    %eq3A_249 = vector.broadcast %iota3A_1 : vector<32x1xi32> to vector<32x4096xi32>
    %eq3A_250 = vector.broadcast %shift_right_logical3A_248 : vector<1x4096xi32> to vector<32x4096xi32>
    %eq3A_251 = arith.cmpi eq, %eq3A_249, %eq3A_250 : vector<32x4096xi32>
    %convert_element_type3A_252 = arith.extui %eq3A_251 : vector<32x4096xi1> to vector<32x4096xi32>
    %convert_element_type3A_253 = arith.sitofp %convert_element_type3A_252 : vector<32x4096xi32> to vector<32x4096xf32>
    %and3A_254 = arith.constant 63 : i32
    %and3A_255 = vector.broadcast %and3A_254 : i32 to vector<4096x1xi32>
    %and3A_256 = arith.andi %convert_element_type3A_245, %and3A_255 : vector<4096x1xi32>
    %eq3A_257 = vector.broadcast %and3A_256 : vector<4096x1xi32> to vector<4096x64xi32>
    %eq3A_258 = vector.broadcast %iota3A_2 : vector<1x64xi32> to vector<4096x64xi32>
    %eq3A_259 = arith.cmpi eq, %eq3A_257, %eq3A_258 : vector<4096x64xi32>
    %convert_element_type3A_260 = arith.extui %eq3A_259 : vector<4096x64xi1> to vector<4096x64xi32>
    %convert_element_type3A_261 = arith.sitofp %convert_element_type3A_260 : vector<4096x64xi32> to vector<4096x64xf32>
    %mul3A = vector.broadcast %convert_element_type3A : vector<4096x1xf32> to vector<4096x64xf32>
    %mul3A_262 = arith.mulf %convert_element_type3A_261, %mul3A : vector<4096x64xf32>
    %dot_general3A_263 = arith.constant dense<0.000000e+00> : vector<32x64xf32>
    %dot_general3A_264 = tpu.matmul %convert_element_type3A_253, %mul3A_262, %dot_general3A_263 {dimension_numbers = #tpu.dot_dimension_numbers<[1], [0], [0], [1], [0, 0, 1, 1], [], []>, transpose_lhs_hint = false} : vector<32x4096xf32>, vector<4096x64xf32>, vector<32x64xf32> -> vector<32x64xf32>
    %convert_element_type3A_265 = arith.fptosi %dot_general3A_264 : vector<32x64xf32> to vector<32x64xi32>
    %swap3A = arith.constant 0 : index
    %swap3A_266 = arith.constant 0 : index
    %swap3A_267 = arith.constant 0 : index
    %swap3A_268 = vector.load %arg1[%swap3A, %swap3A_266, %swap3A_267] : memref<4x32x64xi32, #tpu.memory_space<vmem>>, vector<1x32x64xi32>
    %swap3A_269 = vector.shape_cast %swap3A_268 : vector<1x32x64xi32> to vector<32x64xi32>
    %swap3A_270 = vector.shape_cast %convert_element_type3A_265 : vector<32x64xi32> to vector<1x32x64xi32>
    tpu.vector_store %arg1[%swap3A, %swap3A_266, %swap3A_267], %swap3A_270 {strides = array<i32>} : memref<4x32x64xi32, #tpu.memory_space<vmem>>, vector<1x32x64xi32>,
    %add3A_271 = arith.constant 0 : i32
    %add3A_272 = vector.broadcast %add3A_271 : i32 to vector<32x64xi32>
    %add3A_273 = arith.addi %convert_element_type3A_265, %add3A_272 : vector<32x64xi32>
    %swap3A_274 = arith.constant 0 : index
    %swap3A_275 = arith.constant 0 : index
    %swap3A_276 = arith.constant 0 : index
    %swap3A_277 = vector.load %arg2[%swap3A_274, %swap3A_275, %swap3A_276] : memref<4x32x64xi32, #tpu.memory_space<vmem>>, vector<1x32x64xi32>
    %swap3A_278 = vector.shape_cast %swap3A_277 : vector<1x32x64xi32> to vector<32x64xi32>
    %swap3A_279 = vector.shape_cast %add3A_273 : vector<32x64xi32> to vector<1x32x64xi32>
    tpu.vector_store %arg2[%swap3A_274, %swap3A_275, %swap3A_276], %swap3A_279 {strides = array<i32>} : memref<4x32x64xi32, #tpu.memory_space<vmem>>, vector<1x32x64xi32>,
    %get3A_280 = arith.constant 1 : index
    %get3A_281 = arith.constant 0 : index
    %get3A_282 = vector.load %arg0[%get3A_280, %get3A_281] : memref<4x4096xf32, #tpu.memory_space<vmem>>, vector<1x4096xf32>
    %bitcast_convert_type3A_283 = tpu.bitcast %get3A_282 : vector<1x4096xf32> -> vector<1x4096xi32>
    %shift_right_arithmetic3A_284 = arith.constant 31 : i32
    %shift_right_arithmetic3A_285 = vector.broadcast %shift_right_arithmetic3A_284 : i32 to vector<1x4096xi32>
    %shift_right_arithmetic3A_286 = arith.shrsi %bitcast_convert_type3A_283, %shift_right_arithmetic3A_285 : vector<1x4096xi32>
    %and3A_287 = arith.constant 2147483647 : i32
    %and3A_288 = vector.broadcast %and3A_287 : i32 to vector<1x4096xi32>
    %and3A_289 = arith.andi %shift_right_arithmetic3A_286, %and3A_288 : vector<1x4096xi32>
    %xor3A_290 = arith.xori %bitcast_convert_type3A_283, %and3A_289 : vector<1x4096xi32>
    %transpose3A_291 = tpu.transpose %xor3A_290, [1, 0] : vector<1x4096xi32> -> vector<4096x1xi32>
    %slice3A_292 = vector.extract_strided_slice %transpose3A_291 {offsets = [0, 0], sizes = [512, 1], strides = [1, 1]} : vector<4096x1xi32> to vector<512x1xi32>
    %slice3A_293 = vector.extract_strided_slice %xor3A_290 {offsets = [0, 0], sizes = [1, 512], strides = [1, 1]} : vector<1x4096xi32> to vector<1x512xi32>
    %gt3A_294 = vector.broadcast %slice3A_293 : vector<1x512xi32> to vector<512x512xi32>
    %gt3A_295 = vector.broadcast %slice3A_292 : vector<512x1xi32> to vector<512x512xi32>
    %gt3A_296 = arith.cmpi sgt, %gt3A_294, %gt3A_295 : vector<512x512xi32>
    %eq3A_297 = vector.broadcast %slice3A_293 : vector<1x512xi32> to vector<512x512xi32>
    %eq3A_298 = vector.broadcast %slice3A_292 : vector<512x1xi32> to vector<512x512xi32>
    %eq3A_299 = arith.cmpi eq, %eq3A_297, %eq3A_298 : vector<512x512xi32>
    %and3A_300 = arith.andi %eq3A_299, %lt3A : vector<512x512xi1>
    %or3A_301 = arith.ori %gt3A_296, %and3A_300 : vector<512x512xi1>
    %convert_element_type3A_302 = arith.extui %or3A_301 : vector<512x512xi1> to vector<512x512xi32>
    %convert_element_type3A_303 = arith.sitofp %convert_element_type3A_302 : vector<512x512xi32> to vector<512x512xf32>
    %slice3A_304 = vector.extract_strided_slice %broadcast_in_dim3A_0 {offsets = [0, 0], sizes = [512, 1], strides = [1, 1]} : vector<4096x1xf32> to vector<512x1xf32>
    %dot_general3A_305 = arith.constant dense<0.000000e+00> : vector<512x1xf32>
    %dot_general3A_306 = tpu.matmul %convert_element_type3A_303, %slice3A_304, %dot_general3A_305 {dimension_numbers = #tpu.dot_dimension_numbers<[1], [0], [0], [1], [0, 0, 1, 1], [], []>, transpose_lhs_hint = false} : vector<512x512xf32>, vector<512x1xf32>, vector<512x1xf32> -> vector<512x1xf32>
    %slice3A_307 = vector.extract_strided_slice %xor3A_290 {offsets = [0, 512], sizes = [1, 3584], strides = [1, 1]} : vector<1x4096xi32> to vector<1x3584xi32>
    %gt3A_308 = vector.broadcast %slice3A_307 : vector<1x3584xi32> to vector<512x3584xi32>
    %gt3A_309 = vector.broadcast %slice3A_292 : vector<512x1xi32> to vector<512x3584xi32>
    %gt3A_310 = arith.cmpi sgt, %gt3A_308, %gt3A_309 : vector<512x3584xi32>
    %convert_element_type3A_311 = arith.extui %gt3A_310 : vector<512x3584xi1> to vector<512x3584xi32>
    %convert_element_type3A_312 = arith.sitofp %convert_element_type3A_311 : vector<512x3584xi32> to vector<512x3584xf32>
    %slice3A_313 = vector.extract_strided_slice %broadcast_in_dim3A_0 {offsets = [0, 0], sizes = [3584, 1], strides = [1, 1]} : vector<4096x1xf32> to vector<3584x1xf32>
    %dot_general3A_314 = arith.constant dense<0.000000e+00> : vector<512x1xf32>
    %dot_general3A_315 = tpu.matmul %convert_element_type3A_312, %slice3A_313, %dot_general3A_314 {dimension_numbers = #tpu.dot_dimension_numbers<[1], [0], [0], [1], [0, 0, 1, 1], [], []>, transpose_lhs_hint = false} : vector<512x3584xf32>, vector<3584x1xf32>, vector<512x1xf32> -> vector<512x1xf32>
    %add3A_316 = arith.addf %dot_general3A_306, %dot_general3A_315 : vector<512x1xf32>
    %dot_general3A_317 = arith.constant dense<0.000000e+00> : vector<1x3584xf32>
    %dot_general3A_318 = tpu.matmul %broadcast_in_dim3A_6, %convert_element_type3A_312, %dot_general3A_317 {dimension_numbers = #tpu.dot_dimension_numbers<[1], [0], [0], [1], [0, 0, 1, 1], [], []>, transpose_lhs_hint = false} : vector<1x512xf32>, vector<512x3584xf32>, vector<1x3584xf32> -> vector<1x3584xf32>
    %slice3A_319 = vector.extract_strided_slice %convert_element_type3A_10 {offsets = [0, 0], sizes = [1, 512], strides = [1, 1]} : vector<1x4096xf32> to vector<1x512xf32>
    %slice3A_320 = vector.extract_strided_slice %convert_element_type3A_10 {offsets = [0, 512], sizes = [1, 3584], strides = [1, 1]} : vector<1x4096xf32> to vector<1x3584xf32>
    %sub3A_321 = arith.subf %slice3A_320, %dot_general3A_318 : vector<1x3584xf32>
    %concatenate3A_322 = tpu.concatenate %slice3A_319, %sub3A_321 in 1 : vector<1x512xf32>, vector<1x3584xf32> -> vector<1x4096xf32>
    %slice3A_323 = vector.extract_strided_slice %transpose3A_291 {offsets = [512, 0], sizes = [512, 1], strides = [1, 1]} : vector<4096x1xi32> to vector<512x1xi32>
    %slice3A_324 = vector.extract_strided_slice %xor3A_290 {offsets = [0, 512], sizes = [1, 512], strides = [1, 1]} : vector<1x4096xi32> to vector<1x512xi32>
    %gt3A_325 = vector.broadcast %slice3A_324 : vector<1x512xi32> to vector<512x512xi32>
    %gt3A_326 = vector.broadcast %slice3A_323 : vector<512x1xi32> to vector<512x512xi32>
    %gt3A_327 = arith.cmpi sgt, %gt3A_325, %gt3A_326 : vector<512x512xi32>
    %eq3A_328 = vector.broadcast %slice3A_324 : vector<1x512xi32> to vector<512x512xi32>
    %eq3A_329 = vector.broadcast %slice3A_323 : vector<512x1xi32> to vector<512x512xi32>
    %eq3A_330 = arith.cmpi eq, %eq3A_328, %eq3A_329 : vector<512x512xi32>
    %and3A_331 = arith.andi %eq3A_330, %lt3A : vector<512x512xi1>
    %or3A_332 = arith.ori %gt3A_327, %and3A_331 : vector<512x512xi1>
    %convert_element_type3A_333 = arith.extui %or3A_332 : vector<512x512xi1> to vector<512x512xi32>
    %convert_element_type3A_334 = arith.sitofp %convert_element_type3A_333 : vector<512x512xi32> to vector<512x512xf32>
    %slice3A_335 = vector.extract_strided_slice %broadcast_in_dim3A_0 {offsets = [0, 0], sizes = [512, 1], strides = [1, 1]} : vector<4096x1xf32> to vector<512x1xf32>
    %dot_general3A_336 = arith.constant dense<0.000000e+00> : vector<512x1xf32>
    %dot_general3A_337 = tpu.matmul %convert_element_type3A_334, %slice3A_335, %dot_general3A_336 {dimension_numbers = #tpu.dot_dimension_numbers<[1], [0], [0], [1], [0, 0, 1, 1], [], []>, transpose_lhs_hint = false} : vector<512x512xf32>, vector<512x1xf32>, vector<512x1xf32> -> vector<512x1xf32>
    %slice3A_338 = vector.extract_strided_slice %xor3A_290 {offsets = [0, 1024], sizes = [1, 3072], strides = [1, 1]} : vector<1x4096xi32> to vector<1x3072xi32>
    %gt3A_339 = vector.broadcast %slice3A_338 : vector<1x3072xi32> to vector<512x3072xi32>
    %gt3A_340 = vector.broadcast %slice3A_323 : vector<512x1xi32> to vector<512x3072xi32>
    %gt3A_341 = arith.cmpi sgt, %gt3A_339, %gt3A_340 : vector<512x3072xi32>
    %convert_element_type3A_342 = arith.extui %gt3A_341 : vector<512x3072xi1> to vector<512x3072xi32>
    %convert_element_type3A_343 = arith.sitofp %convert_element_type3A_342 : vector<512x3072xi32> to vector<512x3072xf32>
    %slice3A_344 = vector.extract_strided_slice %broadcast_in_dim3A_0 {offsets = [0, 0], sizes = [3072, 1], strides = [1, 1]} : vector<4096x1xf32> to vector<3072x1xf32>
    %dot_general3A_345 = arith.constant dense<0.000000e+00> : vector<512x1xf32>
    %dot_general3A_346 = tpu.matmul %convert_element_type3A_343, %slice3A_344, %dot_general3A_345 {dimension_numbers = #tpu.dot_dimension_numbers<[1], [0], [0], [1], [0, 0, 1, 1], [], []>, transpose_lhs_hint = false} : vector<512x3072xf32>, vector<3072x1xf32>, vector<512x1xf32> -> vector<512x1xf32>
    %add3A_347 = arith.addf %dot_general3A_337, %dot_general3A_346 : vector<512x1xf32>
    %dot_general3A_348 = arith.constant dense<0.000000e+00> : vector<1x3072xf32>
    %dot_general3A_349 = tpu.matmul %broadcast_in_dim3A_6, %convert_element_type3A_343, %dot_general3A_348 {dimension_numbers = #tpu.dot_dimension_numbers<[1], [0], [0], [1], [0, 0, 1, 1], [], []>, transpose_lhs_hint = false} : vector<1x512xf32>, vector<512x3072xf32>, vector<1x3072xf32> -> vector<1x3072xf32>
    %slice3A_350 = vector.extract_strided_slice %concatenate3A_322 {offsets = [0, 0], sizes = [1, 1024], strides = [1, 1]} : vector<1x4096xf32> to vector<1x1024xf32>
    %slice3A_351 = vector.extract_strided_slice %concatenate3A_322 {offsets = [0, 1024], sizes = [1, 3072], strides = [1, 1]} : vector<1x4096xf32> to vector<1x3072xf32>
    %sub3A_352 = arith.subf %slice3A_351, %dot_general3A_349 : vector<1x3072xf32>
    %concatenate3A_353 = tpu.concatenate %slice3A_350, %sub3A_352 in 1 : vector<1x1024xf32>, vector<1x3072xf32> -> vector<1x4096xf32>
    %slice3A_354 = vector.extract_strided_slice %transpose3A_291 {offsets = [1024, 0], sizes = [512, 1], strides = [1, 1]} : vector<4096x1xi32> to vector<512x1xi32>
    %slice3A_355 = vector.extract_strided_slice %xor3A_290 {offsets = [0, 1024], sizes = [1, 512], strides = [1, 1]} : vector<1x4096xi32> to vector<1x512xi32>
    %gt3A_356 = vector.broadcast %slice3A_355 : vector<1x512xi32> to vector<512x512xi32>
    %gt3A_357 = vector.broadcast %slice3A_354 : vector<512x1xi32> to vector<512x512xi32>
    %gt3A_358 = arith.cmpi sgt, %gt3A_356, %gt3A_357 : vector<512x512xi32>
    %eq3A_359 = vector.broadcast %slice3A_355 : vector<1x512xi32> to vector<512x512xi32>
    %eq3A_360 = vector.broadcast %slice3A_354 : vector<512x1xi32> to vector<512x512xi32>
    %eq3A_361 = arith.cmpi eq, %eq3A_359, %eq3A_360 : vector<512x512xi32>
    %and3A_362 = arith.andi %eq3A_361, %lt3A : vector<512x512xi1>
    %or3A_363 = arith.ori %gt3A_358, %and3A_362 : vector<512x512xi1>
    %convert_element_type3A_364 = arith.extui %or3A_363 : vector<512x512xi1> to vector<512x512xi32>
    %convert_element_type3A_365 = arith.sitofp %convert_element_type3A_364 : vector<512x512xi32> to vector<512x512xf32>
    %slice3A_366 = vector.extract_strided_slice %broadcast_in_dim3A_0 {offsets = [0, 0], sizes = [512, 1], strides = [1, 1]} : vector<4096x1xf32> to vector<512x1xf32>
    %dot_general3A_367 = arith.constant dense<0.000000e+00> : vector<512x1xf32>
    %dot_general3A_368 = tpu.matmul %convert_element_type3A_365, %slice3A_366, %dot_general3A_367 {dimension_numbers = #tpu.dot_dimension_numbers<[1], [0], [0], [1], [0, 0, 1, 1], [], []>, transpose_lhs_hint = false} : vector<512x512xf32>, vector<512x1xf32>, vector<512x1xf32> -> vector<512x1xf32>
    %slice3A_369 = vector.extract_strided_slice %xor3A_290 {offsets = [0, 1536], sizes = [1, 2560], strides = [1, 1]} : vector<1x4096xi32> to vector<1x2560xi32>
    %gt3A_370 = vector.broadcast %slice3A_369 : vector<1x2560xi32> to vector<512x2560xi32>
    %gt3A_371 = vector.broadcast %slice3A_354 : vector<512x1xi32> to vector<512x2560xi32>
    %gt3A_372 = arith.cmpi sgt, %gt3A_370, %gt3A_371 : vector<512x2560xi32>
    %convert_element_type3A_373 = arith.extui %gt3A_372 : vector<512x2560xi1> to vector<512x2560xi32>
    %convert_element_type3A_374 = arith.sitofp %convert_element_type3A_373 : vector<512x2560xi32> to vector<512x2560xf32>
    %slice3A_375 = vector.extract_strided_slice %broadcast_in_dim3A_0 {offsets = [0, 0], sizes = [2560, 1], strides = [1, 1]} : vector<4096x1xf32> to vector<2560x1xf32>
    %dot_general3A_376 = arith.constant dense<0.000000e+00> : vector<512x1xf32>
    %dot_general3A_377 = tpu.matmul %convert_element_type3A_374, %slice3A_375, %dot_general3A_376 {dimension_numbers = #tpu.dot_dimension_numbers<[1], [0], [0], [1], [0, 0, 1, 1], [], []>, transpose_lhs_hint = false} : vector<512x2560xf32>, vector<2560x1xf32>, vector<512x1xf32> -> vector<512x1xf32>
    %add3A_378 = arith.addf %dot_general3A_368, %dot_general3A_377 : vector<512x1xf32>
    %dot_general3A_379 = arith.constant dense<0.000000e+00> : vector<1x2560xf32>
    %dot_general3A_380 = tpu.matmul %broadcast_in_dim3A_6, %convert_element_type3A_374, %dot_general3A_379 {dimension_numbers = #tpu.dot_dimension_numbers<[1], [0], [0], [1], [0, 0, 1, 1], [], []>, transpose_lhs_hint = false} : vector<1x512xf32>, vector<512x2560xf32>, vector<1x2560xf32> -> vector<1x2560xf32>
    %slice3A_381 = vector.extract_strided_slice %concatenate3A_353 {offsets = [0, 0], sizes = [1, 1536], strides = [1, 1]} : vector<1x4096xf32> to vector<1x1536xf32>
    %slice3A_382 = vector.extract_strided_slice %concatenate3A_353 {offsets = [0, 1536], sizes = [1, 2560], strides = [1, 1]} : vector<1x4096xf32> to vector<1x2560xf32>
    %sub3A_383 = arith.subf %slice3A_382, %dot_general3A_380 : vector<1x2560xf32>
    %concatenate3A_384 = tpu.concatenate %slice3A_381, %sub3A_383 in 1 : vector<1x1536xf32>, vector<1x2560xf32> -> vector<1x4096xf32>
    %slice3A_385 = vector.extract_strided_slice %transpose3A_291 {offsets = [1536, 0], sizes = [512, 1], strides = [1, 1]} : vector<4096x1xi32> to vector<512x1xi32>
    %slice3A_386 = vector.extract_strided_slice %xor3A_290 {offsets = [0, 1536], sizes = [1, 512], strides = [1, 1]} : vector<1x4096xi32> to vector<1x512xi32>
    %gt3A_387 = vector.broadcast %slice3A_386 : vector<1x512xi32> to vector<512x512xi32>
    %gt3A_388 = vector.broadcast %slice3A_385 : vector<512x1xi32> to vector<512x512xi32>
    %gt3A_389 = arith.cmpi sgt, %gt3A_387, %gt3A_388 : vector<512x512xi32>
    %eq3A_390 = vector.broadcast %slice3A_386 : vector<1x512xi32> to vector<512x512xi32>
    %eq3A_391 = vector.broadcast %slice3A_385 : vector<512x1xi32> to vector<512x512xi32>
    %eq3A_392 = arith.cmpi eq, %eq3A_390, %eq3A_391 : vector<512x512xi32>
    %and3A_393 = arith.andi %eq3A_392, %lt3A : vector<512x512xi1>
    %or3A_394 = arith.ori %gt3A_389, %and3A_393 : vector<512x512xi1>
    %convert_element_type3A_395 = arith.extui %or3A_394 : vector<512x512xi1> to vector<512x512xi32>
    %convert_element_type3A_396 = arith.sitofp %convert_element_type3A_395 : vector<512x512xi32> to vector<512x512xf32>
    %slice3A_397 = vector.extract_strided_slice %broadcast_in_dim3A_0 {offsets = [0, 0], sizes = [512, 1], strides = [1, 1]} : vector<4096x1xf32> to vector<512x1xf32>
    %dot_general3A_398 = arith.constant dense<0.000000e+00> : vector<512x1xf32>
    %dot_general3A_399 = tpu.matmul %convert_element_type3A_396, %slice3A_397, %dot_general3A_398 {dimension_numbers = #tpu.dot_dimension_numbers<[1], [0], [0], [1], [0, 0, 1, 1], [], []>, transpose_lhs_hint = false} : vector<512x512xf32>, vector<512x1xf32>, vector<512x1xf32> -> vector<512x1xf32>
    %slice3A_400 = vector.extract_strided_slice %xor3A_290 {offsets = [0, 2048], sizes = [1, 2048], strides = [1, 1]} : vector<1x4096xi32> to vector<1x2048xi32>
    %gt3A_401 = vector.broadcast %slice3A_400 : vector<1x2048xi32> to vector<512x2048xi32>
    %gt3A_402 = vector.broadcast %slice3A_385 : vector<512x1xi32> to vector<512x2048xi32>
    %gt3A_403 = arith.cmpi sgt, %gt3A_401, %gt3A_402 : vector<512x2048xi32>
    %convert_element_type3A_404 = arith.extui %gt3A_403 : vector<512x2048xi1> to vector<512x2048xi32>
    %convert_element_type3A_405 = arith.sitofp %convert_element_type3A_404 : vector<512x2048xi32> to vector<512x2048xf32>
    %slice3A_406 = vector.extract_strided_slice %broadcast_in_dim3A_0 {offsets = [0, 0], sizes = [2048, 1], strides = [1, 1]} : vector<4096x1xf32> to vector<2048x1xf32>
    %dot_general3A_407 = arith.constant dense<0.000000e+00> : vector<512x1xf32>
    %dot_general3A_408 = tpu.matmul %convert_element_type3A_405, %slice3A_406, %dot_general3A_407 {dimension_numbers = #tpu.dot_dimension_numbers<[1], [0], [0], [1], [0, 0, 1, 1], [], []>, transpose_lhs_hint = false} : vector<512x2048xf32>, vector<2048x1xf32>, vector<512x1xf32> -> vector<512x1xf32>
    %add3A_409 = arith.addf %dot_general3A_399, %dot_general3A_408 : vector<512x1xf32>
    %dot_general3A_410 = arith.constant dense<0.000000e+00> : vector<1x2048xf32>
    %dot_general3A_411 = tpu.matmul %broadcast_in_dim3A_6, %convert_element_type3A_405, %dot_general3A_410 {dimension_numbers = #tpu.dot_dimension_numbers<[1], [0], [0], [1], [0, 0, 1, 1], [], []>, transpose_lhs_hint = false} : vector<1x512xf32>, vector<512x2048xf32>, vector<1x2048xf32> -> vector<1x2048xf32>
    %slice3A_412 = vector.extract_strided_slice %concatenate3A_384 {offsets = [0, 0], sizes = [1, 2048], strides = [1, 1]} : vector<1x4096xf32> to vector<1x2048xf32>
    %slice3A_413 = vector.extract_strided_slice %concatenate3A_384 {offsets = [0, 2048], sizes = [1, 2048], strides = [1, 1]} : vector<1x4096xf32> to vector<1x2048xf32>
    %sub3A_414 = arith.subf %slice3A_413, %dot_general3A_411 : vector<1x2048xf32>
    %concatenate3A_415 = tpu.concatenate %slice3A_412, %sub3A_414 in 1 : vector<1x2048xf32>, vector<1x2048xf32> -> vector<1x4096xf32>
    %slice3A_416 = vector.extract_strided_slice %transpose3A_291 {offsets = [2048, 0], sizes = [512, 1], strides = [1, 1]} : vector<4096x1xi32> to vector<512x1xi32>
    %slice3A_417 = vector.extract_strided_slice %xor3A_290 {offsets = [0, 2048], sizes = [1, 512], strides = [1, 1]} : vector<1x4096xi32> to vector<1x512xi32>
    %gt3A_418 = vector.broadcast %slice3A_417 : vector<1x512xi32> to vector<512x512xi32>
    %gt3A_419 = vector.broadcast %slice3A_416 : vector<512x1xi32> to vector<512x512xi32>
    %gt3A_420 = arith.cmpi sgt, %gt3A_418, %gt3A_419 : vector<512x512xi32>
    %eq3A_421 = vector.broadcast %slice3A_417 : vector<1x512xi32> to vector<512x512xi32>
    %eq3A_422 = vector.broadcast %slice3A_416 : vector<512x1xi32> to vector<512x512xi32>
    %eq3A_423 = arith.cmpi eq, %eq3A_421, %eq3A_422 : vector<512x512xi32>
    %and3A_424 = arith.andi %eq3A_423, %lt3A : vector<512x512xi1>
    %or3A_425 = arith.ori %gt3A_420, %and3A_424 : vector<512x512xi1>
    %convert_element_type3A_426 = arith.extui %or3A_425 : vector<512x512xi1> to vector<512x512xi32>
    %convert_element_type3A_427 = arith.sitofp %convert_element_type3A_426 : vector<512x512xi32> to vector<512x512xf32>
    %slice3A_428 = vector.extract_strided_slice %broadcast_in_dim3A_0 {offsets = [0, 0], sizes = [512, 1], strides = [1, 1]} : vector<4096x1xf32> to vector<512x1xf32>
    %dot_general3A_429 = arith.constant dense<0.000000e+00> : vector<512x1xf32>
    %dot_general3A_430 = tpu.matmul %convert_element_type3A_427, %slice3A_428, %dot_general3A_429 {dimension_numbers = #tpu.dot_dimension_numbers<[1], [0], [0], [1], [0, 0, 1, 1], [], []>, transpose_lhs_hint = false} : vector<512x512xf32>, vector<512x1xf32>, vector<512x1xf32> -> vector<512x1xf32>
    %slice3A_431 = vector.extract_strided_slice %xor3A_290 {offsets = [0, 2560], sizes = [1, 1536], strides = [1, 1]} : vector<1x4096xi32> to vector<1x1536xi32>
    %gt3A_432 = vector.broadcast %slice3A_431 : vector<1x1536xi32> to vector<512x1536xi32>
    %gt3A_433 = vector.broadcast %slice3A_416 : vector<512x1xi32> to vector<512x1536xi32>
    %gt3A_434 = arith.cmpi sgt, %gt3A_432, %gt3A_433 : vector<512x1536xi32>
    %convert_element_type3A_435 = arith.extui %gt3A_434 : vector<512x1536xi1> to vector<512x1536xi32>
    %convert_element_type3A_436 = arith.sitofp %convert_element_type3A_435 : vector<512x1536xi32> to vector<512x1536xf32>
    %slice3A_437 = vector.extract_strided_slice %broadcast_in_dim3A_0 {offsets = [0, 0], sizes = [1536, 1], strides = [1, 1]} : vector<4096x1xf32> to vector<1536x1xf32>
    %dot_general3A_438 = arith.constant dense<0.000000e+00> : vector<512x1xf32>
    %dot_general3A_439 = tpu.matmul %convert_element_type3A_436, %slice3A_437, %dot_general3A_438 {dimension_numbers = #tpu.dot_dimension_numbers<[1], [0], [0], [1], [0, 0, 1, 1], [], []>, transpose_lhs_hint = false} : vector<512x1536xf32>, vector<1536x1xf32>, vector<512x1xf32> -> vector<512x1xf32>
    %add3A_440 = arith.addf %dot_general3A_430, %dot_general3A_439 : vector<512x1xf32>
    %dot_general3A_441 = arith.constant dense<0.000000e+00> : vector<1x1536xf32>
    %dot_general3A_442 = tpu.matmul %broadcast_in_dim3A_6, %convert_element_type3A_436, %dot_general3A_441 {dimension_numbers = #tpu.dot_dimension_numbers<[1], [0], [0], [1], [0, 0, 1, 1], [], []>, transpose_lhs_hint = false} : vector<1x512xf32>, vector<512x1536xf32>, vector<1x1536xf32> -> vector<1x1536xf32>
    %slice3A_443 = vector.extract_strided_slice %concatenate3A_415 {offsets = [0, 0], sizes = [1, 2560], strides = [1, 1]} : vector<1x4096xf32> to vector<1x2560xf32>
    %slice3A_444 = vector.extract_strided_slice %concatenate3A_415 {offsets = [0, 2560], sizes = [1, 1536], strides = [1, 1]} : vector<1x4096xf32> to vector<1x1536xf32>
    %sub3A_445 = arith.subf %slice3A_444, %dot_general3A_442 : vector<1x1536xf32>
    %concatenate3A_446 = tpu.concatenate %slice3A_443, %sub3A_445 in 1 : vector<1x2560xf32>, vector<1x1536xf32> -> vector<1x4096xf32>
    %slice3A_447 = vector.extract_strided_slice %transpose3A_291 {offsets = [2560, 0], sizes = [512, 1], strides = [1, 1]} : vector<4096x1xi32> to vector<512x1xi32>
    %slice3A_448 = vector.extract_strided_slice %xor3A_290 {offsets = [0, 2560], sizes = [1, 512], strides = [1, 1]} : vector<1x4096xi32> to vector<1x512xi32>
    %gt3A_449 = vector.broadcast %slice3A_448 : vector<1x512xi32> to vector<512x512xi32>
    %gt3A_450 = vector.broadcast %slice3A_447 : vector<512x1xi32> to vector<512x512xi32>
    %gt3A_451 = arith.cmpi sgt, %gt3A_449, %gt3A_450 : vector<512x512xi32>
    %eq3A_452 = vector.broadcast %slice3A_448 : vector<1x512xi32> to vector<512x512xi32>
    %eq3A_453 = vector.broadcast %slice3A_447 : vector<512x1xi32> to vector<512x512xi32>
    %eq3A_454 = arith.cmpi eq, %eq3A_452, %eq3A_453 : vector<512x512xi32>
    %and3A_455 = arith.andi %eq3A_454, %lt3A : vector<512x512xi1>
    %or3A_456 = arith.ori %gt3A_451, %and3A_455 : vector<512x512xi1>
    %convert_element_type3A_457 = arith.extui %or3A_456 : vector<512x512xi1> to vector<512x512xi32>
    %convert_element_type3A_458 = arith.sitofp %convert_element_type3A_457 : vector<512x512xi32> to vector<512x512xf32>
    %slice3A_459 = vector.extract_strided_slice %broadcast_in_dim3A_0 {offsets = [0, 0], sizes = [512, 1], strides = [1, 1]} : vector<4096x1xf32> to vector<512x1xf32>
    %dot_general3A_460 = arith.constant dense<0.000000e+00> : vector<512x1xf32>
    %dot_general3A_461 = tpu.matmul %convert_element_type3A_458, %slice3A_459, %dot_general3A_460 {dimension_numbers = #tpu.dot_dimension_numbers<[1], [0], [0], [1], [0, 0, 1, 1], [], []>, transpose_lhs_hint = false} : vector<512x512xf32>, vector<512x1xf32>, vector<512x1xf32> -> vector<512x1xf32>
    %slice3A_462 = vector.extract_strided_slice %xor3A_290 {offsets = [0, 3072], sizes = [1, 1024], strides = [1, 1]} : vector<1x4096xi32> to vector<1x1024xi32>
    %gt3A_463 = vector.broadcast %slice3A_462 : vector<1x1024xi32> to vector<512x1024xi32>
    %gt3A_464 = vector.broadcast %slice3A_447 : vector<512x1xi32> to vector<512x1024xi32>
    %gt3A_465 = arith.cmpi sgt, %gt3A_463, %gt3A_464 : vector<512x1024xi32>
    %convert_element_type3A_466 = arith.extui %gt3A_465 : vector<512x1024xi1> to vector<512x1024xi32>
    %convert_element_type3A_467 = arith.sitofp %convert_element_type3A_466 : vector<512x1024xi32> to vector<512x1024xf32>
    %slice3A_468 = vector.extract_strided_slice %broadcast_in_dim3A_0 {offsets = [0, 0], sizes = [1024, 1], strides = [1, 1]} : vector<4096x1xf32> to vector<1024x1xf32>
    %dot_general3A_469 = arith.constant dense<0.000000e+00> : vector<512x1xf32>
    %dot_general3A_470 = tpu.matmul %convert_element_type3A_467, %slice3A_468, %dot_general3A_469 {dimension_numbers = #tpu.dot_dimension_numbers<[1], [0], [0], [1], [0, 0, 1, 1], [], []>, transpose_lhs_hint = false} : vector<512x1024xf32>, vector<1024x1xf32>, vector<512x1xf32> -> vector<512x1xf32>
    %add3A_471 = arith.addf %dot_general3A_461, %dot_general3A_470 : vector<512x1xf32>
    %dot_general3A_472 = arith.constant dense<0.000000e+00> : vector<1x1024xf32>
    %dot_general3A_473 = tpu.matmul %broadcast_in_dim3A_6, %convert_element_type3A_467, %dot_general3A_472 {dimension_numbers = #tpu.dot_dimension_numbers<[1], [0], [0], [1], [0, 0, 1, 1], [], []>, transpose_lhs_hint = false} : vector<1x512xf32>, vector<512x1024xf32>, vector<1x1024xf32> -> vector<1x1024xf32>
    %slice3A_474 = vector.extract_strided_slice %concatenate3A_446 {offsets = [0, 0], sizes = [1, 3072], strides = [1, 1]} : vector<1x4096xf32> to vector<1x3072xf32>
    %slice3A_475 = vector.extract_strided_slice %concatenate3A_446 {offsets = [0, 3072], sizes = [1, 1024], strides = [1, 1]} : vector<1x4096xf32> to vector<1x1024xf32>
    %sub3A_476 = arith.subf %slice3A_475, %dot_general3A_473 : vector<1x1024xf32>
    %concatenate3A_477 = tpu.concatenate %slice3A_474, %sub3A_476 in 1 : vector<1x3072xf32>, vector<1x1024xf32> -> vector<1x4096xf32>
    %slice3A_478 = vector.extract_strided_slice %transpose3A_291 {offsets = [3072, 0], sizes = [512, 1], strides = [1, 1]} : vector<4096x1xi32> to vector<512x1xi32>
    %slice3A_479 = vector.extract_strided_slice %xor3A_290 {offsets = [0, 3072], sizes = [1, 512], strides = [1, 1]} : vector<1x4096xi32> to vector<1x512xi32>
    %gt3A_480 = vector.broadcast %slice3A_479 : vector<1x512xi32> to vector<512x512xi32>
    %gt3A_481 = vector.broadcast %slice3A_478 : vector<512x1xi32> to vector<512x512xi32>
    %gt3A_482 = arith.cmpi sgt, %gt3A_480, %gt3A_481 : vector<512x512xi32>
    %eq3A_483 = vector.broadcast %slice3A_479 : vector<1x512xi32> to vector<512x512xi32>
    %eq3A_484 = vector.broadcast %slice3A_478 : vector<512x1xi32> to vector<512x512xi32>
    %eq3A_485 = arith.cmpi eq, %eq3A_483, %eq3A_484 : vector<512x512xi32>
    %and3A_486 = arith.andi %eq3A_485, %lt3A : vector<512x512xi1>
    %or3A_487 = arith.ori %gt3A_482, %and3A_486 : vector<512x512xi1>
    %convert_element_type3A_488 = arith.extui %or3A_487 : vector<512x512xi1> to vector<512x512xi32>
    %convert_element_type3A_489 = arith.sitofp %convert_element_type3A_488 : vector<512x512xi32> to vector<512x512xf32>
    %slice3A_490 = vector.extract_strided_slice %broadcast_in_dim3A_0 {offsets = [0, 0], sizes = [512, 1], strides = [1, 1]} : vector<4096x1xf32> to vector<512x1xf32>
    %dot_general3A_491 = arith.constant dense<0.000000e+00> : vector<512x1xf32>
    %dot_general3A_492 = tpu.matmul %convert_element_type3A_489, %slice3A_490, %dot_general3A_491 {dimension_numbers = #tpu.dot_dimension_numbers<[1], [0], [0], [1], [0, 0, 1, 1], [], []>, transpose_lhs_hint = false} : vector<512x512xf32>, vector<512x1xf32>, vector<512x1xf32> -> vector<512x1xf32>
    %slice3A_493 = vector.extract_strided_slice %xor3A_290 {offsets = [0, 3584], sizes = [1, 512], strides = [1, 1]} : vector<1x4096xi32> to vector<1x512xi32>
    %gt3A_494 = vector.broadcast %slice3A_493 : vector<1x512xi32> to vector<512x512xi32>
    %gt3A_495 = vector.broadcast %slice3A_478 : vector<512x1xi32> to vector<512x512xi32>
    %gt3A_496 = arith.cmpi sgt, %gt3A_494, %gt3A_495 : vector<512x512xi32>
    %convert_element_type3A_497 = arith.extui %gt3A_496 : vector<512x512xi1> to vector<512x512xi32>
    %convert_element_type3A_498 = arith.sitofp %convert_element_type3A_497 : vector<512x512xi32> to vector<512x512xf32>
    %slice3A_499 = vector.extract_strided_slice %broadcast_in_dim3A_0 {offsets = [0, 0], sizes = [512, 1], strides = [1, 1]} : vector<4096x1xf32> to vector<512x1xf32>
    %dot_general3A_500 = arith.constant dense<0.000000e+00> : vector<512x1xf32>
    %dot_general3A_501 = tpu.matmul %convert_element_type3A_498, %slice3A_499, %dot_general3A_500 {dimension_numbers = #tpu.dot_dimension_numbers<[1], [0], [0], [1], [0, 0, 1, 1], [], []>, transpose_lhs_hint = false} : vector<512x512xf32>, vector<512x1xf32>, vector<512x1xf32> -> vector<512x1xf32>
    %add3A_502 = arith.addf %dot_general3A_492, %dot_general3A_501 : vector<512x1xf32>
    %dot_general3A_503 = arith.constant dense<0.000000e+00> : vector<1x512xf32>
    %dot_general3A_504 = tpu.matmul %broadcast_in_dim3A_6, %convert_element_type3A_498, %dot_general3A_503 {dimension_numbers = #tpu.dot_dimension_numbers<[1], [0], [0], [1], [0, 0, 1, 1], [], []>, transpose_lhs_hint = false} : vector<1x512xf32>, vector<512x512xf32>, vector<1x512xf32> -> vector<1x512xf32>
    %slice3A_505 = vector.extract_strided_slice %concatenate3A_477 {offsets = [0, 0], sizes = [1, 3584], strides = [1, 1]} : vector<1x4096xf32> to vector<1x3584xf32>
    %slice3A_506 = vector.extract_strided_slice %concatenate3A_477 {offsets = [0, 3584], sizes = [1, 512], strides = [1, 1]} : vector<1x4096xf32> to vector<1x512xf32>
    %sub3A_507 = arith.subf %slice3A_506, %dot_general3A_504 : vector<1x512xf32>
    %concatenate3A_508 = tpu.concatenate %slice3A_505, %sub3A_507 in 1 : vector<1x3584xf32>, vector<1x512xf32> -> vector<1x4096xf32>
    %slice3A_509 = vector.extract_strided_slice %transpose3A_291 {offsets = [3584, 0], sizes = [512, 1], strides = [1, 1]} : vector<4096x1xi32> to vector<512x1xi32>
    %slice3A_510 = vector.extract_strided_slice %xor3A_290 {offsets = [0, 3584], sizes = [1, 512], strides = [1, 1]} : vector<1x4096xi32> to vector<1x512xi32>
    %gt3A_511 = vector.broadcast %slice3A_510 : vector<1x512xi32> to vector<512x512xi32>
    %gt3A_512 = vector.broadcast %slice3A_509 : vector<512x1xi32> to vector<512x512xi32>
    %gt3A_513 = arith.cmpi sgt, %gt3A_511, %gt3A_512 : vector<512x512xi32>
    %eq3A_514 = vector.broadcast %slice3A_510 : vector<1x512xi32> to vector<512x512xi32>
    %eq3A_515 = vector.broadcast %slice3A_509 : vector<512x1xi32> to vector<512x512xi32>
    %eq3A_516 = arith.cmpi eq, %eq3A_514, %eq3A_515 : vector<512x512xi32>
    %and3A_517 = arith.andi %eq3A_516, %lt3A : vector<512x512xi1>
    %or3A_518 = arith.ori %gt3A_513, %and3A_517 : vector<512x512xi1>
    %convert_element_type3A_519 = arith.extui %or3A_518 : vector<512x512xi1> to vector<512x512xi32>
    %convert_element_type3A_520 = arith.sitofp %convert_element_type3A_519 : vector<512x512xi32> to vector<512x512xf32>
    %slice3A_521 = vector.extract_strided_slice %broadcast_in_dim3A_0 {offsets = [0, 0], sizes = [512, 1], strides = [1, 1]} : vector<4096x1xf32> to vector<512x1xf32>
    %dot_general3A_522 = arith.constant dense<0.000000e+00> : vector<512x1xf32>
    %dot_general3A_523 = tpu.matmul %convert_element_type3A_520, %slice3A_521, %dot_general3A_522 {dimension_numbers = #tpu.dot_dimension_numbers<[1], [0], [0], [1], [0, 0, 1, 1], [], []>, transpose_lhs_hint = false} : vector<512x512xf32>, vector<512x1xf32>, vector<512x1xf32> -> vector<512x1xf32>
    %concatenate3A_524 = tpu.concatenate %add3A_316, %add3A_347, %add3A_378, %add3A_409, %add3A_440, %add3A_471, %add3A_502, %dot_general3A_523 in 0 : vector<512x1xf32>, vector<512x1xf32>, vector<512x1xf32>, vector<512x1xf32>, vector<512x1xf32>, vector<512x1xf32>, vector<512x1xf32>, vector<512x1xf32> -> vector<4096x1xf32>
    %transpose3A_525 = tpu.transpose %concatenate3A_508, [1, 0] : vector<1x4096xf32> -> vector<4096x1xf32>
    %add3A_526 = arith.addf %concatenate3A_524, %transpose3A_525 : vector<4096x1xf32>
    %convert_element_type3A_527 = arith.fptosi %add3A_526 : vector<4096x1xf32> to vector<4096x1xi32>
    %transpose3A_528 = tpu.transpose %convert_element_type3A_527, [1, 0] : vector<4096x1xi32> -> vector<1x4096xi32>
    %shift_right_logical3A_529 = arith.constant 6 : i32
    %shift_right_logical3A_530 = vector.broadcast %shift_right_logical3A_529 : i32 to vector<1x4096xi32>
    %shift_right_logical3A_531 = arith.shrui %transpose3A_528, %shift_right_logical3A_530 : vector<1x4096xi32>
    %eq3A_532 = vector.broadcast %iota3A_1 : vector<32x1xi32> to vector<32x4096xi32>
    %eq3A_533 = vector.broadcast %shift_right_logical3A_531 : vector<1x4096xi32> to vector<32x4096xi32>
    %eq3A_534 = arith.cmpi eq, %eq3A_532, %eq3A_533 : vector<32x4096xi32>
    %convert_element_type3A_535 = arith.extui %eq3A_534 : vector<32x4096xi1> to vector<32x4096xi32>
    %convert_element_type3A_536 = arith.sitofp %convert_element_type3A_535 : vector<32x4096xi32> to vector<32x4096xf32>
    %and3A_537 = arith.constant 63 : i32
    %and3A_538 = vector.broadcast %and3A_537 : i32 to vector<4096x1xi32>
    %and3A_539 = arith.andi %convert_element_type3A_527, %and3A_538 : vector<4096x1xi32>
    %eq3A_540 = vector.broadcast %and3A_539 : vector<4096x1xi32> to vector<4096x64xi32>
    %eq3A_541 = vector.broadcast %iota3A_2 : vector<1x64xi32> to vector<4096x64xi32>
    %eq3A_542 = arith.cmpi eq, %eq3A_540, %eq3A_541 : vector<4096x64xi32>
    %convert_element_type3A_543 = arith.extui %eq3A_542 : vector<4096x64xi1> to vector<4096x64xi32>
    %convert_element_type3A_544 = arith.sitofp %convert_element_type3A_543 : vector<4096x64xi32> to vector<4096x64xf32>
    %mul3A_545 = vector.broadcast %convert_element_type3A : vector<4096x1xf32> to vector<4096x64xf32>
    %mul3A_546 = arith.mulf %convert_element_type3A_544, %mul3A_545 : vector<4096x64xf32>
    %dot_general3A_547 = arith.constant dense<0.000000e+00> : vector<32x64xf32>
    %dot_general3A_548 = tpu.matmul %convert_element_type3A_536, %mul3A_546, %dot_general3A_547 {dimension_numbers = #tpu.dot_dimension_numbers<[1], [0], [0], [1], [0, 0, 1, 1], [], []>, transpose_lhs_hint = false} : vector<32x4096xf32>, vector<4096x64xf32>, vector<32x64xf32> -> vector<32x64xf32>
    %convert_element_type3A_549 = arith.fptosi %dot_general3A_548 : vector<32x64xf32> to vector<32x64xi32>
    %swap3A_550 = arith.constant 1 : index
    %swap3A_551 = arith.constant 0 : index
    %swap3A_552 = arith.constant 0 : index
    %swap3A_553 = vector.load %arg1[%swap3A_550, %swap3A_551, %swap3A_552] : memref<4x32x64xi32, #tpu.memory_space<vmem>>, vector<1x32x64xi32>
    %swap3A_554 = vector.shape_cast %swap3A_553 : vector<1x32x64xi32> to vector<32x64xi32>
    %swap3A_555 = vector.shape_cast %convert_element_type3A_549 : vector<32x64xi32> to vector<1x32x64xi32>
    tpu.vector_store %arg1[%swap3A_550, %swap3A_551, %swap3A_552], %swap3A_555 {strides = array<i32>} : memref<4x32x64xi32, #tpu.memory_space<vmem>>, vector<1x32x64xi32>,
    %add3A_556 = arith.constant 4096 : i32
    %add3A_557 = vector.broadcast %add3A_556 : i32 to vector<32x64xi32>
    %add3A_558 = arith.addi %convert_element_type3A_549, %add3A_557 : vector<32x64xi32>
    %swap3A_559 = arith.constant 1 : index
    %swap3A_560 = arith.constant 0 : index
    %swap3A_561 = arith.constant 0 : index
    %swap3A_562 = vector.load %arg2[%swap3A_559, %swap3A_560, %swap3A_561] : memref<4x32x64xi32, #tpu.memory_space<vmem>>, vector<1x32x64xi32>
    %swap3A_563 = vector.shape_cast %swap3A_562 : vector<1x32x64xi32> to vector<32x64xi32>
    %swap3A_564 = vector.shape_cast %add3A_558 : vector<32x64xi32> to vector<1x32x64xi32>
    tpu.vector_store %arg2[%swap3A_559, %swap3A_560, %swap3A_561], %swap3A_564 {strides = array<i32>} : memref<4x32x64xi32, #tpu.memory_space<vmem>>, vector<1x32x64xi32>,
    %get3A_565 = arith.constant 2 : index
    %get3A_566 = arith.constant 0 : index
    %get3A_567 = vector.load %arg0[%get3A_565, %get3A_566] : memref<4x4096xf32, #tpu.memory_space<vmem>>, vector<1x4096xf32>
    %bitcast_convert_type3A_568 = tpu.bitcast %get3A_567 : vector<1x4096xf32> -> vector<1x4096xi32>
    %shift_right_arithmetic3A_569 = arith.constant 31 : i32
    %shift_right_arithmetic3A_570 = vector.broadcast %shift_right_arithmetic3A_569 : i32 to vector<1x4096xi32>
    %shift_right_arithmetic3A_571 = arith.shrsi %bitcast_convert_type3A_568, %shift_right_arithmetic3A_570 : vector<1x4096xi32>
    %and3A_572 = arith.constant 2147483647 : i32
    %and3A_573 = vector.broadcast %and3A_572 : i32 to vector<1x4096xi32>
    %and3A_574 = arith.andi %shift_right_arithmetic3A_571, %and3A_573 : vector<1x4096xi32>
    %xor3A_575 = arith.xori %bitcast_convert_type3A_568, %and3A_574 : vector<1x4096xi32>
    %transpose3A_576 = tpu.transpose %xor3A_575, [1, 0] : vector<1x4096xi32> -> vector<4096x1xi32>
    %slice3A_577 = vector.extract_strided_slice %transpose3A_576 {offsets = [0, 0], sizes = [512, 1], strides = [1, 1]} : vector<4096x1xi32> to vector<512x1xi32>
    %slice3A_578 = vector.extract_strided_slice %xor3A_575 {offsets = [0, 0], sizes = [1, 512], strides = [1, 1]} : vector<1x4096xi32> to vector<1x512xi32>
    %gt3A_579 = vector.broadcast %slice3A_578 : vector<1x512xi32> to vector<512x512xi32>
    %gt3A_580 = vector.broadcast %slice3A_577 : vector<512x1xi32> to vector<512x512xi32>
    %gt3A_581 = arith.cmpi sgt, %gt3A_579, %gt3A_580 : vector<512x512xi32>
    %eq3A_582 = vector.broadcast %slice3A_578 : vector<1x512xi32> to vector<512x512xi32>
    %eq3A_583 = vector.broadcast %slice3A_577 : vector<512x1xi32> to vector<512x512xi32>
    %eq3A_584 = arith.cmpi eq, %eq3A_582, %eq3A_583 : vector<512x512xi32>
    %and3A_585 = arith.andi %eq3A_584, %lt3A : vector<512x512xi1>
    %or3A_586 = arith.ori %gt3A_581, %and3A_585 : vector<512x512xi1>
    %convert_element_type3A_587 = arith.extui %or3A_586 : vector<512x512xi1> to vector<512x512xi32>
    %convert_element_type3A_588 = arith.sitofp %convert_element_type3A_587 : vector<512x512xi32> to vector<512x512xf32>
    %slice3A_589 = vector.extract_strided_slice %broadcast_in_dim3A_0 {offsets = [0, 0], sizes = [512, 1], strides = [1, 1]} : vector<4096x1xf32> to vector<512x1xf32>
    %dot_general3A_590 = arith.constant dense<0.000000e+00> : vector<512x1xf32>
    %dot_general3A_591 = tpu.matmul %convert_element_type3A_588, %slice3A_589, %dot_general3A_590 {dimension_numbers = #tpu.dot_dimension_numbers<[1], [0], [0], [1], [0, 0, 1, 1], [], []>, transpose_lhs_hint = false} : vector<512x512xf32>, vector<512x1xf32>, vector<512x1xf32> -> vector<512x1xf32>
    %slice3A_592 = vector.extract_strided_slice %xor3A_575 {offsets = [0, 512], sizes = [1, 3584], strides = [1, 1]} : vector<1x4096xi32> to vector<1x3584xi32>
    %gt3A_593 = vector.broadcast %slice3A_592 : vector<1x3584xi32> to vector<512x3584xi32>
    %gt3A_594 = vector.broadcast %slice3A_577 : vector<512x1xi32> to vector<512x3584xi32>
    %gt3A_595 = arith.cmpi sgt, %gt3A_593, %gt3A_594 : vector<512x3584xi32>
    %convert_element_type3A_596 = arith.extui %gt3A_595 : vector<512x3584xi1> to vector<512x3584xi32>
    %convert_element_type3A_597 = arith.sitofp %convert_element_type3A_596 : vector<512x3584xi32> to vector<512x3584xf32>
    %slice3A_598 = vector.extract_strided_slice %broadcast_in_dim3A_0 {offsets = [0, 0], sizes = [3584, 1], strides = [1, 1]} : vector<4096x1xf32> to vector<3584x1xf32>
    %dot_general3A_599 = arith.constant dense<0.000000e+00> : vector<512x1xf32>
    %dot_general3A_600 = tpu.matmul %convert_element_type3A_597, %slice3A_598, %dot_general3A_599 {dimension_numbers = #tpu.dot_dimension_numbers<[1], [0], [0], [1], [0, 0, 1, 1], [], []>, transpose_lhs_hint = false} : vector<512x3584xf32>, vector<3584x1xf32>, vector<512x1xf32> -> vector<512x1xf32>
    %add3A_601 = arith.addf %dot_general3A_591, %dot_general3A_600 : vector<512x1xf32>
    %dot_general3A_602 = arith.constant dense<0.000000e+00> : vector<1x3584xf32>
    %dot_general3A_603 = tpu.matmul %broadcast_in_dim3A_6, %convert_element_type3A_597, %dot_general3A_602 {dimension_numbers = #tpu.dot_dimension_numbers<[1], [0], [0], [1], [0, 0, 1, 1], [], []>, transpose_lhs_hint = false} : vector<1x512xf32>, vector<512x3584xf32>, vector<1x3584xf32> -> vector<1x3584xf32>
    %slice3A_604 = vector.extract_strided_slice %convert_element_type3A_10 {offsets = [0, 0], sizes = [1, 512], strides = [1, 1]} : vector<1x4096xf32> to vector<1x512xf32>
    %slice3A_605 = vector.extract_strided_slice %convert_element_type3A_10 {offsets = [0, 512], sizes = [1, 3584], strides = [1, 1]} : vector<1x4096xf32> to vector<1x3584xf32>
    %sub3A_606 = arith.subf %slice3A_605, %dot_general3A_603 : vector<1x3584xf32>
    %concatenate3A_607 = tpu.concatenate %slice3A_604, %sub3A_606 in 1 : vector<1x512xf32>, vector<1x3584xf32> -> vector<1x4096xf32>
    %slice3A_608 = vector.extract_strided_slice %transpose3A_576 {offsets = [512, 0], sizes = [512, 1], strides = [1, 1]} : vector<4096x1xi32> to vector<512x1xi32>
    %slice3A_609 = vector.extract_strided_slice %xor3A_575 {offsets = [0, 512], sizes = [1, 512], strides = [1, 1]} : vector<1x4096xi32> to vector<1x512xi32>
    %gt3A_610 = vector.broadcast %slice3A_609 : vector<1x512xi32> to vector<512x512xi32>
    %gt3A_611 = vector.broadcast %slice3A_608 : vector<512x1xi32> to vector<512x512xi32>
    %gt3A_612 = arith.cmpi sgt, %gt3A_610, %gt3A_611 : vector<512x512xi32>
    %eq3A_613 = vector.broadcast %slice3A_609 : vector<1x512xi32> to vector<512x512xi32>
    %eq3A_614 = vector.broadcast %slice3A_608 : vector<512x1xi32> to vector<512x512xi32>
    %eq3A_615 = arith.cmpi eq, %eq3A_613, %eq3A_614 : vector<512x512xi32>
    %and3A_616 = arith.andi %eq3A_615, %lt3A : vector<512x512xi1>
    %or3A_617 = arith.ori %gt3A_612, %and3A_616 : vector<512x512xi1>
    %convert_element_type3A_618 = arith.extui %or3A_617 : vector<512x512xi1> to vector<512x512xi32>
    %convert_element_type3A_619 = arith.sitofp %convert_element_type3A_618 : vector<512x512xi32> to vector<512x512xf32>
    %slice3A_620 = vector.extract_strided_slice %broadcast_in_dim3A_0 {offsets = [0, 0], sizes = [512, 1], strides = [1, 1]} : vector<4096x1xf32> to vector<512x1xf32>
    %dot_general3A_621 = arith.constant dense<0.000000e+00> : vector<512x1xf32>
    %dot_general3A_622 = tpu.matmul %convert_element_type3A_619, %slice3A_620, %dot_general3A_621 {dimension_numbers = #tpu.dot_dimension_numbers<[1], [0], [0], [1], [0, 0, 1, 1], [], []>, transpose_lhs_hint = false} : vector<512x512xf32>, vector<512x1xf32>, vector<512x1xf32> -> vector<512x1xf32>
    %slice3A_623 = vector.extract_strided_slice %xor3A_575 {offsets = [0, 1024], sizes = [1, 3072], strides = [1, 1]} : vector<1x4096xi32> to vector<1x3072xi32>
    %gt3A_624 = vector.broadcast %slice3A_623 : vector<1x3072xi32> to vector<512x3072xi32>
    %gt3A_625 = vector.broadcast %slice3A_608 : vector<512x1xi32> to vector<512x3072xi32>
    %gt3A_626 = arith.cmpi sgt, %gt3A_624, %gt3A_625 : vector<512x3072xi32>
    %convert_element_type3A_627 = arith.extui %gt3A_626 : vector<512x3072xi1> to vector<512x3072xi32>
    %convert_element_type3A_628 = arith.sitofp %convert_element_type3A_627 : vector<512x3072xi32> to vector<512x3072xf32>
    %slice3A_629 = vector.extract_strided_slice %broadcast_in_dim3A_0 {offsets = [0, 0], sizes = [3072, 1], strides = [1, 1]} : vector<4096x1xf32> to vector<3072x1xf32>
    %dot_general3A_630 = arith.constant dense<0.000000e+00> : vector<512x1xf32>
    %dot_general3A_631 = tpu.matmul %convert_element_type3A_628, %slice3A_629, %dot_general3A_630 {dimension_numbers = #tpu.dot_dimension_numbers<[1], [0], [0], [1], [0, 0, 1, 1], [], []>, transpose_lhs_hint = false} : vector<512x3072xf32>, vector<3072x1xf32>, vector<512x1xf32> -> vector<512x1xf32>
    %add3A_632 = arith.addf %dot_general3A_622, %dot_general3A_631 : vector<512x1xf32>
    %dot_general3A_633 = arith.constant dense<0.000000e+00> : vector<1x3072xf32>
    %dot_general3A_634 = tpu.matmul %broadcast_in_dim3A_6, %convert_element_type3A_628, %dot_general3A_633 {dimension_numbers = #tpu.dot_dimension_numbers<[1], [0], [0], [1], [0, 0, 1, 1], [], []>, transpose_lhs_hint = false} : vector<1x512xf32>, vector<512x3072xf32>, vector<1x3072xf32> -> vector<1x3072xf32>
    %slice3A_635 = vector.extract_strided_slice %concatenate3A_607 {offsets = [0, 0], sizes = [1, 1024], strides = [1, 1]} : vector<1x4096xf32> to vector<1x1024xf32>
    %slice3A_636 = vector.extract_strided_slice %concatenate3A_607 {offsets = [0, 1024], sizes = [1, 3072], strides = [1, 1]} : vector<1x4096xf32> to vector<1x3072xf32>
    %sub3A_637 = arith.subf %slice3A_636, %dot_general3A_634 : vector<1x3072xf32>
    %concatenate3A_638 = tpu.concatenate %slice3A_635, %sub3A_637 in 1 : vector<1x1024xf32>, vector<1x3072xf32> -> vector<1x4096xf32>
    %slice3A_639 = vector.extract_strided_slice %transpose3A_576 {offsets = [1024, 0], sizes = [512, 1], strides = [1, 1]} : vector<4096x1xi32> to vector<512x1xi32>
    %slice3A_640 = vector.extract_strided_slice %xor3A_575 {offsets = [0, 1024], sizes = [1, 512], strides = [1, 1]} : vector<1x4096xi32> to vector<1x512xi32>
    %gt3A_641 = vector.broadcast %slice3A_640 : vector<1x512xi32> to vector<512x512xi32>
    %gt3A_642 = vector.broadcast %slice3A_639 : vector<512x1xi32> to vector<512x512xi32>
    %gt3A_643 = arith.cmpi sgt, %gt3A_641, %gt3A_642 : vector<512x512xi32>
    %eq3A_644 = vector.broadcast %slice3A_640 : vector<1x512xi32> to vector<512x512xi32>
    %eq3A_645 = vector.broadcast %slice3A_639 : vector<512x1xi32> to vector<512x512xi32>
    %eq3A_646 = arith.cmpi eq, %eq3A_644, %eq3A_645 : vector<512x512xi32>
    %and3A_647 = arith.andi %eq3A_646, %lt3A : vector<512x512xi1>
    %or3A_648 = arith.ori %gt3A_643, %and3A_647 : vector<512x512xi1>
    %convert_element_type3A_649 = arith.extui %or3A_648 : vector<512x512xi1> to vector<512x512xi32>
    %convert_element_type3A_650 = arith.sitofp %convert_element_type3A_649 : vector<512x512xi32> to vector<512x512xf32>
    %slice3A_651 = vector.extract_strided_slice %broadcast_in_dim3A_0 {offsets = [0, 0], sizes = [512, 1], strides = [1, 1]} : vector<4096x1xf32> to vector<512x1xf32>
    %dot_general3A_652 = arith.constant dense<0.000000e+00> : vector<512x1xf32>
    %dot_general3A_653 = tpu.matmul %convert_element_type3A_650, %slice3A_651, %dot_general3A_652 {dimension_numbers = #tpu.dot_dimension_numbers<[1], [0], [0], [1], [0, 0, 1, 1], [], []>, transpose_lhs_hint = false} : vector<512x512xf32>, vector<512x1xf32>, vector<512x1xf32> -> vector<512x1xf32>
    %slice3A_654 = vector.extract_strided_slice %xor3A_575 {offsets = [0, 1536], sizes = [1, 2560], strides = [1, 1]} : vector<1x4096xi32> to vector<1x2560xi32>
    %gt3A_655 = vector.broadcast %slice3A_654 : vector<1x2560xi32> to vector<512x2560xi32>
    %gt3A_656 = vector.broadcast %slice3A_639 : vector<512x1xi32> to vector<512x2560xi32>
    %gt3A_657 = arith.cmpi sgt, %gt3A_655, %gt3A_656 : vector<512x2560xi32>
    %convert_element_type3A_658 = arith.extui %gt3A_657 : vector<512x2560xi1> to vector<512x2560xi32>
    %convert_element_type3A_659 = arith.sitofp %convert_element_type3A_658 : vector<512x2560xi32> to vector<512x2560xf32>
    %slice3A_660 = vector.extract_strided_slice %broadcast_in_dim3A_0 {offsets = [0, 0], sizes = [2560, 1], strides = [1, 1]} : vector<4096x1xf32> to vector<2560x1xf32>
    %dot_general3A_661 = arith.constant dense<0.000000e+00> : vector<512x1xf32>
    %dot_general3A_662 = tpu.matmul %convert_element_type3A_659, %slice3A_660, %dot_general3A_661 {dimension_numbers = #tpu.dot_dimension_numbers<[1], [0], [0], [1], [0, 0, 1, 1], [], []>, transpose_lhs_hint = false} : vector<512x2560xf32>, vector<2560x1xf32>, vector<512x1xf32> -> vector<512x1xf32>
    %add3A_663 = arith.addf %dot_general3A_653, %dot_general3A_662 : vector<512x1xf32>
    %dot_general3A_664 = arith.constant dense<0.000000e+00> : vector<1x2560xf32>
    %dot_general3A_665 = tpu.matmul %broadcast_in_dim3A_6, %convert_element_type3A_659, %dot_general3A_664 {dimension_numbers = #tpu.dot_dimension_numbers<[1], [0], [0], [1], [0, 0, 1, 1], [], []>, transpose_lhs_hint = false} : vector<1x512xf32>, vector<512x2560xf32>, vector<1x2560xf32> -> vector<1x2560xf32>
    %slice3A_666 = vector.extract_strided_slice %concatenate3A_638 {offsets = [0, 0], sizes = [1, 1536], strides = [1, 1]} : vector<1x4096xf32> to vector<1x1536xf32>
    %slice3A_667 = vector.extract_strided_slice %concatenate3A_638 {offsets = [0, 1536], sizes = [1, 2560], strides = [1, 1]} : vector<1x4096xf32> to vector<1x2560xf32>
    %sub3A_668 = arith.subf %slice3A_667, %dot_general3A_665 : vector<1x2560xf32>
    %concatenate3A_669 = tpu.concatenate %slice3A_666, %sub3A_668 in 1 : vector<1x1536xf32>, vector<1x2560xf32> -> vector<1x4096xf32>
    %slice3A_670 = vector.extract_strided_slice %transpose3A_576 {offsets = [1536, 0], sizes = [512, 1], strides = [1, 1]} : vector<4096x1xi32> to vector<512x1xi32>
    %slice3A_671 = vector.extract_strided_slice %xor3A_575 {offsets = [0, 1536], sizes = [1, 512], strides = [1, 1]} : vector<1x4096xi32> to vector<1x512xi32>
    %gt3A_672 = vector.broadcast %slice3A_671 : vector<1x512xi32> to vector<512x512xi32>
    %gt3A_673 = vector.broadcast %slice3A_670 : vector<512x1xi32> to vector<512x512xi32>
    %gt3A_674 = arith.cmpi sgt, %gt3A_672, %gt3A_673 : vector<512x512xi32>
    %eq3A_675 = vector.broadcast %slice3A_671 : vector<1x512xi32> to vector<512x512xi32>
    %eq3A_676 = vector.broadcast %slice3A_670 : vector<512x1xi32> to vector<512x512xi32>
    %eq3A_677 = arith.cmpi eq, %eq3A_675, %eq3A_676 : vector<512x512xi32>
    %and3A_678 = arith.andi %eq3A_677, %lt3A : vector<512x512xi1>
    %or3A_679 = arith.ori %gt3A_674, %and3A_678 : vector<512x512xi1>
    %convert_element_type3A_680 = arith.extui %or3A_679 : vector<512x512xi1> to vector<512x512xi32>
    %convert_element_type3A_681 = arith.sitofp %convert_element_type3A_680 : vector<512x512xi32> to vector<512x512xf32>
    %slice3A_682 = vector.extract_strided_slice %broadcast_in_dim3A_0 {offsets = [0, 0], sizes = [512, 1], strides = [1, 1]} : vector<4096x1xf32> to vector<512x1xf32>
    %dot_general3A_683 = arith.constant dense<0.000000e+00> : vector<512x1xf32>
    %dot_general3A_684 = tpu.matmul %convert_element_type3A_681, %slice3A_682, %dot_general3A_683 {dimension_numbers = #tpu.dot_dimension_numbers<[1], [0], [0], [1], [0, 0, 1, 1], [], []>, transpose_lhs_hint = false} : vector<512x512xf32>, vector<512x1xf32>, vector<512x1xf32> -> vector<512x1xf32>
    %slice3A_685 = vector.extract_strided_slice %xor3A_575 {offsets = [0, 2048], sizes = [1, 2048], strides = [1, 1]} : vector<1x4096xi32> to vector<1x2048xi32>
    %gt3A_686 = vector.broadcast %slice3A_685 : vector<1x2048xi32> to vector<512x2048xi32>
    %gt3A_687 = vector.broadcast %slice3A_670 : vector<512x1xi32> to vector<512x2048xi32>
    %gt3A_688 = arith.cmpi sgt, %gt3A_686, %gt3A_687 : vector<512x2048xi32>
    %convert_element_type3A_689 = arith.extui %gt3A_688 : vector<512x2048xi1> to vector<512x2048xi32>
    %convert_element_type3A_690 = arith.sitofp %convert_element_type3A_689 : vector<512x2048xi32> to vector<512x2048xf32>
    %slice3A_691 = vector.extract_strided_slice %broadcast_in_dim3A_0 {offsets = [0, 0], sizes = [2048, 1], strides = [1, 1]} : vector<4096x1xf32> to vector<2048x1xf32>
    %dot_general3A_692 = arith.constant dense<0.000000e+00> : vector<512x1xf32>
    %dot_general3A_693 = tpu.matmul %convert_element_type3A_690, %slice3A_691, %dot_general3A_692 {dimension_numbers = #tpu.dot_dimension_numbers<[1], [0], [0], [1], [0, 0, 1, 1], [], []>, transpose_lhs_hint = false} : vector<512x2048xf32>, vector<2048x1xf32>, vector<512x1xf32> -> vector<512x1xf32>
    %add3A_694 = arith.addf %dot_general3A_684, %dot_general3A_693 : vector<512x1xf32>
    %dot_general3A_695 = arith.constant dense<0.000000e+00> : vector<1x2048xf32>
    %dot_general3A_696 = tpu.matmul %broadcast_in_dim3A_6, %convert_element_type3A_690, %dot_general3A_695 {dimension_numbers = #tpu.dot_dimension_numbers<[1], [0], [0], [1], [0, 0, 1, 1], [], []>, transpose_lhs_hint = false} : vector<1x512xf32>, vector<512x2048xf32>, vector<1x2048xf32> -> vector<1x2048xf32>
    %slice3A_697 = vector.extract_strided_slice %concatenate3A_669 {offsets = [0, 0], sizes = [1, 2048], strides = [1, 1]} : vector<1x4096xf32> to vector<1x2048xf32>
    %slice3A_698 = vector.extract_strided_slice %concatenate3A_669 {offsets = [0, 2048], sizes = [1, 2048], strides = [1, 1]} : vector<1x4096xf32> to vector<1x2048xf32>
    %sub3A_699 = arith.subf %slice3A_698, %dot_general3A_696 : vector<1x2048xf32>
    %concatenate3A_700 = tpu.concatenate %slice3A_697, %sub3A_699 in 1 : vector<1x2048xf32>, vector<1x2048xf32> -> vector<1x4096xf32>
    %slice3A_701 = vector.extract_strided_slice %transpose3A_576 {offsets = [2048, 0], sizes = [512, 1], strides = [1, 1]} : vector<4096x1xi32> to vector<512x1xi32>
    %slice3A_702 = vector.extract_strided_slice %xor3A_575 {offsets = [0, 2048], sizes = [1, 512], strides = [1, 1]} : vector<1x4096xi32> to vector<1x512xi32>
    %gt3A_703 = vector.broadcast %slice3A_702 : vector<1x512xi32> to vector<512x512xi32>
    %gt3A_704 = vector.broadcast %slice3A_701 : vector<512x1xi32> to vector<512x512xi32>
    %gt3A_705 = arith.cmpi sgt, %gt3A_703, %gt3A_704 : vector<512x512xi32>
    %eq3A_706 = vector.broadcast %slice3A_702 : vector<1x512xi32> to vector<512x512xi32>
    %eq3A_707 = vector.broadcast %slice3A_701 : vector<512x1xi32> to vector<512x512xi32>
    %eq3A_708 = arith.cmpi eq, %eq3A_706, %eq3A_707 : vector<512x512xi32>
    %and3A_709 = arith.andi %eq3A_708, %lt3A : vector<512x512xi1>
    %or3A_710 = arith.ori %gt3A_705, %and3A_709 : vector<512x512xi1>
    %convert_element_type3A_711 = arith.extui %or3A_710 : vector<512x512xi1> to vector<512x512xi32>
    %convert_element_type3A_712 = arith.sitofp %convert_element_type3A_711 : vector<512x512xi32> to vector<512x512xf32>
    %slice3A_713 = vector.extract_strided_slice %broadcast_in_dim3A_0 {offsets = [0, 0], sizes = [512, 1], strides = [1, 1]} : vector<4096x1xf32> to vector<512x1xf32>
    %dot_general3A_714 = arith.constant dense<0.000000e+00> : vector<512x1xf32>
    %dot_general3A_715 = tpu.matmul %convert_element_type3A_712, %slice3A_713, %dot_general3A_714 {dimension_numbers = #tpu.dot_dimension_numbers<[1], [0], [0], [1], [0, 0, 1, 1], [], []>, transpose_lhs_hint = false} : vector<512x512xf32>, vector<512x1xf32>, vector<512x1xf32> -> vector<512x1xf32>
    %slice3A_716 = vector.extract_strided_slice %xor3A_575 {offsets = [0, 2560], sizes = [1, 1536], strides = [1, 1]} : vector<1x4096xi32> to vector<1x1536xi32>
    %gt3A_717 = vector.broadcast %slice3A_716 : vector<1x1536xi32> to vector<512x1536xi32>
    %gt3A_718 = vector.broadcast %slice3A_701 : vector<512x1xi32> to vector<512x1536xi32>
    %gt3A_719 = arith.cmpi sgt, %gt3A_717, %gt3A_718 : vector<512x1536xi32>
    %convert_element_type3A_720 = arith.extui %gt3A_719 : vector<512x1536xi1> to vector<512x1536xi32>
    %convert_element_type3A_721 = arith.sitofp %convert_element_type3A_720 : vector<512x1536xi32> to vector<512x1536xf32>
    %slice3A_722 = vector.extract_strided_slice %broadcast_in_dim3A_0 {offsets = [0, 0], sizes = [1536, 1], strides = [1, 1]} : vector<4096x1xf32> to vector<1536x1xf32>
    %dot_general3A_723 = arith.constant dense<0.000000e+00> : vector<512x1xf32>
    %dot_general3A_724 = tpu.matmul %convert_element_type3A_721, %slice3A_722, %dot_general3A_723 {dimension_numbers = #tpu.dot_dimension_numbers<[1], [0], [0], [1], [0, 0, 1, 1], [], []>, transpose_lhs_hint = false} : vector<512x1536xf32>, vector<1536x1xf32>, vector<512x1xf32> -> vector<512x1xf32>
    %add3A_725 = arith.addf %dot_general3A_715, %dot_general3A_724 : vector<512x1xf32>
    %dot_general3A_726 = arith.constant dense<0.000000e+00> : vector<1x1536xf32>
    %dot_general3A_727 = tpu.matmul %broadcast_in_dim3A_6, %convert_element_type3A_721, %dot_general3A_726 {dimension_numbers = #tpu.dot_dimension_numbers<[1], [0], [0], [1], [0, 0, 1, 1], [], []>, transpose_lhs_hint = false} : vector<1x512xf32>, vector<512x1536xf32>, vector<1x1536xf32> -> vector<1x1536xf32>
    %slice3A_728 = vector.extract_strided_slice %concatenate3A_700 {offsets = [0, 0], sizes = [1, 2560], strides = [1, 1]} : vector<1x4096xf32> to vector<1x2560xf32>
    %slice3A_729 = vector.extract_strided_slice %concatenate3A_700 {offsets = [0, 2560], sizes = [1, 1536], strides = [1, 1]} : vector<1x4096xf32> to vector<1x1536xf32>
    %sub3A_730 = arith.subf %slice3A_729, %dot_general3A_727 : vector<1x1536xf32>
    %concatenate3A_731 = tpu.concatenate %slice3A_728, %sub3A_730 in 1 : vector<1x2560xf32>, vector<1x1536xf32> -> vector<1x4096xf32>
    %slice3A_732 = vector.extract_strided_slice %transpose3A_576 {offsets = [2560, 0], sizes = [512, 1], strides = [1, 1]} : vector<4096x1xi32> to vector<512x1xi32>
    %slice3A_733 = vector.extract_strided_slice %xor3A_575 {offsets = [0, 2560], sizes = [1, 512], strides = [1, 1]} : vector<1x4096xi32> to vector<1x512xi32>
    %gt3A_734 = vector.broadcast %slice3A_733 : vector<1x512xi32> to vector<512x512xi32>
    %gt3A_735 = vector.broadcast %slice3A_732 : vector<512x1xi32> to vector<512x512xi32>
    %gt3A_736 = arith.cmpi sgt, %gt3A_734, %gt3A_735 : vector<512x512xi32>
    %eq3A_737 = vector.broadcast %slice3A_733 : vector<1x512xi32> to vector<512x512xi32>
    %eq3A_738 = vector.broadcast %slice3A_732 : vector<512x1xi32> to vector<512x512xi32>
    %eq3A_739 = arith.cmpi eq, %eq3A_737, %eq3A_738 : vector<512x512xi32>
    %and3A_740 = arith.andi %eq3A_739, %lt3A : vector<512x512xi1>
    %or3A_741 = arith.ori %gt3A_736, %and3A_740 : vector<512x512xi1>
    %convert_element_type3A_742 = arith.extui %or3A_741 : vector<512x512xi1> to vector<512x512xi32>
    %convert_element_type3A_743 = arith.sitofp %convert_element_type3A_742 : vector<512x512xi32> to vector<512x512xf32>
    %slice3A_744 = vector.extract_strided_slice %broadcast_in_dim3A_0 {offsets = [0, 0], sizes = [512, 1], strides = [1, 1]} : vector<4096x1xf32> to vector<512x1xf32>
    %dot_general3A_745 = arith.constant dense<0.000000e+00> : vector<512x1xf32>
    %dot_general3A_746 = tpu.matmul %convert_element_type3A_743, %slice3A_744, %dot_general3A_745 {dimension_numbers = #tpu.dot_dimension_numbers<[1], [0], [0], [1], [0, 0, 1, 1], [], []>, transpose_lhs_hint = false} : vector<512x512xf32>, vector<512x1xf32>, vector<512x1xf32> -> vector<512x1xf32>
    %slice3A_747 = vector.extract_strided_slice %xor3A_575 {offsets = [0, 3072], sizes = [1, 1024], strides = [1, 1]} : vector<1x4096xi32> to vector<1x1024xi32>
    %gt3A_748 = vector.broadcast %slice3A_747 : vector<1x1024xi32> to vector<512x1024xi32>
    %gt3A_749 = vector.broadcast %slice3A_732 : vector<512x1xi32> to vector<512x1024xi32>
    %gt3A_750 = arith.cmpi sgt, %gt3A_748, %gt3A_749 : vector<512x1024xi32>
    %convert_element_type3A_751 = arith.extui %gt3A_750 : vector<512x1024xi1> to vector<512x1024xi32>
    %convert_element_type3A_752 = arith.sitofp %convert_element_type3A_751 : vector<512x1024xi32> to vector<512x1024xf32>
    %slice3A_753 = vector.extract_strided_slice %broadcast_in_dim3A_0 {offsets = [0, 0], sizes = [1024, 1], strides = [1, 1]} : vector<4096x1xf32> to vector<1024x1xf32>
    %dot_general3A_754 = arith.constant dense<0.000000e+00> : vector<512x1xf32>
    %dot_general3A_755 = tpu.matmul %convert_element_type3A_752, %slice3A_753, %dot_general3A_754 {dimension_numbers = #tpu.dot_dimension_numbers<[1], [0], [0], [1], [0, 0, 1, 1], [], []>, transpose_lhs_hint = false} : vector<512x1024xf32>, vector<1024x1xf32>, vector<512x1xf32> -> vector<512x1xf32>
    %add3A_756 = arith.addf %dot_general3A_746, %dot_general3A_755 : vector<512x1xf32>
    %dot_general3A_757 = arith.constant dense<0.000000e+00> : vector<1x1024xf32>
    %dot_general3A_758 = tpu.matmul %broadcast_in_dim3A_6, %convert_element_type3A_752, %dot_general3A_757 {dimension_numbers = #tpu.dot_dimension_numbers<[1], [0], [0], [1], [0, 0, 1, 1], [], []>, transpose_lhs_hint = false} : vector<1x512xf32>, vector<512x1024xf32>, vector<1x1024xf32> -> vector<1x1024xf32>
    %slice3A_759 = vector.extract_strided_slice %concatenate3A_731 {offsets = [0, 0], sizes = [1, 3072], strides = [1, 1]} : vector<1x4096xf32> to vector<1x3072xf32>
    %slice3A_760 = vector.extract_strided_slice %concatenate3A_731 {offsets = [0, 3072], sizes = [1, 1024], strides = [1, 1]} : vector<1x4096xf32> to vector<1x1024xf32>
    %sub3A_761 = arith.subf %slice3A_760, %dot_general3A_758 : vector<1x1024xf32>
    %concatenate3A_762 = tpu.concatenate %slice3A_759, %sub3A_761 in 1 : vector<1x3072xf32>, vector<1x1024xf32> -> vector<1x4096xf32>
    %slice3A_763 = vector.extract_strided_slice %transpose3A_576 {offsets = [3072, 0], sizes = [512, 1], strides = [1, 1]} : vector<4096x1xi32> to vector<512x1xi32>
    %slice3A_764 = vector.extract_strided_slice %xor3A_575 {offsets = [0, 3072], sizes = [1, 512], strides = [1, 1]} : vector<1x4096xi32> to vector<1x512xi32>
    %gt3A_765 = vector.broadcast %slice3A_764 : vector<1x512xi32> to vector<512x512xi32>
    %gt3A_766 = vector.broadcast %slice3A_763 : vector<512x1xi32> to vector<512x512xi32>
    %gt3A_767 = arith.cmpi sgt, %gt3A_765, %gt3A_766 : vector<512x512xi32>
    %eq3A_768 = vector.broadcast %slice3A_764 : vector<1x512xi32> to vector<512x512xi32>
    %eq3A_769 = vector.broadcast %slice3A_763 : vector<512x1xi32> to vector<512x512xi32>
    %eq3A_770 = arith.cmpi eq, %eq3A_768, %eq3A_769 : vector<512x512xi32>
    %and3A_771 = arith.andi %eq3A_770, %lt3A : vector<512x512xi1>
    %or3A_772 = arith.ori %gt3A_767, %and3A_771 : vector<512x512xi1>
    %convert_element_type3A_773 = arith.extui %or3A_772 : vector<512x512xi1> to vector<512x512xi32>
    %convert_element_type3A_774 = arith.sitofp %convert_element_type3A_773 : vector<512x512xi32> to vector<512x512xf32>
    %slice3A_775 = vector.extract_strided_slice %broadcast_in_dim3A_0 {offsets = [0, 0], sizes = [512, 1], strides = [1, 1]} : vector<4096x1xf32> to vector<512x1xf32>
    %dot_general3A_776 = arith.constant dense<0.000000e+00> : vector<512x1xf32>
    %dot_general3A_777 = tpu.matmul %convert_element_type3A_774, %slice3A_775, %dot_general3A_776 {dimension_numbers = #tpu.dot_dimension_numbers<[1], [0], [0], [1], [0, 0, 1, 1], [], []>, transpose_lhs_hint = false} : vector<512x512xf32>, vector<512x1xf32>, vector<512x1xf32> -> vector<512x1xf32>
    %slice3A_778 = vector.extract_strided_slice %xor3A_575 {offsets = [0, 3584], sizes = [1, 512], strides = [1, 1]} : vector<1x4096xi32> to vector<1x512xi32>
    %gt3A_779 = vector.broadcast %slice3A_778 : vector<1x512xi32> to vector<512x512xi32>
    %gt3A_780 = vector.broadcast %slice3A_763 : vector<512x1xi32> to vector<512x512xi32>
    %gt3A_781 = arith.cmpi sgt, %gt3A_779, %gt3A_780 : vector<512x512xi32>
    %convert_element_type3A_782 = arith.extui %gt3A_781 : vector<512x512xi1> to vector<512x512xi32>
    %convert_element_type3A_783 = arith.sitofp %convert_element_type3A_782 : vector<512x512xi32> to vector<512x512xf32>
    %slice3A_784 = vector.extract_strided_slice %broadcast_in_dim3A_0 {offsets = [0, 0], sizes = [512, 1], strides = [1, 1]} : vector<4096x1xf32> to vector<512x1xf32>
    %dot_general3A_785 = arith.constant dense<0.000000e+00> : vector<512x1xf32>
    %dot_general3A_786 = tpu.matmul %convert_element_type3A_783, %slice3A_784, %dot_general3A_785 {dimension_numbers = #tpu.dot_dimension_numbers<[1], [0], [0], [1], [0, 0, 1, 1], [], []>, transpose_lhs_hint = false} : vector<512x512xf32>, vector<512x1xf32>, vector<512x1xf32> -> vector<512x1xf32>
    %add3A_787 = arith.addf %dot_general3A_777, %dot_general3A_786 : vector<512x1xf32>
    %dot_general3A_788 = arith.constant dense<0.000000e+00> : vector<1x512xf32>
    %dot_general3A_789 = tpu.matmul %broadcast_in_dim3A_6, %convert_element_type3A_783, %dot_general3A_788 {dimension_numbers = #tpu.dot_dimension_numbers<[1], [0], [0], [1], [0, 0, 1, 1], [], []>, transpose_lhs_hint = false} : vector<1x512xf32>, vector<512x512xf32>, vector<1x512xf32> -> vector<1x512xf32>
    %slice3A_790 = vector.extract_strided_slice %concatenate3A_762 {offsets = [0, 0], sizes = [1, 3584], strides = [1, 1]} : vector<1x4096xf32> to vector<1x3584xf32>
    %slice3A_791 = vector.extract_strided_slice %concatenate3A_762 {offsets = [0, 3584], sizes = [1, 512], strides = [1, 1]} : vector<1x4096xf32> to vector<1x512xf32>
    %sub3A_792 = arith.subf %slice3A_791, %dot_general3A_789 : vector<1x512xf32>
    %concatenate3A_793 = tpu.concatenate %slice3A_790, %sub3A_792 in 1 : vector<1x3584xf32>, vector<1x512xf32> -> vector<1x4096xf32>
    %slice3A_794 = vector.extract_strided_slice %transpose3A_576 {offsets = [3584, 0], sizes = [512, 1], strides = [1, 1]} : vector<4096x1xi32> to vector<512x1xi32>
    %slice3A_795 = vector.extract_strided_slice %xor3A_575 {offsets = [0, 3584], sizes = [1, 512], strides = [1, 1]} : vector<1x4096xi32> to vector<1x512xi32>
    %gt3A_796 = vector.broadcast %slice3A_795 : vector<1x512xi32> to vector<512x512xi32>
    %gt3A_797 = vector.broadcast %slice3A_794 : vector<512x1xi32> to vector<512x512xi32>
    %gt3A_798 = arith.cmpi sgt, %gt3A_796, %gt3A_797 : vector<512x512xi32>
    %eq3A_799 = vector.broadcast %slice3A_795 : vector<1x512xi32> to vector<512x512xi32>
    %eq3A_800 = vector.broadcast %slice3A_794 : vector<512x1xi32> to vector<512x512xi32>
    %eq3A_801 = arith.cmpi eq, %eq3A_799, %eq3A_800 : vector<512x512xi32>
    %and3A_802 = arith.andi %eq3A_801, %lt3A : vector<512x512xi1>
    %or3A_803 = arith.ori %gt3A_798, %and3A_802 : vector<512x512xi1>
    %convert_element_type3A_804 = arith.extui %or3A_803 : vector<512x512xi1> to vector<512x512xi32>
    %convert_element_type3A_805 = arith.sitofp %convert_element_type3A_804 : vector<512x512xi32> to vector<512x512xf32>
    %slice3A_806 = vector.extract_strided_slice %broadcast_in_dim3A_0 {offsets = [0, 0], sizes = [512, 1], strides = [1, 1]} : vector<4096x1xf32> to vector<512x1xf32>
    %dot_general3A_807 = arith.constant dense<0.000000e+00> : vector<512x1xf32>
    %dot_general3A_808 = tpu.matmul %convert_element_type3A_805, %slice3A_806, %dot_general3A_807 {dimension_numbers = #tpu.dot_dimension_numbers<[1], [0], [0], [1], [0, 0, 1, 1], [], []>, transpose_lhs_hint = false} : vector<512x512xf32>, vector<512x1xf32>, vector<512x1xf32> -> vector<512x1xf32>
    %concatenate3A_809 = tpu.concatenate %add3A_601, %add3A_632, %add3A_663, %add3A_694, %add3A_725, %add3A_756, %add3A_787, %dot_general3A_808 in 0 : vector<512x1xf32>, vector<512x1xf32>, vector<512x1xf32>, vector<512x1xf32>, vector<512x1xf32>, vector<512x1xf32>, vector<512x1xf32>, vector<512x1xf32> -> vector<4096x1xf32>
    %transpose3A_810 = tpu.transpose %concatenate3A_793, [1, 0] : vector<1x4096xf32> -> vector<4096x1xf32>
    %add3A_811 = arith.addf %concatenate3A_809, %transpose3A_810 : vector<4096x1xf32>
    %convert_element_type3A_812 = arith.fptosi %add3A_811 : vector<4096x1xf32> to vector<4096x1xi32>
    %transpose3A_813 = tpu.transpose %convert_element_type3A_812, [1, 0] : vector<4096x1xi32> -> vector<1x4096xi32>
    %shift_right_logical3A_814 = arith.constant 6 : i32
    %shift_right_logical3A_815 = vector.broadcast %shift_right_logical3A_814 : i32 to vector<1x4096xi32>
    %shift_right_logical3A_816 = arith.shrui %transpose3A_813, %shift_right_logical3A_815 : vector<1x4096xi32>
    %eq3A_817 = vector.broadcast %iota3A_1 : vector<32x1xi32> to vector<32x4096xi32>
    %eq3A_818 = vector.broadcast %shift_right_logical3A_816 : vector<1x4096xi32> to vector<32x4096xi32>
    %eq3A_819 = arith.cmpi eq, %eq3A_817, %eq3A_818 : vector<32x4096xi32>
    %convert_element_type3A_820 = arith.extui %eq3A_819 : vector<32x4096xi1> to vector<32x4096xi32>
    %convert_element_type3A_821 = arith.sitofp %convert_element_type3A_820 : vector<32x4096xi32> to vector<32x4096xf32>
    %and3A_822 = arith.constant 63 : i32
    %and3A_823 = vector.broadcast %and3A_822 : i32 to vector<4096x1xi32>
    %and3A_824 = arith.andi %convert_element_type3A_812, %and3A_823 : vector<4096x1xi32>
    %eq3A_825 = vector.broadcast %and3A_824 : vector<4096x1xi32> to vector<4096x64xi32>
    %eq3A_826 = vector.broadcast %iota3A_2 : vector<1x64xi32> to vector<4096x64xi32>
    %eq3A_827 = arith.cmpi eq, %eq3A_825, %eq3A_826 : vector<4096x64xi32>
    %convert_element_type3A_828 = arith.extui %eq3A_827 : vector<4096x64xi1> to vector<4096x64xi32>
    %convert_element_type3A_829 = arith.sitofp %convert_element_type3A_828 : vector<4096x64xi32> to vector<4096x64xf32>
    %mul3A_830 = vector.broadcast %convert_element_type3A : vector<4096x1xf32> to vector<4096x64xf32>
    %mul3A_831 = arith.mulf %convert_element_type3A_829, %mul3A_830 : vector<4096x64xf32>
    %dot_general3A_832 = arith.constant dense<0.000000e+00> : vector<32x64xf32>
    %dot_general3A_833 = tpu.matmul %convert_element_type3A_821, %mul3A_831, %dot_general3A_832 {dimension_numbers = #tpu.dot_dimension_numbers<[1], [0], [0], [1], [0, 0, 1, 1], [], []>, transpose_lhs_hint = false} : vector<32x4096xf32>, vector<4096x64xf32>, vector<32x64xf32> -> vector<32x64xf32>
    %convert_element_type3A_834 = arith.fptosi %dot_general3A_833 : vector<32x64xf32> to vector<32x64xi32>
    %swap3A_835 = arith.constant 2 : index
    %swap3A_836 = arith.constant 0 : index
    %swap3A_837 = arith.constant 0 : index
    %swap3A_838 = vector.load %arg1[%swap3A_835, %swap3A_836, %swap3A_837] : memref<4x32x64xi32, #tpu.memory_space<vmem>>, vector<1x32x64xi32>
    %swap3A_839 = vector.shape_cast %swap3A_838 : vector<1x32x64xi32> to vector<32x64xi32>
    %swap3A_840 = vector.shape_cast %convert_element_type3A_834 : vector<32x64xi32> to vector<1x32x64xi32>
    tpu.vector_store %arg1[%swap3A_835, %swap3A_836, %swap3A_837], %swap3A_840 {strides = array<i32>} : memref<4x32x64xi32, #tpu.memory_space<vmem>>, vector<1x32x64xi32>,
    %add3A_841 = arith.constant 8192 : i32
    %add3A_842 = vector.broadcast %add3A_841 : i32 to vector<32x64xi32>
    %add3A_843 = arith.addi %convert_element_type3A_834, %add3A_842 : vector<32x64xi32>
    %swap3A_844 = arith.constant 2 : index
    %swap3A_845 = arith.constant 0 : index
    %swap3A_846 = arith.constant 0 : index
    %swap3A_847 = vector.load %arg2[%swap3A_844, %swap3A_845, %swap3A_846] : memref<4x32x64xi32, #tpu.memory_space<vmem>>, vector<1x32x64xi32>
    %swap3A_848 = vector.shape_cast %swap3A_847 : vector<1x32x64xi32> to vector<32x64xi32>
    %swap3A_849 = vector.shape_cast %add3A_843 : vector<32x64xi32> to vector<1x32x64xi32>
    tpu.vector_store %arg2[%swap3A_844, %swap3A_845, %swap3A_846], %swap3A_849 {strides = array<i32>} : memref<4x32x64xi32, #tpu.memory_space<vmem>>, vector<1x32x64xi32>,
    %get3A_850 = arith.constant 3 : index
    %get3A_851 = arith.constant 0 : index
    %get3A_852 = vector.load %arg0[%get3A_850, %get3A_851] : memref<4x4096xf32, #tpu.memory_space<vmem>>, vector<1x4096xf32>
    %bitcast_convert_type3A_853 = tpu.bitcast %get3A_852 : vector<1x4096xf32> -> vector<1x4096xi32>
    %shift_right_arithmetic3A_854 = arith.constant 31 : i32
    %shift_right_arithmetic3A_855 = vector.broadcast %shift_right_arithmetic3A_854 : i32 to vector<1x4096xi32>
    %shift_right_arithmetic3A_856 = arith.shrsi %bitcast_convert_type3A_853, %shift_right_arithmetic3A_855 : vector<1x4096xi32>
    %and3A_857 = arith.constant 2147483647 : i32
    %and3A_858 = vector.broadcast %and3A_857 : i32 to vector<1x4096xi32>
    %and3A_859 = arith.andi %shift_right_arithmetic3A_856, %and3A_858 : vector<1x4096xi32>
    %xor3A_860 = arith.xori %bitcast_convert_type3A_853, %and3A_859 : vector<1x4096xi32>
    %transpose3A_861 = tpu.transpose %xor3A_860, [1, 0] : vector<1x4096xi32> -> vector<4096x1xi32>
    %slice3A_862 = vector.extract_strided_slice %transpose3A_861 {offsets = [0, 0], sizes = [512, 1], strides = [1, 1]} : vector<4096x1xi32> to vector<512x1xi32>
    %slice3A_863 = vector.extract_strided_slice %xor3A_860 {offsets = [0, 0], sizes = [1, 512], strides = [1, 1]} : vector<1x4096xi32> to vector<1x512xi32>
    %gt3A_864 = vector.broadcast %slice3A_863 : vector<1x512xi32> to vector<512x512xi32>
    %gt3A_865 = vector.broadcast %slice3A_862 : vector<512x1xi32> to vector<512x512xi32>
    %gt3A_866 = arith.cmpi sgt, %gt3A_864, %gt3A_865 : vector<512x512xi32>
    %eq3A_867 = vector.broadcast %slice3A_863 : vector<1x512xi32> to vector<512x512xi32>
    %eq3A_868 = vector.broadcast %slice3A_862 : vector<512x1xi32> to vector<512x512xi32>
    %eq3A_869 = arith.cmpi eq, %eq3A_867, %eq3A_868 : vector<512x512xi32>
    %and3A_870 = arith.andi %eq3A_869, %lt3A : vector<512x512xi1>
    %or3A_871 = arith.ori %gt3A_866, %and3A_870 : vector<512x512xi1>
    %convert_element_type3A_872 = arith.extui %or3A_871 : vector<512x512xi1> to vector<512x512xi32>
    %convert_element_type3A_873 = arith.sitofp %convert_element_type3A_872 : vector<512x512xi32> to vector<512x512xf32>
    %slice3A_874 = vector.extract_strided_slice %broadcast_in_dim3A_0 {offsets = [0, 0], sizes = [512, 1], strides = [1, 1]} : vector<4096x1xf32> to vector<512x1xf32>
    %dot_general3A_875 = arith.constant dense<0.000000e+00> : vector<512x1xf32>
    %dot_general3A_876 = tpu.matmul %convert_element_type3A_873, %slice3A_874, %dot_general3A_875 {dimension_numbers = #tpu.dot_dimension_numbers<[1], [0], [0], [1], [0, 0, 1, 1], [], []>, transpose_lhs_hint = false} : vector<512x512xf32>, vector<512x1xf32>, vector<512x1xf32> -> vector<512x1xf32>
    %slice3A_877 = vector.extract_strided_slice %xor3A_860 {offsets = [0, 512], sizes = [1, 3584], strides = [1, 1]} : vector<1x4096xi32> to vector<1x3584xi32>
    %gt3A_878 = vector.broadcast %slice3A_877 : vector<1x3584xi32> to vector<512x3584xi32>
    %gt3A_879 = vector.broadcast %slice3A_862 : vector<512x1xi32> to vector<512x3584xi32>
    %gt3A_880 = arith.cmpi sgt, %gt3A_878, %gt3A_879 : vector<512x3584xi32>
    %convert_element_type3A_881 = arith.extui %gt3A_880 : vector<512x3584xi1> to vector<512x3584xi32>
    %convert_element_type3A_882 = arith.sitofp %convert_element_type3A_881 : vector<512x3584xi32> to vector<512x3584xf32>
    %slice3A_883 = vector.extract_strided_slice %broadcast_in_dim3A_0 {offsets = [0, 0], sizes = [3584, 1], strides = [1, 1]} : vector<4096x1xf32> to vector<3584x1xf32>
    %dot_general3A_884 = arith.constant dense<0.000000e+00> : vector<512x1xf32>
    %dot_general3A_885 = tpu.matmul %convert_element_type3A_882, %slice3A_883, %dot_general3A_884 {dimension_numbers = #tpu.dot_dimension_numbers<[1], [0], [0], [1], [0, 0, 1, 1], [], []>, transpose_lhs_hint = false} : vector<512x3584xf32>, vector<3584x1xf32>, vector<512x1xf32> -> vector<512x1xf32>
    %add3A_886 = arith.addf %dot_general3A_876, %dot_general3A_885 : vector<512x1xf32>
    %dot_general3A_887 = arith.constant dense<0.000000e+00> : vector<1x3584xf32>
    %dot_general3A_888 = tpu.matmul %broadcast_in_dim3A_6, %convert_element_type3A_882, %dot_general3A_887 {dimension_numbers = #tpu.dot_dimension_numbers<[1], [0], [0], [1], [0, 0, 1, 1], [], []>, transpose_lhs_hint = false} : vector<1x512xf32>, vector<512x3584xf32>, vector<1x3584xf32> -> vector<1x3584xf32>
    %slice3A_889 = vector.extract_strided_slice %convert_element_type3A_10 {offsets = [0, 0], sizes = [1, 512], strides = [1, 1]} : vector<1x4096xf32> to vector<1x512xf32>
    %slice3A_890 = vector.extract_strided_slice %convert_element_type3A_10 {offsets = [0, 512], sizes = [1, 3584], strides = [1, 1]} : vector<1x4096xf32> to vector<1x3584xf32>
    %sub3A_891 = arith.subf %slice3A_890, %dot_general3A_888 : vector<1x3584xf32>
    %concatenate3A_892 = tpu.concatenate %slice3A_889, %sub3A_891 in 1 : vector<1x512xf32>, vector<1x3584xf32> -> vector<1x4096xf32>
    %slice3A_893 = vector.extract_strided_slice %transpose3A_861 {offsets = [512, 0], sizes = [512, 1], strides = [1, 1]} : vector<4096x1xi32> to vector<512x1xi32>
    %slice3A_894 = vector.extract_strided_slice %xor3A_860 {offsets = [0, 512], sizes = [1, 512], strides = [1, 1]} : vector<1x4096xi32> to vector<1x512xi32>
    %gt3A_895 = vector.broadcast %slice3A_894 : vector<1x512xi32> to vector<512x512xi32>
    %gt3A_896 = vector.broadcast %slice3A_893 : vector<512x1xi32> to vector<512x512xi32>
    %gt3A_897 = arith.cmpi sgt, %gt3A_895, %gt3A_896 : vector<512x512xi32>
    %eq3A_898 = vector.broadcast %slice3A_894 : vector<1x512xi32> to vector<512x512xi32>
    %eq3A_899 = vector.broadcast %slice3A_893 : vector<512x1xi32> to vector<512x512xi32>
    %eq3A_900 = arith.cmpi eq, %eq3A_898, %eq3A_899 : vector<512x512xi32>
    %and3A_901 = arith.andi %eq3A_900, %lt3A : vector<512x512xi1>
    %or3A_902 = arith.ori %gt3A_897, %and3A_901 : vector<512x512xi1>
    %convert_element_type3A_903 = arith.extui %or3A_902 : vector<512x512xi1> to vector<512x512xi32>
    %convert_element_type3A_904 = arith.sitofp %convert_element_type3A_903 : vector<512x512xi32> to vector<512x512xf32>
    %slice3A_905 = vector.extract_strided_slice %broadcast_in_dim3A_0 {offsets = [0, 0], sizes = [512, 1], strides = [1, 1]} : vector<4096x1xf32> to vector<512x1xf32>
    %dot_general3A_906 = arith.constant dense<0.000000e+00> : vector<512x1xf32>
    %dot_general3A_907 = tpu.matmul %convert_element_type3A_904, %slice3A_905, %dot_general3A_906 {dimension_numbers = #tpu.dot_dimension_numbers<[1], [0], [0], [1], [0, 0, 1, 1], [], []>, transpose_lhs_hint = false} : vector<512x512xf32>, vector<512x1xf32>, vector<512x1xf32> -> vector<512x1xf32>
    %slice3A_908 = vector.extract_strided_slice %xor3A_860 {offsets = [0, 1024], sizes = [1, 3072], strides = [1, 1]} : vector<1x4096xi32> to vector<1x3072xi32>
    %gt3A_909 = vector.broadcast %slice3A_908 : vector<1x3072xi32> to vector<512x3072xi32>
    %gt3A_910 = vector.broadcast %slice3A_893 : vector<512x1xi32> to vector<512x3072xi32>
    %gt3A_911 = arith.cmpi sgt, %gt3A_909, %gt3A_910 : vector<512x3072xi32>
    %convert_element_type3A_912 = arith.extui %gt3A_911 : vector<512x3072xi1> to vector<512x3072xi32>
    %convert_element_type3A_913 = arith.sitofp %convert_element_type3A_912 : vector<512x3072xi32> to vector<512x3072xf32>
    %slice3A_914 = vector.extract_strided_slice %broadcast_in_dim3A_0 {offsets = [0, 0], sizes = [3072, 1], strides = [1, 1]} : vector<4096x1xf32> to vector<3072x1xf32>
    %dot_general3A_915 = arith.constant dense<0.000000e+00> : vector<512x1xf32>
    %dot_general3A_916 = tpu.matmul %convert_element_type3A_913, %slice3A_914, %dot_general3A_915 {dimension_numbers = #tpu.dot_dimension_numbers<[1], [0], [0], [1], [0, 0, 1, 1], [], []>, transpose_lhs_hint = false} : vector<512x3072xf32>, vector<3072x1xf32>, vector<512x1xf32> -> vector<512x1xf32>
    %add3A_917 = arith.addf %dot_general3A_907, %dot_general3A_916 : vector<512x1xf32>
    %dot_general3A_918 = arith.constant dense<0.000000e+00> : vector<1x3072xf32>
    %dot_general3A_919 = tpu.matmul %broadcast_in_dim3A_6, %convert_element_type3A_913, %dot_general3A_918 {dimension_numbers = #tpu.dot_dimension_numbers<[1], [0], [0], [1], [0, 0, 1, 1], [], []>, transpose_lhs_hint = false} : vector<1x512xf32>, vector<512x3072xf32>, vector<1x3072xf32> -> vector<1x3072xf32>
    %slice3A_920 = vector.extract_strided_slice %concatenate3A_892 {offsets = [0, 0], sizes = [1, 1024], strides = [1, 1]} : vector<1x4096xf32> to vector<1x1024xf32>
    %slice3A_921 = vector.extract_strided_slice %concatenate3A_892 {offsets = [0, 1024], sizes = [1, 3072], strides = [1, 1]} : vector<1x4096xf32> to vector<1x3072xf32>
    %sub3A_922 = arith.subf %slice3A_921, %dot_general3A_919 : vector<1x3072xf32>
    %concatenate3A_923 = tpu.concatenate %slice3A_920, %sub3A_922 in 1 : vector<1x1024xf32>, vector<1x3072xf32> -> vector<1x4096xf32>
    %slice3A_924 = vector.extract_strided_slice %transpose3A_861 {offsets = [1024, 0], sizes = [512, 1], strides = [1, 1]} : vector<4096x1xi32> to vector<512x1xi32>
    %slice3A_925 = vector.extract_strided_slice %xor3A_860 {offsets = [0, 1024], sizes = [1, 512], strides = [1, 1]} : vector<1x4096xi32> to vector<1x512xi32>
    %gt3A_926 = vector.broadcast %slice3A_925 : vector<1x512xi32> to vector<512x512xi32>
    %gt3A_927 = vector.broadcast %slice3A_924 : vector<512x1xi32> to vector<512x512xi32>
    %gt3A_928 = arith.cmpi sgt, %gt3A_926, %gt3A_927 : vector<512x512xi32>
    %eq3A_929 = vector.broadcast %slice3A_925 : vector<1x512xi32> to vector<512x512xi32>
    %eq3A_930 = vector.broadcast %slice3A_924 : vector<512x1xi32> to vector<512x512xi32>
    %eq3A_931 = arith.cmpi eq, %eq3A_929, %eq3A_930 : vector<512x512xi32>
    %and3A_932 = arith.andi %eq3A_931, %lt3A : vector<512x512xi1>
    %or3A_933 = arith.ori %gt3A_928, %and3A_932 : vector<512x512xi1>
    %convert_element_type3A_934 = arith.extui %or3A_933 : vector<512x512xi1> to vector<512x512xi32>
    %convert_element_type3A_935 = arith.sitofp %convert_element_type3A_934 : vector<512x512xi32> to vector<512x512xf32>
    %slice3A_936 = vector.extract_strided_slice %broadcast_in_dim3A_0 {offsets = [0, 0], sizes = [512, 1], strides = [1, 1]} : vector<4096x1xf32> to vector<512x1xf32>
    %dot_general3A_937 = arith.constant dense<0.000000e+00> : vector<512x1xf32>
    %dot_general3A_938 = tpu.matmul %convert_element_type3A_935, %slice3A_936, %dot_general3A_937 {dimension_numbers = #tpu.dot_dimension_numbers<[1], [0], [0], [1], [0, 0, 1, 1], [], []>, transpose_lhs_hint = false} : vector<512x512xf32>, vector<512x1xf32>, vector<512x1xf32> -> vector<512x1xf32>
    %slice3A_939 = vector.extract_strided_slice %xor3A_860 {offsets = [0, 1536], sizes = [1, 2560], strides = [1, 1]} : vector<1x4096xi32> to vector<1x2560xi32>
    %gt3A_940 = vector.broadcast %slice3A_939 : vector<1x2560xi32> to vector<512x2560xi32>
    %gt3A_941 = vector.broadcast %slice3A_924 : vector<512x1xi32> to vector<512x2560xi32>
    %gt3A_942 = arith.cmpi sgt, %gt3A_940, %gt3A_941 : vector<512x2560xi32>
    %convert_element_type3A_943 = arith.extui %gt3A_942 : vector<512x2560xi1> to vector<512x2560xi32>
    %convert_element_type3A_944 = arith.sitofp %convert_element_type3A_943 : vector<512x2560xi32> to vector<512x2560xf32>
    %slice3A_945 = vector.extract_strided_slice %broadcast_in_dim3A_0 {offsets = [0, 0], sizes = [2560, 1], strides = [1, 1]} : vector<4096x1xf32> to vector<2560x1xf32>
    %dot_general3A_946 = arith.constant dense<0.000000e+00> : vector<512x1xf32>
    %dot_general3A_947 = tpu.matmul %convert_element_type3A_944, %slice3A_945, %dot_general3A_946 {dimension_numbers = #tpu.dot_dimension_numbers<[1], [0], [0], [1], [0, 0, 1, 1], [], []>, transpose_lhs_hint = false} : vector<512x2560xf32>, vector<2560x1xf32>, vector<512x1xf32> -> vector<512x1xf32>
    %add3A_948 = arith.addf %dot_general3A_938, %dot_general3A_947 : vector<512x1xf32>
    %dot_general3A_949 = arith.constant dense<0.000000e+00> : vector<1x2560xf32>
    %dot_general3A_950 = tpu.matmul %broadcast_in_dim3A_6, %convert_element_type3A_944, %dot_general3A_949 {dimension_numbers = #tpu.dot_dimension_numbers<[1], [0], [0], [1], [0, 0, 1, 1], [], []>, transpose_lhs_hint = false} : vector<1x512xf32>, vector<512x2560xf32>, vector<1x2560xf32> -> vector<1x2560xf32>
    %slice3A_951 = vector.extract_strided_slice %concatenate3A_923 {offsets = [0, 0], sizes = [1, 1536], strides = [1, 1]} : vector<1x4096xf32> to vector<1x1536xf32>
    %slice3A_952 = vector.extract_strided_slice %concatenate3A_923 {offsets = [0, 1536], sizes = [1, 2560], strides = [1, 1]} : vector<1x4096xf32> to vector<1x2560xf32>
    %sub3A_953 = arith.subf %slice3A_952, %dot_general3A_950 : vector<1x2560xf32>
    %concatenate3A_954 = tpu.concatenate %slice3A_951, %sub3A_953 in 1 : vector<1x1536xf32>, vector<1x2560xf32> -> vector<1x4096xf32>
    %slice3A_955 = vector.extract_strided_slice %transpose3A_861 {offsets = [1536, 0], sizes = [512, 1], strides = [1, 1]} : vector<4096x1xi32> to vector<512x1xi32>
    %slice3A_956 = vector.extract_strided_slice %xor3A_860 {offsets = [0, 1536], sizes = [1, 512], strides = [1, 1]} : vector<1x4096xi32> to vector<1x512xi32>
    %gt3A_957 = vector.broadcast %slice3A_956 : vector<1x512xi32> to vector<512x512xi32>
    %gt3A_958 = vector.broadcast %slice3A_955 : vector<512x1xi32> to vector<512x512xi32>
    %gt3A_959 = arith.cmpi sgt, %gt3A_957, %gt3A_958 : vector<512x512xi32>
    %eq3A_960 = vector.broadcast %slice3A_956 : vector<1x512xi32> to vector<512x512xi32>
    %eq3A_961 = vector.broadcast %slice3A_955 : vector<512x1xi32> to vector<512x512xi32>
    %eq3A_962 = arith.cmpi eq, %eq3A_960, %eq3A_961 : vector<512x512xi32>
    %and3A_963 = arith.andi %eq3A_962, %lt3A : vector<512x512xi1>
    %or3A_964 = arith.ori %gt3A_959, %and3A_963 : vector<512x512xi1>
    %convert_element_type3A_965 = arith.extui %or3A_964 : vector<512x512xi1> to vector<512x512xi32>
    %convert_element_type3A_966 = arith.sitofp %convert_element_type3A_965 : vector<512x512xi32> to vector<512x512xf32>
    %slice3A_967 = vector.extract_strided_slice %broadcast_in_dim3A_0 {offsets = [0, 0], sizes = [512, 1], strides = [1, 1]} : vector<4096x1xf32> to vector<512x1xf32>
    %dot_general3A_968 = arith.constant dense<0.000000e+00> : vector<512x1xf32>
    %dot_general3A_969 = tpu.matmul %convert_element_type3A_966, %slice3A_967, %dot_general3A_968 {dimension_numbers = #tpu.dot_dimension_numbers<[1], [0], [0], [1], [0, 0, 1, 1], [], []>, transpose_lhs_hint = false} : vector<512x512xf32>, vector<512x1xf32>, vector<512x1xf32> -> vector<512x1xf32>
    %slice3A_970 = vector.extract_strided_slice %xor3A_860 {offsets = [0, 2048], sizes = [1, 2048], strides = [1, 1]} : vector<1x4096xi32> to vector<1x2048xi32>
    %gt3A_971 = vector.broadcast %slice3A_970 : vector<1x2048xi32> to vector<512x2048xi32>
    %gt3A_972 = vector.broadcast %slice3A_955 : vector<512x1xi32> to vector<512x2048xi32>
    %gt3A_973 = arith.cmpi sgt, %gt3A_971, %gt3A_972 : vector<512x2048xi32>
    %convert_element_type3A_974 = arith.extui %gt3A_973 : vector<512x2048xi1> to vector<512x2048xi32>
    %convert_element_type3A_975 = arith.sitofp %convert_element_type3A_974 : vector<512x2048xi32> to vector<512x2048xf32>
    %slice3A_976 = vector.extract_strided_slice %broadcast_in_dim3A_0 {offsets = [0, 0], sizes = [2048, 1], strides = [1, 1]} : vector<4096x1xf32> to vector<2048x1xf32>
    %dot_general3A_977 = arith.constant dense<0.000000e+00> : vector<512x1xf32>
    %dot_general3A_978 = tpu.matmul %convert_element_type3A_975, %slice3A_976, %dot_general3A_977 {dimension_numbers = #tpu.dot_dimension_numbers<[1], [0], [0], [1], [0, 0, 1, 1], [], []>, transpose_lhs_hint = false} : vector<512x2048xf32>, vector<2048x1xf32>, vector<512x1xf32> -> vector<512x1xf32>
    %add3A_979 = arith.addf %dot_general3A_969, %dot_general3A_978 : vector<512x1xf32>
    %dot_general3A_980 = arith.constant dense<0.000000e+00> : vector<1x2048xf32>
    %dot_general3A_981 = tpu.matmul %broadcast_in_dim3A_6, %convert_element_type3A_975, %dot_general3A_980 {dimension_numbers = #tpu.dot_dimension_numbers<[1], [0], [0], [1], [0, 0, 1, 1], [], []>, transpose_lhs_hint = false} : vector<1x512xf32>, vector<512x2048xf32>, vector<1x2048xf32> -> vector<1x2048xf32>
    %slice3A_982 = vector.extract_strided_slice %concatenate3A_954 {offsets = [0, 0], sizes = [1, 2048], strides = [1, 1]} : vector<1x4096xf32> to vector<1x2048xf32>
    %slice3A_983 = vector.extract_strided_slice %concatenate3A_954 {offsets = [0, 2048], sizes = [1, 2048], strides = [1, 1]} : vector<1x4096xf32> to vector<1x2048xf32>
    %sub3A_984 = arith.subf %slice3A_983, %dot_general3A_981 : vector<1x2048xf32>
    %concatenate3A_985 = tpu.concatenate %slice3A_982, %sub3A_984 in 1 : vector<1x2048xf32>, vector<1x2048xf32> -> vector<1x4096xf32>
    %slice3A_986 = vector.extract_strided_slice %transpose3A_861 {offsets = [2048, 0], sizes = [512, 1], strides = [1, 1]} : vector<4096x1xi32> to vector<512x1xi32>
    %slice3A_987 = vector.extract_strided_slice %xor3A_860 {offsets = [0, 2048], sizes = [1, 512], strides = [1, 1]} : vector<1x4096xi32> to vector<1x512xi32>
    %gt3A_988 = vector.broadcast %slice3A_987 : vector<1x512xi32> to vector<512x512xi32>
    %gt3A_989 = vector.broadcast %slice3A_986 : vector<512x1xi32> to vector<512x512xi32>
    %gt3A_990 = arith.cmpi sgt, %gt3A_988, %gt3A_989 : vector<512x512xi32>
    %eq3A_991 = vector.broadcast %slice3A_987 : vector<1x512xi32> to vector<512x512xi32>
    %eq3A_992 = vector.broadcast %slice3A_986 : vector<512x1xi32> to vector<512x512xi32>
    %eq3A_993 = arith.cmpi eq, %eq3A_991, %eq3A_992 : vector<512x512xi32>
    %and3A_994 = arith.andi %eq3A_993, %lt3A : vector<512x512xi1>
    %or3A_995 = arith.ori %gt3A_990, %and3A_994 : vector<512x512xi1>
    %convert_element_type3A_996 = arith.extui %or3A_995 : vector<512x512xi1> to vector<512x512xi32>
    %convert_element_type3A_997 = arith.sitofp %convert_element_type3A_996 : vector<512x512xi32> to vector<512x512xf32>
    %slice3A_998 = vector.extract_strided_slice %broadcast_in_dim3A_0 {offsets = [0, 0], sizes = [512, 1], strides = [1, 1]} : vector<4096x1xf32> to vector<512x1xf32>
    %dot_general3A_999 = arith.constant dense<0.000000e+00> : vector<512x1xf32>
    %dot_general3A_1000 = tpu.matmul %convert_element_type3A_997, %slice3A_998, %dot_general3A_999 {dimension_numbers = #tpu.dot_dimension_numbers<[1], [0], [0], [1], [0, 0, 1, 1], [], []>, transpose_lhs_hint = false} : vector<512x512xf32>, vector<512x1xf32>, vector<512x1xf32> -> vector<512x1xf32>
    %slice3A_1001 = vector.extract_strided_slice %xor3A_860 {offsets = [0, 2560], sizes = [1, 1536], strides = [1, 1]} : vector<1x4096xi32> to vector<1x1536xi32>
    %gt3A_1002 = vector.broadcast %slice3A_1001 : vector<1x1536xi32> to vector<512x1536xi32>
    %gt3A_1003 = vector.broadcast %slice3A_986 : vector<512x1xi32> to vector<512x1536xi32>
    %gt3A_1004 = arith.cmpi sgt, %gt3A_1002, %gt3A_1003 : vector<512x1536xi32>
    %convert_element_type3A_1005 = arith.extui %gt3A_1004 : vector<512x1536xi1> to vector<512x1536xi32>
    %convert_element_type3A_1006 = arith.sitofp %convert_element_type3A_1005 : vector<512x1536xi32> to vector<512x1536xf32>
    %slice3A_1007 = vector.extract_strided_slice %broadcast_in_dim3A_0 {offsets = [0, 0], sizes = [1536, 1], strides = [1, 1]} : vector<4096x1xf32> to vector<1536x1xf32>
    %dot_general3A_1008 = arith.constant dense<0.000000e+00> : vector<512x1xf32>
    %dot_general3A_1009 = tpu.matmul %convert_element_type3A_1006, %slice3A_1007, %dot_general3A_1008 {dimension_numbers = #tpu.dot_dimension_numbers<[1], [0], [0], [1], [0, 0, 1, 1], [], []>, transpose_lhs_hint = false} : vector<512x1536xf32>, vector<1536x1xf32>, vector<512x1xf32> -> vector<512x1xf32>
    %add3A_1010 = arith.addf %dot_general3A_1000, %dot_general3A_1009 : vector<512x1xf32>
    %dot_general3A_1011 = arith.constant dense<0.000000e+00> : vector<1x1536xf32>
    %dot_general3A_1012 = tpu.matmul %broadcast_in_dim3A_6, %convert_element_type3A_1006, %dot_general3A_1011 {dimension_numbers = #tpu.dot_dimension_numbers<[1], [0], [0], [1], [0, 0, 1, 1], [], []>, transpose_lhs_hint = false} : vector<1x512xf32>, vector<512x1536xf32>, vector<1x1536xf32> -> vector<1x1536xf32>
    %slice3A_1013 = vector.extract_strided_slice %concatenate3A_985 {offsets = [0, 0], sizes = [1, 2560], strides = [1, 1]} : vector<1x4096xf32> to vector<1x2560xf32>
    %slice3A_1014 = vector.extract_strided_slice %concatenate3A_985 {offsets = [0, 2560], sizes = [1, 1536], strides = [1, 1]} : vector<1x4096xf32> to vector<1x1536xf32>
    %sub3A_1015 = arith.subf %slice3A_1014, %dot_general3A_1012 : vector<1x1536xf32>
    %concatenate3A_1016 = tpu.concatenate %slice3A_1013, %sub3A_1015 in 1 : vector<1x2560xf32>, vector<1x1536xf32> -> vector<1x4096xf32>
    %slice3A_1017 = vector.extract_strided_slice %transpose3A_861 {offsets = [2560, 0], sizes = [512, 1], strides = [1, 1]} : vector<4096x1xi32> to vector<512x1xi32>
    %slice3A_1018 = vector.extract_strided_slice %xor3A_860 {offsets = [0, 2560], sizes = [1, 512], strides = [1, 1]} : vector<1x4096xi32> to vector<1x512xi32>
    %gt3A_1019 = vector.broadcast %slice3A_1018 : vector<1x512xi32> to vector<512x512xi32>
    %gt3A_1020 = vector.broadcast %slice3A_1017 : vector<512x1xi32> to vector<512x512xi32>
    %gt3A_1021 = arith.cmpi sgt, %gt3A_1019, %gt3A_1020 : vector<512x512xi32>
    %eq3A_1022 = vector.broadcast %slice3A_1018 : vector<1x512xi32> to vector<512x512xi32>
    %eq3A_1023 = vector.broadcast %slice3A_1017 : vector<512x1xi32> to vector<512x512xi32>
    %eq3A_1024 = arith.cmpi eq, %eq3A_1022, %eq3A_1023 : vector<512x512xi32>
    %and3A_1025 = arith.andi %eq3A_1024, %lt3A : vector<512x512xi1>
    %or3A_1026 = arith.ori %gt3A_1021, %and3A_1025 : vector<512x512xi1>
    %convert_element_type3A_1027 = arith.extui %or3A_1026 : vector<512x512xi1> to vector<512x512xi32>
    %convert_element_type3A_1028 = arith.sitofp %convert_element_type3A_1027 : vector<512x512xi32> to vector<512x512xf32>
    %slice3A_1029 = vector.extract_strided_slice %broadcast_in_dim3A_0 {offsets = [0, 0], sizes = [512, 1], strides = [1, 1]} : vector<4096x1xf32> to vector<512x1xf32>
    %dot_general3A_1030 = arith.constant dense<0.000000e+00> : vector<512x1xf32>
    %dot_general3A_1031 = tpu.matmul %convert_element_type3A_1028, %slice3A_1029, %dot_general3A_1030 {dimension_numbers = #tpu.dot_dimension_numbers<[1], [0], [0], [1], [0, 0, 1, 1], [], []>, transpose_lhs_hint = false} : vector<512x512xf32>, vector<512x1xf32>, vector<512x1xf32> -> vector<512x1xf32>
    %slice3A_1032 = vector.extract_strided_slice %xor3A_860 {offsets = [0, 3072], sizes = [1, 1024], strides = [1, 1]} : vector<1x4096xi32> to vector<1x1024xi32>
    %gt3A_1033 = vector.broadcast %slice3A_1032 : vector<1x1024xi32> to vector<512x1024xi32>
    %gt3A_1034 = vector.broadcast %slice3A_1017 : vector<512x1xi32> to vector<512x1024xi32>
    %gt3A_1035 = arith.cmpi sgt, %gt3A_1033, %gt3A_1034 : vector<512x1024xi32>
    %convert_element_type3A_1036 = arith.extui %gt3A_1035 : vector<512x1024xi1> to vector<512x1024xi32>
    %convert_element_type3A_1037 = arith.sitofp %convert_element_type3A_1036 : vector<512x1024xi32> to vector<512x1024xf32>
    %slice3A_1038 = vector.extract_strided_slice %broadcast_in_dim3A_0 {offsets = [0, 0], sizes = [1024, 1], strides = [1, 1]} : vector<4096x1xf32> to vector<1024x1xf32>
    %dot_general3A_1039 = arith.constant dense<0.000000e+00> : vector<512x1xf32>
    %dot_general3A_1040 = tpu.matmul %convert_element_type3A_1037, %slice3A_1038, %dot_general3A_1039 {dimension_numbers = #tpu.dot_dimension_numbers<[1], [0], [0], [1], [0, 0, 1, 1], [], []>, transpose_lhs_hint = false} : vector<512x1024xf32>, vector<1024x1xf32>, vector<512x1xf32> -> vector<512x1xf32>
    %add3A_1041 = arith.addf %dot_general3A_1031, %dot_general3A_1040 : vector<512x1xf32>
    %dot_general3A_1042 = arith.constant dense<0.000000e+00> : vector<1x1024xf32>
    %dot_general3A_1043 = tpu.matmul %broadcast_in_dim3A_6, %convert_element_type3A_1037, %dot_general3A_1042 {dimension_numbers = #tpu.dot_dimension_numbers<[1], [0], [0], [1], [0, 0, 1, 1], [], []>, transpose_lhs_hint = false} : vector<1x512xf32>, vector<512x1024xf32>, vector<1x1024xf32> -> vector<1x1024xf32>
    %slice3A_1044 = vector.extract_strided_slice %concatenate3A_1016 {offsets = [0, 0], sizes = [1, 3072], strides = [1, 1]} : vector<1x4096xf32> to vector<1x3072xf32>
    %slice3A_1045 = vector.extract_strided_slice %concatenate3A_1016 {offsets = [0, 3072], sizes = [1, 1024], strides = [1, 1]} : vector<1x4096xf32> to vector<1x1024xf32>
    %sub3A_1046 = arith.subf %slice3A_1045, %dot_general3A_1043 : vector<1x1024xf32>
    %concatenate3A_1047 = tpu.concatenate %slice3A_1044, %sub3A_1046 in 1 : vector<1x3072xf32>, vector<1x1024xf32> -> vector<1x4096xf32>
    %slice3A_1048 = vector.extract_strided_slice %transpose3A_861 {offsets = [3072, 0], sizes = [512, 1], strides = [1, 1]} : vector<4096x1xi32> to vector<512x1xi32>
    %slice3A_1049 = vector.extract_strided_slice %xor3A_860 {offsets = [0, 3072], sizes = [1, 512], strides = [1, 1]} : vector<1x4096xi32> to vector<1x512xi32>
    %gt3A_1050 = vector.broadcast %slice3A_1049 : vector<1x512xi32> to vector<512x512xi32>
    %gt3A_1051 = vector.broadcast %slice3A_1048 : vector<512x1xi32> to vector<512x512xi32>
    %gt3A_1052 = arith.cmpi sgt, %gt3A_1050, %gt3A_1051 : vector<512x512xi32>
    %eq3A_1053 = vector.broadcast %slice3A_1049 : vector<1x512xi32> to vector<512x512xi32>
    %eq3A_1054 = vector.broadcast %slice3A_1048 : vector<512x1xi32> to vector<512x512xi32>
    %eq3A_1055 = arith.cmpi eq, %eq3A_1053, %eq3A_1054 : vector<512x512xi32>
    %and3A_1056 = arith.andi %eq3A_1055, %lt3A : vector<512x512xi1>
    %or3A_1057 = arith.ori %gt3A_1052, %and3A_1056 : vector<512x512xi1>
    %convert_element_type3A_1058 = arith.extui %or3A_1057 : vector<512x512xi1> to vector<512x512xi32>
    %convert_element_type3A_1059 = arith.sitofp %convert_element_type3A_1058 : vector<512x512xi32> to vector<512x512xf32>
    %slice3A_1060 = vector.extract_strided_slice %broadcast_in_dim3A_0 {offsets = [0, 0], sizes = [512, 1], strides = [1, 1]} : vector<4096x1xf32> to vector<512x1xf32>
    %dot_general3A_1061 = arith.constant dense<0.000000e+00> : vector<512x1xf32>
    %dot_general3A_1062 = tpu.matmul %convert_element_type3A_1059, %slice3A_1060, %dot_general3A_1061 {dimension_numbers = #tpu.dot_dimension_numbers<[1], [0], [0], [1], [0, 0, 1, 1], [], []>, transpose_lhs_hint = false} : vector<512x512xf32>, vector<512x1xf32>, vector<512x1xf32> -> vector<512x1xf32>
    %slice3A_1063 = vector.extract_strided_slice %xor3A_860 {offsets = [0, 3584], sizes = [1, 512], strides = [1, 1]} : vector<1x4096xi32> to vector<1x512xi32>
    %gt3A_1064 = vector.broadcast %slice3A_1063 : vector<1x512xi32> to vector<512x512xi32>
    %gt3A_1065 = vector.broadcast %slice3A_1048 : vector<512x1xi32> to vector<512x512xi32>
    %gt3A_1066 = arith.cmpi sgt, %gt3A_1064, %gt3A_1065 : vector<512x512xi32>
    %convert_element_type3A_1067 = arith.extui %gt3A_1066 : vector<512x512xi1> to vector<512x512xi32>
    %convert_element_type3A_1068 = arith.sitofp %convert_element_type3A_1067 : vector<512x512xi32> to vector<512x512xf32>
    %slice3A_1069 = vector.extract_strided_slice %broadcast_in_dim3A_0 {offsets = [0, 0], sizes = [512, 1], strides = [1, 1]} : vector<4096x1xf32> to vector<512x1xf32>
    %dot_general3A_1070 = arith.constant dense<0.000000e+00> : vector<512x1xf32>
    %dot_general3A_1071 = tpu.matmul %convert_element_type3A_1068, %slice3A_1069, %dot_general3A_1070 {dimension_numbers = #tpu.dot_dimension_numbers<[1], [0], [0], [1], [0, 0, 1, 1], [], []>, transpose_lhs_hint = false} : vector<512x512xf32>, vector<512x1xf32>, vector<512x1xf32> -> vector<512x1xf32>
    %add3A_1072 = arith.addf %dot_general3A_1062, %dot_general3A_1071 : vector<512x1xf32>
    %dot_general3A_1073 = arith.constant dense<0.000000e+00> : vector<1x512xf32>
    %dot_general3A_1074 = tpu.matmul %broadcast_in_dim3A_6, %convert_element_type3A_1068, %dot_general3A_1073 {dimension_numbers = #tpu.dot_dimension_numbers<[1], [0], [0], [1], [0, 0, 1, 1], [], []>, transpose_lhs_hint = false} : vector<1x512xf32>, vector<512x512xf32>, vector<1x512xf32> -> vector<1x512xf32>
    %slice3A_1075 = vector.extract_strided_slice %concatenate3A_1047 {offsets = [0, 0], sizes = [1, 3584], strides = [1, 1]} : vector<1x4096xf32> to vector<1x3584xf32>
    %slice3A_1076 = vector.extract_strided_slice %concatenate3A_1047 {offsets = [0, 3584], sizes = [1, 512], strides = [1, 1]} : vector<1x4096xf32> to vector<1x512xf32>
    %sub3A_1077 = arith.subf %slice3A_1076, %dot_general3A_1074 : vector<1x512xf32>
    %concatenate3A_1078 = tpu.concatenate %slice3A_1075, %sub3A_1077 in 1 : vector<1x3584xf32>, vector<1x512xf32> -> vector<1x4096xf32>
    %slice3A_1079 = vector.extract_strided_slice %transpose3A_861 {offsets = [3584, 0], sizes = [512, 1], strides = [1, 1]} : vector<4096x1xi32> to vector<512x1xi32>
    %slice3A_1080 = vector.extract_strided_slice %xor3A_860 {offsets = [0, 3584], sizes = [1, 512], strides = [1, 1]} : vector<1x4096xi32> to vector<1x512xi32>
    %gt3A_1081 = vector.broadcast %slice3A_1080 : vector<1x512xi32> to vector<512x512xi32>
    %gt3A_1082 = vector.broadcast %slice3A_1079 : vector<512x1xi32> to vector<512x512xi32>
    %gt3A_1083 = arith.cmpi sgt, %gt3A_1081, %gt3A_1082 : vector<512x512xi32>
    %eq3A_1084 = vector.broadcast %slice3A_1080 : vector<1x512xi32> to vector<512x512xi32>
    %eq3A_1085 = vector.broadcast %slice3A_1079 : vector<512x1xi32> to vector<512x512xi32>
    %eq3A_1086 = arith.cmpi eq, %eq3A_1084, %eq3A_1085 : vector<512x512xi32>
    %and3A_1087 = arith.andi %eq3A_1086, %lt3A : vector<512x512xi1>
    %or3A_1088 = arith.ori %gt3A_1083, %and3A_1087 : vector<512x512xi1>
    %convert_element_type3A_1089 = arith.extui %or3A_1088 : vector<512x512xi1> to vector<512x512xi32>
    %convert_element_type3A_1090 = arith.sitofp %convert_element_type3A_1089 : vector<512x512xi32> to vector<512x512xf32>
    %slice3A_1091 = vector.extract_strided_slice %broadcast_in_dim3A_0 {offsets = [0, 0], sizes = [512, 1], strides = [1, 1]} : vector<4096x1xf32> to vector<512x1xf32>
    %dot_general3A_1092 = arith.constant dense<0.000000e+00> : vector<512x1xf32>
    %dot_general3A_1093 = tpu.matmul %convert_element_type3A_1090, %slice3A_1091, %dot_general3A_1092 {dimension_numbers = #tpu.dot_dimension_numbers<[1], [0], [0], [1], [0, 0, 1, 1], [], []>, transpose_lhs_hint = false} : vector<512x512xf32>, vector<512x1xf32>, vector<512x1xf32> -> vector<512x1xf32>
    %concatenate3A_1094 = tpu.concatenate %add3A_886, %add3A_917, %add3A_948, %add3A_979, %add3A_1010, %add3A_1041, %add3A_1072, %dot_general3A_1093 in 0 : vector<512x1xf32>, vector<512x1xf32>, vector<512x1xf32>, vector<512x1xf32>, vector<512x1xf32>, vector<512x1xf32>, vector<512x1xf32>, vector<512x1xf32> -> vector<4096x1xf32>
    %transpose3A_1095 = tpu.transpose %concatenate3A_1078, [1, 0] : vector<1x4096xf32> -> vector<4096x1xf32>
    %add3A_1096 = arith.addf %concatenate3A_1094, %transpose3A_1095 : vector<4096x1xf32>
    %convert_element_type3A_1097 = arith.fptosi %add3A_1096 : vector<4096x1xf32> to vector<4096x1xi32>
    %transpose3A_1098 = tpu.transpose %convert_element_type3A_1097, [1, 0] : vector<4096x1xi32> -> vector<1x4096xi32>
    %shift_right_logical3A_1099 = arith.constant 6 : i32
    %shift_right_logical3A_1100 = vector.broadcast %shift_right_logical3A_1099 : i32 to vector<1x4096xi32>
    %shift_right_logical3A_1101 = arith.shrui %transpose3A_1098, %shift_right_logical3A_1100 : vector<1x4096xi32>
    %eq3A_1102 = vector.broadcast %iota3A_1 : vector<32x1xi32> to vector<32x4096xi32>
    %eq3A_1103 = vector.broadcast %shift_right_logical3A_1101 : vector<1x4096xi32> to vector<32x4096xi32>
    %eq3A_1104 = arith.cmpi eq, %eq3A_1102, %eq3A_1103 : vector<32x4096xi32>
    %convert_element_type3A_1105 = arith.extui %eq3A_1104 : vector<32x4096xi1> to vector<32x4096xi32>
    %convert_element_type3A_1106 = arith.sitofp %convert_element_type3A_1105 : vector<32x4096xi32> to vector<32x4096xf32>
    %and3A_1107 = arith.constant 63 : i32
    %and3A_1108 = vector.broadcast %and3A_1107 : i32 to vector<4096x1xi32>
    %and3A_1109 = arith.andi %convert_element_type3A_1097, %and3A_1108 : vector<4096x1xi32>
    %eq3A_1110 = vector.broadcast %and3A_1109 : vector<4096x1xi32> to vector<4096x64xi32>
    %eq3A_1111 = vector.broadcast %iota3A_2 : vector<1x64xi32> to vector<4096x64xi32>
    %eq3A_1112 = arith.cmpi eq, %eq3A_1110, %eq3A_1111 : vector<4096x64xi32>
    %convert_element_type3A_1113 = arith.extui %eq3A_1112 : vector<4096x64xi1> to vector<4096x64xi32>
    %convert_element_type3A_1114 = arith.sitofp %convert_element_type3A_1113 : vector<4096x64xi32> to vector<4096x64xf32>
    %mul3A_1115 = vector.broadcast %convert_element_type3A : vector<4096x1xf32> to vector<4096x64xf32>
    %mul3A_1116 = arith.mulf %convert_element_type3A_1114, %mul3A_1115 : vector<4096x64xf32>
    %dot_general3A_1117 = arith.constant dense<0.000000e+00> : vector<32x64xf32>
    %dot_general3A_1118 = tpu.matmul %convert_element_type3A_1106, %mul3A_1116, %dot_general3A_1117 {dimension_numbers = #tpu.dot_dimension_numbers<[1], [0], [0], [1], [0, 0, 1, 1], [], []>, transpose_lhs_hint = false} : vector<32x4096xf32>, vector<4096x64xf32>, vector<32x64xf32> -> vector<32x64xf32>
    %convert_element_type3A_1119 = arith.fptosi %dot_general3A_1118 : vector<32x64xf32> to vector<32x64xi32>
    %swap3A_1120 = arith.constant 3 : index
    %swap3A_1121 = arith.constant 0 : index
    %swap3A_1122 = arith.constant 0 : index
    %swap3A_1123 = vector.load %arg1[%swap3A_1120, %swap3A_1121, %swap3A_1122] : memref<4x32x64xi32, #tpu.memory_space<vmem>>, vector<1x32x64xi32>
    %swap3A_1124 = vector.shape_cast %swap3A_1123 : vector<1x32x64xi32> to vector<32x64xi32>
    %swap3A_1125 = vector.shape_cast %convert_element_type3A_1119 : vector<32x64xi32> to vector<1x32x64xi32>
    tpu.vector_store %arg1[%swap3A_1120, %swap3A_1121, %swap3A_1122], %swap3A_1125 {strides = array<i32>} : memref<4x32x64xi32, #tpu.memory_space<vmem>>, vector<1x32x64xi32>,
    %add3A_1126 = arith.constant 12288 : i32
    %add3A_1127 = vector.broadcast %add3A_1126 : i32 to vector<32x64xi32>
    %add3A_1128 = arith.addi %convert_element_type3A_1119, %add3A_1127 : vector<32x64xi32>
    %swap3A_1129 = arith.constant 3 : index
    %swap3A_1130 = arith.constant 0 : index
    %swap3A_1131 = arith.constant 0 : index
    %swap3A_1132 = vector.load %arg2[%swap3A_1129, %swap3A_1130, %swap3A_1131] : memref<4x32x64xi32, #tpu.memory_space<vmem>>, vector<1x32x64xi32>
    %swap3A_1133 = vector.shape_cast %swap3A_1132 : vector<1x32x64xi32> to vector<32x64xi32>
    %swap3A_1134 = vector.shape_cast %add3A_1128 : vector<32x64xi32> to vector<1x32x64xi32>
    tpu.vector_store %arg2[%swap3A_1129, %swap3A_1130, %swap3A_1131], %swap3A_1134 {strides = array<i32>} : memref<4x32x64xi32, #tpu.memory_space<vmem>>, vector<1x32x64xi32>,
    return
  }
}

module attributes {stable_mosaic.version = 14 : i64} {
  func.func @_score_body(%arg0: i32, %arg1: memref<2048x2048xf32, #tpu.memory_space<vmem>>, %arg2: memref<1x2048xf32, #tpu.memory_space<vmem>>, %arg3: memref<1x1x2048xf32, #tpu.memory_space<vmem>>) attributes {dimension_semantics = [#tpu.dimension_semantics<arbitrary>], iteration_bounds = array<i64: 8>, scalar_prefetch = 0 : i64, scratch_operands = 0 : i64, tpu.core_type = #tpu.core_type<tc>, window_params = [{transform_indices = @transform_0, window_bounds = array<i64: 2048, 2048>}, {pipeline_mode = #tpu.pipeline_mode<synchronous>, transform_indices = @transform_1, window_bounds = array<i64: 1, 2048>}, {transform_indices = @transform_2, window_bounds = array<i64: 1, 1, 2048>}]} {
    %get3A = arith.constant 0 : index
    %get3A_0 = arith.constant 0 : index
    %get3A_1 = vector.load %arg2[%get3A, %get3A_0] : memref<1x2048xf32, #tpu.memory_space<vmem>>, vector<1x2048xf32>
    %get3A_2 = arith.constant 0 : index
    %get3A_3 = arith.constant 0 : index
    %get3A_4 = vector.load %arg1[%get3A_2, %get3A_3] : memref<2048x2048xf32, #tpu.memory_space<vmem>>, vector<2048x2048xf32>
    %dot_general3A = arith.constant dense<0.000000e+00> : vector<1x2048xf32>
    %dot_general3A_5 = tpu.matmul %get3A_1, %get3A_4, %dot_general3A {dimension_numbers = #tpu.dot_dimension_numbers<[1], [1], [0], [0], [0, 0, 1, 0], [], []>, transpose_lhs_hint = false} : vector<1x2048xf32>, vector<2048x2048xf32>, vector<1x2048xf32> -> vector<1x2048xf32>
    %swap3A = arith.constant 0 : index
    %swap3A_6 = arith.constant 0 : index
    %swap3A_7 = arith.constant 0 : index
    %swap3A_8 = vector.load %arg3[%swap3A, %swap3A_6, %swap3A_7] : memref<1x1x2048xf32, #tpu.memory_space<vmem>>, vector<1x1x2048xf32>
    %swap3A_9 = vector.shape_cast %swap3A_8 : vector<1x1x2048xf32> to vector<1x2048xf32>
    %swap3A_10 = vector.shape_cast %dot_general3A_5 : vector<1x2048xf32> to vector<1x1x2048xf32>
    tpu.vector_store %arg3[%swap3A, %swap3A_6, %swap3A_7], %swap3A_10 {strides = array<i32>} : memref<1x1x2048xf32, #tpu.memory_space<vmem>>, vector<1x1x2048xf32>,
    return
  }
  func.func @transform_0(%arg0: i32) -> (i32, i32) {
    %c0_i32 = arith.constant 0 : i32
    %c0_i32_0 = arith.constant 0 : i32
    return %arg0, %c0_i32 : i32, i32
  }
  func.func @transform_1(%arg0: i32) -> (i32, i32) {
    %c0_i32 = arith.constant 0 : i32
    %c0_i32_0 = arith.constant 0 : i32
    %c0_i32_1 = arith.constant 0 : i32
    return %c0_i32, %c0_i32_0 : i32, i32
  }
  func.func @transform_2(%arg0: i32) -> (i32, i32, i32) {
    %c0_i32 = arith.constant 0 : i32
    %c0_i32_0 = arith.constant 0 : i32
    %c0_i32_1 = arith.constant 0 : i32
    return %arg0, %c0_i32, %c0_i32_0 : i32, i32, i32
  }
}

</mosaic_0001>

<sc_bundles>
// kernel: kernel.5.cloned.1.call-start
scs
__scs_entry_jumppad:
0x0: {  	(pc) =	sbr.rel $0x88, $3  }
0x1: {  	(tag) =	ssettag $0x0;
	lr =	simm.s32 $0x1  }
0x2: {  	[smem:$0x3F9F] =	sst lr;
	_ =	strace $0xD0000000  }
0x3: {  	_ = 	snop  }
0x4: {  	_ = 	snop  }
0x5: {  	_ = 	snop  }
0x6: {  	_ = 	snop  }
0x7: {  	_ = 	snop  }
__scs_overlays_trampoline_lowered:
0x8: {  	[smem:$0x3FAE] =	sst s0  }
0x9: {  	[smem:$0x3FAF] =	sst s1  }
0xa: {  	[smem:$0x3FB0] =	sst s2  }
0xb: {  	[smem:$0x3FB1] =	sst s3  }
0xc: {  	[smem:$0x3FB2] =	sst s4  }
0xd: {  	[smem:$0x3FB3] =	sst s5  }
0xe: {  	[smem:$0x3FB4] =	sst s6  }
0xf: {  	[smem:$0x3FB5] =	sst s7  }
0x10: {  	[smem:$0x3FB6] =	sst s8  }
0x11: {  	[smem:$0x3FB7] =	sst s9;
	s0 =	simm.s32 @!p0 $0x0  }
0x12: {  	s1 =	sld [smem:$0x3F9D];
	s0 =	simm.s32 @p0 $0x1  }
0x13: {  	[smem:$0x3FB8] =	sst s0;
	s0 =	simm.s32 @!p1 $0x0  }
0x14: {  	s2 =	sld [smem:$0x3F9C];
	s0 =	simm.s32 @p1 $0x1  }
0x15: {  	[smem:$0x3FB9] =	sst s0;
	s0 =	simm.s32 @!p2 $0x0  }
0x16: {  	s3 =	sld [smem:$0x3FDB];
	s0 =	simm.s32 @p2 $0x1  }
0x17: {  	s4 =	simm.s32 $0x1BF5;
	[smem:$0x3FBB] =	sst s0  }
0x18: {  	s0 =	sld [smem:$0x3F9E];
	_ =	swait.ge [sflag:s4], $0x0  }
0x19: {  	s7 =	sld [smem:$0x3F9F]  }
0x1a: {  	s8 =	sadd.s32 $0xFFFFE003, lr  }
0x1b: {  	s9 =	sadd.s32 $0xFFFFFEF7, lr;
	s5 =	simm.s32 $0xFFFFFFFF;
	p2 =	slt.u32 s8, $0xFFFFF086  }
0x1c: {  	p1 =	slt.u32 s9, $0xF7A;
	s5 =	simm.s32 @!p2 $0x0  }
0x1d: {  	s5 =	simm.s32 @p1 $0x1;
	p0 =	seq.s32 s7, s2  }
0x1e: {  	s7 =	smul.u32 @!p0 $0xF7A, s2;
	p2 =	seq.s32 @!p0 s5, $0x0  }
0x1f: {  	s9 =	smul.u32 $0xF7A, s1;
	s8 =	simm.s32 @!p0 $0x1BF5;
	p2 =	por !p2, p0  }
0x20: {  	[sflag:s8] =	ssyncset.s32 @!p0 $0xFFFFF086;
	s6 =	sadd.s32 @!p0 s3, s7;
	s7 =	simm.s32 @!p0 $0x108  }
0x21: {  	s3 =	sadd.s32 s3, s9;
	s6 =	sadd.s32 @!p0 $0x88, s6;
	s7 =	simm.s32 @p2 $0x1082  }
0x22: {  	[simem:s7], [sflag:s8] =	dma.local @!p0 [hbm:s6], $0xF7A  }
0x23: {  	s9 =	sor.u32 $0xD0000000, s2;
	s6 =	simm.s32 $0x108;
	_ =	swait.ge @!p0 [sflag:s8], $0x0  }
0x24: {  	s3 =	sadd.s32 $0x88, s3;
	s6 =	simm.s32 @!p1 $0x1082;
	[sflag:s4] =	ssyncset.s32 $0xFFFFF086  }
0x25: {  	[simem:s6], [sflag:s4] =	dma.local [hbm:s3], $0xF7A  }
0x26: {  	[smem:$0x3F9F] =	sst s1;
	(tag) =	ssettag s2;
	_ =	strace s9  }
0x27: {  	s1 =	sld [smem:$0x3FAF]  }
0x28: {  	s2 =	sld [smem:$0x3FB0]  }
0x29: {  	s4 =	sld [smem:$0x3FB2]  }
0x2a: {  	p0 =	seq.s32 s5, $0x0;
	s5 =	sld [smem:$0x3FB3]  }
0x2b: {  	s6 =	sld [smem:$0x3FB4]  }
0x2c: {  	s7 =	sld [smem:$0x3FB5]  }
0x2d: {  	s3 =	simm.s32 $0x108;
	s8 =	sld [smem:$0x3FB6]  }
0x2e: {  	s3 =	simm.s32 @!p0 $0x1082;
	s9 =	sld [smem:$0x3FB7]  }
0x2f: {  	lr =	sadd.s32 s0, s3;
	s0 =	sld [smem:$0x3FAE]  }
0x30: {  	s3 =	sld [smem:$0x3FB1]  }
0x31: {  	[smem:$0x3FBA] =	sst s10  }
0x32: {  	s10 =	sld [smem:$0x3FB8];
	_ =	sdelay $0x3  }
0x33: {  	p0 =	seq.s32 s10, $0x1;
	s10 =	sld [smem:$0x3FBA];
	_ =	sdelay $0x3  }
0x34: {  	[smem:$0x3FBA] =	sst s10  }
0x35: {  	s10 =	sld [smem:$0x3FB9];
	_ =	sdelay $0x3  }
0x36: {  	p1 =	seq.s32 s10, $0x1;
	s10 =	sld [smem:$0x3FBA];
	_ =	sdelay $0x3  }
0x37: {  	[smem:$0x3FBA] =	sst s10  }
0x38: {  	s10 =	sld [smem:$0x3FBB]  }
0x39: {  	_ = 	snop;
	(pc) =	sbr.ind lr, $3  }
0x3a: {  	_ = 	snop  }
0x3b: {  	_ = 	snop  }
0x3c: {  	p2 =	seq.s32 s10, $0x1;
	s10 =	sld [smem:$0x3FBA]  }
0x3d: {  	_ =	shalt  }
0x3e: {  	_ =	shalt  }
0x3f: {  	_ =	shalt  }
0x40: {  	_ =	shalt  }
0x41: {  	_ =	shalt  }
0x42: {  	_ =	shalt  }
0x43: {  	_ =	shalt  }
0x44: {  	_ =	shalt  }
0x45: {  	_ =	shalt  }
0x46: {  	_ =	shalt  }
0x47: {  	_ =	shalt  }
0x48: {  	_ =	shalt  }
0x49: {  	_ =	shalt  }
0x4a: {  	_ =	shalt  }
0x4b: {  	_ =	shalt  }
0x4c: {  	_ =	shalt  }
0x4d: {  	_ =	shalt  }
0x4e: {  	_ =	shalt  }
0x4f: {  	_ =	shalt  }
0x50: {  	_ =	shalt  }
0x51: {  	_ =	shalt  }
0x52: {  	_ =	shalt  }
0x53: {  	_ =	shalt  }
0x54: {  	_ =	shalt  }
0x55: {  	_ =	shalt  }
0x56: {  	_ =	shalt  }
0x57: {  	_ =	shalt  }
0x58: {  	_ =	shalt  }
0x59: {  	_ =	shalt  }
0x5a: {  	_ =	shalt  }
0x5b: {  	_ =	shalt  }
0x5c: {  	_ =	shalt  }
0x5d: {  	_ =	shalt  }
0x5e: {  	_ =	shalt  }
0x5f: {  	_ =	shalt  }
0x60: {  	_ =	shalt  }
0x61: {  	_ =	shalt  }
0x62: {  	_ =	shalt  }
0x63: {  	_ =	shalt  }
0x64: {  	_ =	shalt  }
0x65: {  	_ =	shalt  }
0x66: {  	_ =	shalt  }
0x67: {  	_ =	shalt  }
0x68: {  	_ =	shalt  }
0x69: {  	_ =	shalt  }
0x6a: {  	_ =	shalt  }
0x6b: {  	_ =	shalt  }
0x6c: {  	_ =	shalt  }
0x6d: {  	_ =	shalt  }
0x6e: {  	_ =	shalt  }
0x6f: {  	_ =	shalt  }
0x70: {  	_ =	shalt  }
0x71: {  	_ =	shalt  }
0x72: {  	_ =	shalt  }
0x73: {  	_ =	shalt  }
0x74: {  	_ =	shalt  }
0x75: {  	_ =	shalt  }
0x76: {  	_ =	shalt  }
0x77: {  	_ =	shalt  }
0x78: {  	_ =	shalt  }
0x79: {  	_ =	shalt  }
0x7a: {  	_ =	shalt  }
0x7b: {  	_ =	shalt  }
0x7c: {  	_ =	shalt  }
0x7d: {  	_ =	shalt  }
0x7e: {  	_ =	shalt  }
0x7f: {  	_ =	shalt  }
0x80: {  	_ =	shalt  }
0x81: {  	_ =	shalt  }
0x82: {  	_ =	shalt  }
0x83: {  	_ =	shalt  }
0x84: {  	_ =	shalt  }
0x85: {  	_ =	shalt  }
0x86: {  	_ =	shalt  }
0x87: {  	_ =	shalt  }
.Lfunc_end0:
.L_simem_size_0:
called_computation_lowered:
.L_overlay_start_0:
0x88: {  	s2 =	sld [smem:$0x3FD9]  }
0x89: {  	s3 =	sld [smem:$0x3FFE];
	_ =	sdelay $0x1  }
0x8a: {  	s1 =	srdreg.scid  }
0x8b: {  	s0 =	sand.u32 $0x1, s1  }
0x8c: {  	s14 =	sshll.u32 s0, $0xA;
	s2 =	sadd.s32 s3, s2  }
0x8d: {  	s2 =	sadd.s32 s2, s14  }
0x8e: {  	[smem:$0x3FC6] =	sst s2  }
0x8f: {  	_ = 	snop  }
0x90: {  	s2 =	sld [smem:$0x3FD0];
	_ =	sdelay $0x2  }
0x91: {  	s4 =	simm.s32 $0xA;
	s5 =	simm.s32 $0x10;
	s15 =	sld [smem:$0x3FC9]  }
0x92: {  	[smem:s5], [sflag:s4] =	dma.local [hbm:s2], $0x1  }
0x93: {  	_ =	swait.eq [sflag:s4], $0x1  }
0x94: {  	[sflag:s4] =	ssyncset.done $0x0  }
0x95: {  	[sflag:s4] =	ssyncadd.s32 $0xFFFFFFFF  }
0x96: {  	s16 =	sld [smem:$0x10];
	(tm) =	ssettm $0x1  }
0x97: {  	s17 =	sld [smem:$0x3FFB];
	_ =	sdelay $0x3  }
0x98: {  	_ =	strace s17  }
0x99: {  	s4 =	sld [smem:$0x3FFC];
	_ =	sdelay $0x3  }
0x9a: {  	_ =	strace s4  }
0x9b: {  	s4 =	sld [smem:$0x3FFD];
	_ =	sdelay $0x3  }
0x9c: {  	_ =	strace s4  }
0x9d: {  	_ =	strace $0x8FFFFFFF  }
0x9e: {  	s18 =	sld [smem:$0x3FDB];
	_ =	sdelay $0x1  }
0x9f: {  	s19 =	simm.s32 $_scs_section_size  }
0xa0: {  	s6 =	simm.s32 $_size__tile_overlayer_lowered;
	s7 =	simm.s32 $_tile_overlayer_lowered  }
0xa1: {  	s22 =	simm.s32 $0x1BFF;
	s21 =	sshll.u32 s7, $0x1;
	s4 =	sadd.s32 s19, s18  }
0xa2: {  	s8 =	simm.s32 $0x0;
	s20 =	sshll.u32 s6, $0x1;
	s6 =	sadd.s32 s21, s4  }
0xa3: {  	[timem:s8], [sflag:s22] =	dma.local [hbm:s6], s20  }
0xa4: {  	_ =	swait.ge [sflag:s22], s20  }
0xa5: {  	s5 =	ssub.s32 $0x0, s20;
	[sflag:s22] =	ssyncset.done $0x0  }
0xa6: {  	[sflag:s22] =	ssyncadd.s32 s5;
	_ =	sdelay $0x1  }
0xa7: {  	s23 =	simm.s32 $0x1B8B  }
0xa8: {  	_ =	swait.ge [sflag:s23], $0x1  }
0xa9: {  	[sflag:s23] =	ssyncset.done $0x0  }
0xaa: {  	s25 =	simm.s32 $0x1B8E;
	s24 =	sld [smem:$0x3FFE];
	[sflag:s23] =	ssyncadd.s32 $0xFFFFFFFF  }
0xab: {  	s26 =	simm.s32 $execute0_lowered;
	[smem:$0x3FD2] =	sst s25  }
0xac: {  	s6 =	sshll.u32 s26, $0x1;
	_ =	strace $0x80000046;
	[dreg:$0x1] =	wrdreg $0xFFFFFFFF  }
0xad: {  	s28 =	simm.s32 $_size_execute0_lowered;
	s4 =	sadd.s32 s4, s6;
	[dreg:$0x0] =	wrdreg $0x0  }
0xae: {  	s6 =	sshll.u32 s28, $0x1;
	[dreg:$0x2] =	wrdreg s4  }
0xaf: {  	[dreg:$0x3] =	wrdreg s6  }
0xb0: {  	[dreg:$0x4] =	wrdreg $0xC0  }
0xb1: {  	_ =	task [dreg:s8], $0x5FFFF  }
0xb2: {  	[dreg:$0x1] =	wrdreg $0xFFFFFFFF  }
0xb3: {  	[dreg:$0x0] =	wrdreg $0x60  }
0xb4: {  	[dreg:$0x2] =	wrdreg s15  }
0xb5: {  	[dreg:$0x3] =	wrdreg s24  }
0xb6: {  	[dreg:$0x4] =	wrdreg s16  }
0xb7: {  	[dreg:$0x5] =	wrdreg $0x9  }
0xb8: {  	_ =	task.clear_ibuf [dreg:s8], $0x6FFFF;
	_ =	strace $0x90000046  }
0xb9: {  	s29 =	simm.s32 $0x9;
	_ =	strace $0x80000048  }
0xba: {  	_ =	swait.ge [sflag:s29], $0x1  }
0xbb: {  	[sflag:s29] =	ssyncadd.s32 $0xFFFFFFFF  }
0xbc: {  	_ =	strace $0x90000048  }
0xbd: {  	_ =	sfence  }
0xbe: {  	s30 =	sld [smem:$0x0];
	_ =	sdelay $0x2  }
0xbf: {  	s31 =	sshll.u32 s1, $0xD;
	s1 =	sshrl.u32 s1, $0x2  }
0xc0: {  	s3 =	sand.u32 $0x4000, s31;
	s1 =	sadd.s32 s1, s30  }
0xc1: {  	s0 =	sor.u32 s3, s0;
	s1 =	sshll.u32 s1, $0x11  }
0xc2: {  	s0 =	sor.u32 s1, s0  }
0xc3: {  	s0 =	sadd.s32 $0x8F2B, s0  }
0xc4: {  	[sflag:s0] =	ssyncadd.remote.s32 $0x1  }
0xc5: {  	_ =	sfence.sel $0xFFFF  }
0xc6: {  	[dreg:$0x0] =	wrdreg $0xFFFFFFFF;
	(pc) =	sbr.abs _section_cstart, $3  }
0xc7: {  	[dreg:$0x1] =	wrdreg $0xFFFFFFFF  }
0xc8: {  	_ =	task.clear_ibuf [dreg:s8], $0x2FFFF;
	_ =	strace $0x9FFFFFFF  }
0xc9: {  	(tm) =	ssettm $0x7FFFFFFF  }
tec
execute0_lowered:
.L_overlay_start_1:
0x0: {  	(tag) =	ssettag $0x1  }
0x1: {  	s0 =	srdreg.scid  }
0x2: {  	s1 =	rddreg [dreg:$0x0];
	s3 =	stileid.u32;
	s0 =	sand.u32 $0x1, s0  }
0x3: {  	s2 =	rddreg [dreg:$0x1];
	s3 =	sshll.u32 s3, $0x9;
	s4 =	sshll.u32 s0, $0x8  }
0x4: {  	s5 =	rddreg [dreg:$0x2];
	s4 =	sor.u32 s4, s3  }
0x5: {  	s3 =	simm.s32 $0x0;
	s6 =	sshrl.u32 s4, $0x3;
	s4 =	sshll.u32 s4, $0x8  }
0x6: {  	[smem:$0x7FF] =	sst s3;
	s2 =	sadd.s32 s6, s2;
	s12 =	sadd.s32 s5, s4  }
0x7: {  	_ =	strace $0x80000047;
	s2 =	sadd.s32 $0x1000, s2;
	[dreg:$0x14] =	wrdreg s12  }
0x8: {  	s15 =	sadd.s32 $0x1000, s12;
	[dreg:$0x4] =	wrdreg s2  }
0x9: {  	s16 =	sadd.s32 $0x2000, s12;
	[dreg:$0x5] =	wrdreg s15  }
0xa: {  	s17 =	sadd.s32 $0x3000, s12;
	[dreg:$0x6] =	wrdreg s16  }
0xb: {  	s18 =	sadd.s32 $0x4000, s12;
	[dreg:$0x7] =	wrdreg s17  }
0xc: {  	s19 =	sadd.s32 $0x5000, s12;
	[dreg:$0x8] =	wrdreg s18  }
0xd: {  	s13 =	simm.s32 $0x1;
	s20 =	sadd.s32 $0x6000, s12;
	[dreg:$0x9] =	wrdreg s19  }
0xe: {  	s7 =	sadd.s32 $0x300, s1;
	s22 =	sadd.s32 $0x7000, s12;
	[dreg:$0xa] =	wrdreg s20  }
0xf: {  	s8 =	sadd.s32 $0x400, s1;
	s23 =	sadd.s32 $0x8000, s12;
	[dreg:$0xb] =	wrdreg s22  }
0x10: {  	s9 =	sadd.s32 $0x500, s1;
	s24 =	sadd.s32 $0x9000, s12;
	[dreg:$0xc] =	wrdreg s23  }
0x11: {  	s10 =	sadd.s32 $0x600, s1;
	s25 =	sadd.s32 $0xA000, s12;
	[dreg:$0xd] =	wrdreg s24  }
0x12: {  	s11 =	sadd.s32 $0x700, s1;
	s26 =	sadd.s32 $0xB000, s12;
	[dreg:$0xe] =	wrdreg s25  }
0x13: {  	s0 =	ssub.s32 $0x2, s0;
	s28 =	sadd.s32 $0xC000, s12;
	[dreg:$0xf] =	wrdreg s26  }
0x14: {  	s21 =	sshrl.u32 s0, $0x1;
	s29 =	sadd.s32 $0xD000, s12;
	[dreg:$0x10] =	wrdreg s28  }
0x15: {  	s0 =	ssub.s32 s0, s21;
	s30 =	sadd.s32 $0xE000, s12;
	[dreg:$0x11] =	wrdreg s29  }
0x16: {  	s5 =	sadd.s32 $0x100, s1;
	s31 =	sadd.s32 $0xF000, s12;
	[dreg:$0x12] =	wrdreg s30  }
0x17: {  	v2 =	vlaneseq.u32;
	s6 =	sadd.s32 $0x200, s1;
	[dreg:$0x13] =	wrdreg s31;
	s2 =	smax.u32 s0, $0x1  }
0x18: {  	vm0 =	vmmov $0xffff;
	v1 =	vshrl.u32 v2, $0x3;
	s19 =	simm.s32 $0x2;
	s0 =	simm.s32 $0x4;
	s15 =	simm.s32 $0x3  }
0x19: {  	v0 =	vand.u32 $0x7, v2;
	v2 =	vor.u32 $0x8, v2;
	v1 =	vmul.u32 $0x8, v1;
	s16 =	simm.s32 $0x5;
	s17 =	simm.s32 $0x6;
	s20 =	simm.s32 $0x280  }
.LBB2_1:
0x1a: {  	[dreg:$0x15] =	wrdreg s2  }
0x1b: {  	s18 =	rddreg [dreg:$0x4];
	s31 =	simm.s32 $0x7  }
0x1c: {  	[tilespmem:s3], [sflag:$0x7] =	stream.linear.gather [hbm4b:s18+s3], $0x100, $0x38;
	[tilespmem:$0x18280] =	vst v63  }
0x1d: {  	_ =	swait.ge [sflag:s31], $0x100  }
0x1e: {  	[sflag:s31] =	ssyncset.done $0x0  }
0x1f: {  	[sflag:s31] =	ssyncadd.s32 $0xFFFFFF00  }
0x20: {  	v3 =	vld [tilespmem:$0x0];
	_ =	sdelay $0x4  }
0x21: {  	v4 =	vshll.u32 v3, $0x4  }
0x22: {  	v5 =	vand.u32 $0x7, v3;
	v4 =	vand.u32 $0xFFFFFF80, v4  }
0x23: {  	v4 =	vor.u32 v5, v4  }
0x24: {  	v5 =	vperm.xlane v4, v0;
	_ =	sdelay $0x1  }
0x25: {  	v5 =	vadd.s32 v1, v5;
	_ =	sdelay $0x3  }
0x26: {  	[tilespmem:$0x100] =	vst v3  }
0x27: {  	[tilespmem:s20], [sflag:$0x1] =	stream.indirect_vreg.gather [hbm4b:s1+s3], $0x80, v5, vm0, $0xb8;
	[tilespmem:$0x18280] =	vst v63  }
0x28: {  	s2 =	simm.s32 $0xA80  }
0x29: {  	[tilespmem:s2], [sflag:$0x1] =	stream.indirect_vreg.gather [hbm4b:s5+s3], $0x80, v5, vm0, $0xb8;
	[tilespmem:$0x18280] =	vst v63  }
0x2a: {  	s4 =	simm.s32 $0x1280  }
0x2b: {  	[tilespmem:s4], [sflag:$0x1] =	stream.indirect_vreg.gather [hbm4b:s6+s3], $0x80, v5, vm0, $0xb8;
	[tilespmem:$0x18280] =	vst v63  }
0x2c: {  	s12 =	simm.s32 $0x1A80  }
0x2d: {  	[tilespmem:s12], [sflag:$0x1] =	stream.indirect_vreg.gather [hbm4b:s7+s3], $0x80, v5, vm0, $0xb8;
	[tilespmem:$0x18280] =	vst v63  }
0x2e: {  	s14 =	simm.s32 $0x2280  }
0x2f: {  	[tilespmem:s14], [sflag:$0x1] =	stream.indirect_vreg.gather [hbm4b:s8+s3], $0x80, v5, vm0, $0xb8;
	[tilespmem:$0x18280] =	vst v63  }
0x30: {  	s21 =	simm.s32 $0x2A80;
	v3 =	vperm.xlane v4, v2  }
0x31: {  	[tilespmem:s21], [sflag:$0x1] =	stream.indirect_vreg.gather [hbm4b:s9+s3], $0x80, v5, vm0, $0xb8;
	[tilespmem:$0x18280] =	vst v63  }
0x32: {  	s22 =	simm.s32 $0x3280;
	v3 =	vadd.s32 v1, v3  }
0x33: {  	[tilespmem:s22], [sflag:$0x1] =	stream.indirect_vreg.gather [hbm4b:s10+s3], $0x80, v5, vm0, $0xb8;
	[tilespmem:$0x18280] =	vst v63  }
0x34: {  	s23 =	simm.s32 $0x3A80  }
0x35: {  	[tilespmem:s23], [sflag:$0x1] =	stream.indirect_vreg.gather [hbm4b:s11+s3], $0x80, v5, vm0, $0xb8;
	[tilespmem:$0x18280] =	vst v63  }
0x36: {  	s24 =	simm.s32 $0x4280  }
0x37: {  	[tilespmem:s24], [sflag:$0x1] =	stream.indirect_vreg.gather [hbm4b:s1+s3], $0x80, v3, vm0, $0xb8;
	[tilespmem:$0x18280] =	vst v63  }
0x38: {  	s25 =	simm.s32 $0x4A80  }
0x39: {  	[tilespmem:s25], [sflag:$0x1] =	stream.indirect_vreg.gather [hbm4b:s5+s3], $0x80, v3, vm0, $0xb8;
	[tilespmem:$0x18280] =	vst v63  }
0x3a: {  	s26 =	simm.s32 $0x5280  }
0x3b: {  	[tilespmem:s26], [sflag:$0x1] =	stream.indirect_vreg.gather [hbm4b:s6+s3], $0x80, v3, vm0, $0xb8;
	[tilespmem:$0x18280] =	vst v63  }
0x3c: {  	s28 =	simm.s32 $0x5A80  }
0x3d: {  	[tilespmem:s28], [sflag:$0x1] =	stream.indirect_vreg.gather [hbm4b:s7+s3], $0x80, v3, vm0, $0xb8;
	[tilespmem:$0x18280] =	vst v63  }
0x3e: {  	s29 =	simm.s32 $0x6280  }
0x3f: {  	[tilespmem:s29], [sflag:$0x1] =	stream.indirect_vreg.gather [hbm4b:s8+s3], $0x80, v3, vm0, $0xb8;
	[tilespmem:$0x18280] =	vst v63  }
0x40: {  	s2 =	simm.s32 $0x6A80  }
0x41: {  	[tilespmem:s2], [sflag:$0x1] =	stream.indirect_vreg.gather [hbm4b:s9+s3], $0x80, v3, vm0, $0xb8;
	[tilespmem:$0x18280] =	vst v63  }
0x42: {  	s14 =	simm.s32 $0x7280  }
0x43: {  	[tilespmem:s14], [sflag:$0x1] =	stream.indirect_vreg.gather [hbm4b:s10+s3], $0x80, v3, vm0, $0xb8;
	[tilespmem:$0x18280] =	vst v63  }
0x44: {  	s21 =	simm.s32 $0x7A80  }
0x45: {  	[tilespmem:s21], [sflag:$0x1] =	stream.indirect_vreg.gather [hbm4b:s11+s3], $0x80, v3, vm0, $0xb8;
	[tilespmem:$0x18280] =	vst v63  }
0x46: {  	v3 =	vld [tilespmem:$0x10];
	_ =	sdelay $0x4  }
0x47: {  	v34 =	vshll.u32 v3, $0x4  }
0x48: {  	v35 =	vand.u32 $0x7, v3;
	v4 =	vand.u32 $0xFFFFFF80, v34  }
0x49: {  	v4 =	vor.u32 v35, v4  }
0x4a: {  	v5 =	vperm.xlane v4, v0;
	_ =	sdelay $0x1  }
0x4b: {  	v5 =	vadd.s32 v1, v5;
	_ =	sdelay $0x3  }
0x4c: {  	s22 =	simm.s32 $0x8280;
	[tilespmem:$0x180] =	vst v3  }
0x4d: {  	[tilespmem:s22], [sflag:$0x2] =	stream.indirect_vreg.gather [hbm4b:s1+s3], $0x80, v5, vm0, $0xb8;
	[tilespmem:$0x18280] =	vst v63  }
0x4e: {  	s14 =	simm.s32 $0x8A80  }
0x4f: {  	[tilespmem:s14], [sflag:$0x2] =	stream.indirect_vreg.gather [hbm4b:s5+s3], $0x80, v5, vm0, $0xb8;
	[tilespmem:$0x18280] =	vst v63  }
0x50: {  	s2 =	simm.s32 $0x9280  }
0x51: {  	[tilespmem:s2], [sflag:$0x2] =	stream.indirect_vreg.gather [hbm4b:s6+s3], $0x80, v5, vm0, $0xb8;
	[tilespmem:$0x18280] =	vst v63  }
0x52: {  	s18 =	simm.s32 $0x9A80  }
0x53: {  	[tilespmem:s18], [sflag:$0x2] =	stream.indirect_vreg.gather [hbm4b:s7+s3], $0x80, v5, vm0, $0xb8;
	[tilespmem:$0x18280] =	vst v63  }
0x54: {  	s22 =	simm.s32 $0xA280  }
0x55: {  	[tilespmem:s22], [sflag:$0x2] =	stream.indirect_vreg.gather [hbm4b:s8+s3], $0x80, v5, vm0, $0xb8;
	[tilespmem:$0x18280] =	vst v63  }
0x56: {  	v3 =	vperm.xlane v4, v2;
	s2 =	simm.s32 $0xAA80  }
0x57: {  	[tilespmem:s2], [sflag:$0x2] =	stream.indirect_vreg.gather [hbm4b:s9+s3], $0x80, v5, vm0, $0xb8;
	[tilespmem:$0x18280] =	vst v63  }
0x58: {  	v3 =	vadd.s32 v1, v3;
	s18 =	simm.s32 $0xB280  }
0x59: {  	[tilespmem:s18], [sflag:$0x2] =	stream.indirect_vreg.gather [hbm4b:s10+s3], $0x80, v5, vm0, $0xb8;
	[tilespmem:$0x18280] =	vst v63  }
0x5a: {  	s2 =	simm.s32 $0xBA80  }
0x5b: {  	[tilespmem:s2], [sflag:$0x2] =	stream.indirect_vreg.gather [hbm4b:s11+s3], $0x80, v5, vm0, $0xb8;
	[tilespmem:$0x18280] =	vst v63  }
0x5c: {  	s18 =	simm.s32 $0xC280  }
0x5d: {  	[tilespmem:s18], [sflag:$0x2] =	stream.indirect_vreg.gather [hbm4b:s1+s3], $0x80, v3, vm0, $0xb8;
	[tilespmem:$0x18280] =	vst v63  }
0x5e: {  	s2 =	simm.s32 $0xCA80  }
0x5f: {  	[tilespmem:s2], [sflag:$0x2] =	stream.indirect_vreg.gather [hbm4b:s5+s3], $0x80, v3, vm0, $0xb8;
	[tilespmem:$0x18280] =	vst v63  }
0x60: {  	s18 =	simm.s32 $0xD280  }
0x61: {  	[tilespmem:s18], [sflag:$0x2] =	stream.indirect_vreg.gather [hbm4b:s6+s3], $0x80, v3, vm0, $0xb8;
	[tilespmem:$0x18280] =	vst v63  }
0x62: {  	s2 =	simm.s32 $0xDA80  }
0x63: {  	[tilespmem:s2], [sflag:$0x2] =	stream.indirect_vreg.gather [hbm4b:s7+s3], $0x80, v3, vm0, $0xb8;
	[tilespmem:$0x18280] =	vst v63  }
0x64: {  	s18 =	simm.s32 $0xE280  }
0x65: {  	[tilespmem:s18], [sflag:$0x2] =	stream.indirect_vreg.gather [hbm4b:s8+s3], $0x80, v3, vm0, $0xb8;
	[tilespmem:$0x18280] =	vst v63  }
0x66: {  	s2 =	simm.s32 $0xEA80  }
0x67: {  	[tilespmem:s2], [sflag:$0x2] =	stream.indirect_vreg.gather [hbm4b:s9+s3], $0x80, v3, vm0, $0xb8;
	[tilespmem:$0x18280] =	vst v63  }
0x68: {  	s18 =	simm.s32 $0xF280  }
0x69: {  	[tilespmem:s18], [sflag:$0x2] =	stream.indirect_vreg.gather [hbm4b:s10+s3], $0x80, v3, vm0, $0xb8;
	[tilespmem:$0x18280] =	vst v63  }
0x6a: {  	s2 =	simm.s32 $0xFA80  }
0x6b: {  	[tilespmem:s2], [sflag:$0x2] =	stream.indirect_vreg.gather [hbm4b:s11+s3], $0x80, v3, vm0, $0xb8;
	[tilespmem:$0x18280] =	vst v63  }
0x6c: {  	_ =	swait.ge [sflag:s13], $0x8000  }
0x6d: {  	[sflag:s13] =	ssyncset.done $0x0  }
0x6e: {  	s14 =	rddreg [dreg:$0x14];
	[sflag:s13] =	ssyncadd.s32 $0xFFFF8000  }
0x6f: {  	[hbm4b:s14+s3] =	stream.linear.scatter [tilespmem:s20], [sflag:$0x4], $0x8000, $0x38;
	[tilespmem:$0x18280] =	vst v63  }
0x70: {  	v3 =	vld [tilespmem:$0x20];
	_ =	sdelay $0x4  }
0x71: {  	v36 =	vshll.u32 v3, $0x4  }
0x72: {  	v37 =	vand.u32 $0x7, v3;
	v4 =	vand.u32 $0xFFFFFF80, v36  }
0x73: {  	v4 =	vor.u32 v37, v4  }
0x74: {  	v5 =	vperm.xlane v4, v0;
	_ =	sdelay $0x1  }
0x75: {  	v5 =	vadd.s32 v1, v5;
	_ =	sdelay $0x3  }
0x76: {  	s18 =	simm.s32 $0x10280;
	[tilespmem:$0x200] =	vst v3  }
0x77: {  	[tilespmem:s18], [sflag:$0x3] =	stream.indirect_vreg.gather [hbm4b:s1+s3], $0x80, v5, vm0, $0xb8;
	[tilespmem:$0x18280] =	vst v63  }
0x78: {  	s2 =	simm.s32 $0x10A80  }
0x79: {  	[tilespmem:s2], [sflag:$0x3] =	stream.indirect_vreg.gather [hbm4b:s5+s3], $0x80, v5, vm0, $0xb8;
	[tilespmem:$0x18280] =	vst v63  }
0x7a: {  	s2 =	simm.s32 $0x11280  }
0x7b: {  	[tilespmem:s2], [sflag:$0x3] =	stream.indirect_vreg.gather [hbm4b:s6+s3], $0x80, v5, vm0, $0xb8;
	[tilespmem:$0x18280] =	vst v63  }
0x7c: {  	s2 =	simm.s32 $0x11A80  }
0x7d: {  	[tilespmem:s2], [sflag:$0x3] =	stream.indirect_vreg.gather [hbm4b:s7+s3], $0x80, v5, vm0, $0xb8;
	[tilespmem:$0x18280] =	vst v63  }
0x7e: {  	s2 =	simm.s32 $0x12280  }
0x7f: {  	[tilespmem:s2], [sflag:$0x3] =	stream.indirect_vreg.gather [hbm4b:s8+s3], $0x80, v5, vm0, $0xb8;
	[tilespmem:$0x18280] =	vst v63  }
0x80: {  	v3 =	vperm.xlane v4, v2;
	s2 =	simm.s32 $0x12A80  }
0x81: {  	[tilespmem:s2], [sflag:$0x3] =	stream.indirect_vreg.gather [hbm4b:s9+s3], $0x80, v5, vm0, $0xb8;
	[tilespmem:$0x18280] =	vst v63  }
0x82: {  	v3 =	vadd.s32 v1, v3;
	s2 =	simm.s32 $0x13280  }
0x83: {  	[tilespmem:s2], [sflag:$0x3] =	stream.indirect_vreg.gather [hbm4b:s10+s3], $0x80, v5, vm0, $0xb8;
	[tilespmem:$0x18280] =	vst v63  }
0x84: {  	s2 =	simm.s32 $0x13A80  }
0x85: {  	[tilespmem:s2], [sflag:$0x3] =	stream.indirect_vreg.gather [hbm4b:s11+s3], $0x80, v5, vm0, $0xb8;
	[tilespmem:$0x18280] =	vst v63  }
0x86: {  	s2 =	simm.s32 $0x14280  }
0x87: {  	[tilespmem:s2], [sflag:$0x3] =	stream.indirect_vreg.gather [hbm4b:s1+s3], $0x80, v3, vm0, $0xb8;
	[tilespmem:$0x18280] =	vst v63  }
0x88: {  	s2 =	simm.s32 $0x14A80  }
0x89: {  	[tilespmem:s2], [sflag:$0x3] =	stream.indirect_vreg.gather [hbm4b:s5+s3], $0x80, v3, vm0, $0xb8;
	[tilespmem:$0x18280] =	vst v63  }
0x8a: {  	s2 =	simm.s32 $0x15280  }
0x8b: {  	[tilespmem:s2], [sflag:$0x3] =	stream.indirect_vreg.gather [hbm4b:s6+s3], $0x80, v3, vm0, $0xb8;
	[tilespmem:$0x18280] =	vst v63  }
0x8c: {  	s2 =	simm.s32 $0x15A80  }
0x8d: {  	[tilespmem:s2], [sflag:$0x3] =	stream.indirect_vreg.gather [hbm4b:s7+s3], $0x80, v3, vm0, $0xb8;
	[tilespmem:$0x18280] =	vst v63  }
0x8e: {  	s2 =	simm.s32 $0x16280  }
0x8f: {  	[tilespmem:s2], [sflag:$0x3] =	stream.indirect_vreg.gather [hbm4b:s8+s3], $0x80, v3, vm0, $0xb8;
	[tilespmem:$0x18280] =	vst v63  }
0x90: {  	s2 =	simm.s32 $0x16A80  }
0x91: {  	[tilespmem:s2], [sflag:$0x3] =	stream.indirect_vreg.gather [hbm4b:s9+s3], $0x80, v3, vm0, $0xb8;
	[tilespmem:$0x18280] =	vst v63  }
0x92: {  	s2 =	simm.s32 $0x17280  }
0x93: {  	[tilespmem:s2], [sflag:$0x3] =	stream.indirect_vreg.gather [hbm4b:s10+s3], $0x80, v3, vm0, $0xb8;
	[tilespmem:$0x18280] =	vst v63  }
0x94: {  	s2 =	simm.s32 $0x17A80  }
0x95: {  	[tilespmem:s2], [sflag:$0x3] =	stream.indirect_vreg.gather [hbm4b:s11+s3], $0x80, v3, vm0, $0xb8;
	[tilespmem:$0x18280] =	vst v63  }
0x96: {  	_ =	swait.ge [sflag:s19], $0x8000  }
0x97: {  	[sflag:s19] =	ssyncset.done $0x0  }
0x98: {  	s2 =	simm.s32 $0x8280;
	s18 =	rddreg [dreg:$0x5];
	[sflag:s19] =	ssyncadd.s32 $0xFFFF8000  }
0x99: {  	[hbm4b:s18+s3] =	stream.linear.scatter [tilespmem:s2], [sflag:$0x5], $0x8000, $0x38;
	[tilespmem:$0x18280] =	vst v63  }
0x9a: {  	_ =	swait.ge [sflag:s0], $0x8000  }
0x9b: {  	[sflag:s0] =	ssyncset.done $0x0  }
0x9c: {  	[sflag:s0] =	ssyncadd.s32 $0xFFFF8000  }
0x9d: {  	v3 =	vld [tilespmem:$0x30];
	_ =	sdelay $0x4  }
0x9e: {  	v38 =	vshll.u32 v3, $0x4  }
0x9f: {  	v39 =	vand.u32 $0x7, v3;
	v4 =	vand.u32 $0xFFFFFF80, v38  }
0xa0: {  	v4 =	vor.u32 v39, v4  }
0xa1: {  	v5 =	vperm.xlane v4, v0;
	_ =	sdelay $0x1  }
0xa2: {  	v5 =	vadd.s32 v1, v5;
	_ =	sdelay $0x3  }
0xa3: {  	[tilespmem:$0x100] =	vst v3  }
0xa4: {  	[tilespmem:s20], [sflag:$0x1] =	stream.indirect_vreg.gather [hbm4b:s1+s3], $0x80, v5, vm0, $0xb8;
	[tilespmem:$0x18280] =	vst v63  }
0xa5: {  	s30 =	simm.s32 $0xA80  }
0xa6: {  	[tilespmem:s30], [sflag:$0x1] =	stream.indirect_vreg.gather [hbm4b:s5+s3], $0x80, v5, vm0, $0xb8;
	[tilespmem:$0x18280] =	vst v63  }
0xa7: {  	s30 =	simm.s32 $0x1280  }
0xa8: {  	[tilespmem:s30], [sflag:$0x1] =	stream.indirect_vreg.gather [hbm4b:s6+s3], $0x80, v5, vm0, $0xb8;
	[tilespmem:$0x18280] =	vst v63  }
0xa9: {  	s30 =	simm.s32 $0x1A80  }
0xaa: {  	[tilespmem:s30], [sflag:$0x1] =	stream.indirect_vreg.gather [hbm4b:s7+s3], $0x80, v5, vm0, $0xb8;
	[tilespmem:$0x18280] =	vst v63  }
0xab: {  	s31 =	simm.s32 $0x2280  }
0xac: {  	[tilespmem:s31], [sflag:$0x1] =	stream.indirect_vreg.gather [hbm4b:s8+s3], $0x80, v5, vm0, $0xb8;
	[tilespmem:$0x18280] =	vst v63  }
0xad: {  	s12 =	simm.s32 $0x2A80;
	v3 =	vperm.xlane v4, v2  }
0xae: {  	[tilespmem:s12], [sflag:$0x1] =	stream.indirect_vreg.gather [hbm4b:s9+s3], $0x80, v5, vm0, $0xb8;
	[tilespmem:$0x18280] =	vst v63  }
0xaf: {  	v3 =	vadd.s32 v1, v3;
	s30 =	simm.s32 $0x3280  }
0xb0: {  	[tilespmem:s30], [sflag:$0x1] =	stream.indirect_vreg.gather [hbm4b:s10+s3], $0x80, v5, vm0, $0xb8;
	[tilespmem:$0x18280] =	vst v63  }
0xb1: {  	s31 =	simm.s32 $0x3A80  }
0xb2: {  	[tilespmem:s31], [sflag:$0x1] =	stream.indirect_vreg.gather [hbm4b:s11+s3], $0x80, v5, vm0, $0xb8;
	[tilespmem:$0x18280] =	vst v63  }
0xb3: {  	s4 =	simm.s32 $0x4280  }
0xb4: {  	[tilespmem:s4], [sflag:$0x1] =	stream.indirect_vreg.gather [hbm4b:s1+s3], $0x80, v3, vm0, $0xb8;
	[tilespmem:$0x18280] =	vst v63  }
0xb5: {  	s23 =	simm.s32 $0x4A80  }
0xb6: {  	[tilespmem:s23], [sflag:$0x1] =	stream.indirect_vreg.gather [hbm4b:s5+s3], $0x80, v3, vm0, $0xb8;
	[tilespmem:$0x18280] =	vst v63  }
0xb7: {  	s24 =	simm.s32 $0x5280  }
0xb8: {  	[tilespmem:s24], [sflag:$0x1] =	stream.indirect_vreg.gather [hbm4b:s6+s3], $0x80, v3, vm0, $0xb8;
	[tilespmem:$0x18280] =	vst v63  }
0xb9: {  	s25 =	simm.s32 $0x5A80  }
0xba: {  	[tilespmem:s25], [sflag:$0x1] =	stream.indirect_vreg.gather [hbm4b:s7+s3], $0x80, v3, vm0, $0xb8;
	[tilespmem:$0x18280] =	vst v63  }
0xbb: {  	s26 =	simm.s32 $0x6280  }
0xbc: {  	[tilespmem:s26], [sflag:$0x1] =	stream.indirect_vreg.gather [hbm4b:s8+s3], $0x80, v3, vm0, $0xb8;
	[tilespmem:$0x18280] =	vst v63  }
0xbd: {  	s28 =	simm.s32 $0x6A80  }
0xbe: {  	[tilespmem:s28], [sflag:$0x1] =	stream.indirect_vreg.gather [hbm4b:s9+s3], $0x80, v3, vm0, $0xb8;
	[tilespmem:$0x18280] =	vst v63  }
0xbf: {  	s29 =	simm.s32 $0x7280  }
0xc0: {  	[tilespmem:s29], [sflag:$0x1] =	stream.indirect_vreg.gather [hbm4b:s10+s3], $0x80, v3, vm0, $0xb8;
	[tilespmem:$0x18280] =	vst v63  }
0xc1: {  	s21 =	simm.s32 $0x7A80  }
0xc2: {  	[tilespmem:s21], [sflag:$0x1] =	stream.indirect_vreg.gather [hbm4b:s11+s3], $0x80, v3, vm0, $0xb8;
	[tilespmem:$0x18280] =	vst v63  }
0xc3: {  	_ =	swait.ge [sflag:s15], $0x8000  }
0xc4: {  	[sflag:s15] =	ssyncset.done $0x0  }
0xc5: {  	s14 =	simm.s32 $0x10280;
	s12 =	rddreg [dreg:$0x6];
	[sflag:s15] =	ssyncadd.s32 $0xFFFF8000  }
0xc6: {  	[hbm4b:s12+s3] =	stream.linear.scatter [tilespmem:s14], [sflag:$0x6], $0x8000, $0x38;
	[tilespmem:$0x18280] =	vst v63  }
0xc7: {  	_ =	swait.ge [sflag:s16], $0x8000  }
0xc8: {  	[sflag:s16] =	ssyncset.done $0x0  }
0xc9: {  	[sflag:s16] =	ssyncadd.s32 $0xFFFF8000  }
0xca: {  	v3 =	vld [tilespmem:$0x40];
	_ =	sdelay $0x4  }
0xcb: {  	v40 =	vshll.u32 v3, $0x4  }
0xcc: {  	v41 =	vand.u32 $0x7, v3;
	v4 =	vand.u32 $0xFFFFFF80, v40  }
0xcd: {  	v4 =	vor.u32 v41, v4  }
0xce: {  	v5 =	vperm.xlane v4, v0;
	_ =	sdelay $0x1  }
0xcf: {  	v5 =	vadd.s32 v1, v5;
	_ =	sdelay $0x3  }
0xd0: {  	[tilespmem:$0x180] =	vst v3  }
0xd1: {  	[tilespmem:s2], [sflag:$0x2] =	stream.indirect_vreg.gather [hbm4b:s1+s3], $0x80, v5, vm0, $0xb8;
	[tilespmem:$0x18280] =	vst v63  }
0xd2: {  	s18 =	simm.s32 $0x8A80  }
0xd3: {  	[tilespmem:s18], [sflag:$0x2] =	stream.indirect_vreg.gather [hbm4b:s5+s3], $0x80, v5, vm0, $0xb8;
	[tilespmem:$0x18280] =	vst v63  }
0xd4: {  	s23 =	simm.s32 $0x9280  }
0xd5: {  	[tilespmem:s23], [sflag:$0x2] =	stream.indirect_vreg.gather [hbm4b:s6+s3], $0x80, v5, vm0, $0xb8;
	[tilespmem:$0x18280] =	vst v63  }
0xd6: {  	s24 =	simm.s32 $0x9A80  }
0xd7: {  	[tilespmem:s24], [sflag:$0x2] =	stream.indirect_vreg.gather [hbm4b:s7+s3], $0x80, v5, vm0, $0xb8;
	[tilespmem:$0x18280] =	vst v63  }
0xd8: {  	s22 =	simm.s32 $0xA280  }
0xd9: {  	[tilespmem:s22], [sflag:$0x2] =	stream.indirect_vreg.gather [hbm4b:s8+s3], $0x80, v5, vm0, $0xb8;
	[tilespmem:$0x18280] =	vst v63  }
0xda: {  	s21 =	simm.s32 $0xAA80;
	v3 =	vperm.xlane v4, v2  }
0xdb: {  	[tilespmem:s21], [sflag:$0x2] =	stream.indirect_vreg.gather [hbm4b:s9+s3], $0x80, v5, vm0, $0xb8;
	[tilespmem:$0x18280] =	vst v63  }
0xdc: {  	s25 =	simm.s32 $0xB280;
	v3 =	vadd.s32 v1, v3  }
0xdd: {  	[tilespmem:s25], [sflag:$0x2] =	stream.indirect_vreg.gather [hbm4b:s10+s3], $0x80, v5, vm0, $0xb8;
	[tilespmem:$0x18280] =	vst v63  }
0xde: {  	s26 =	simm.s32 $0xBA80  }
0xdf: {  	[tilespmem:s26], [sflag:$0x2] =	stream.indirect_vreg.gather [hbm4b:s11+s3], $0x80, v5, vm0, $0xb8;
	[tilespmem:$0x18280] =	vst v63  }
0xe0: {  	s28 =	simm.s32 $0xC280  }
0xe1: {  	[tilespmem:s28], [sflag:$0x2] =	stream.indirect_vreg.gather [hbm4b:s1+s3], $0x80, v3, vm0, $0xb8;
	[tilespmem:$0x18280] =	vst v63  }
0xe2: {  	s29 =	simm.s32 $0xCA80  }
0xe3: {  	[tilespmem:s29], [sflag:$0x2] =	stream.indirect_vreg.gather [hbm4b:s5+s3], $0x80, v3, vm0, $0xb8;
	[tilespmem:$0x18280] =	vst v63  }
0xe4: {  	s30 =	simm.s32 $0xD280  }
0xe5: {  	[tilespmem:s30], [sflag:$0x2] =	stream.indirect_vreg.gather [hbm4b:s6+s3], $0x80, v3, vm0, $0xb8;
	[tilespmem:$0x18280] =	vst v63  }
0xe6: {  	s31 =	simm.s32 $0xDA80  }
0xe7: {  	[tilespmem:s31], [sflag:$0x2] =	stream.indirect_vreg.gather [hbm4b:s7+s3], $0x80, v3, vm0, $0xb8;
	[tilespmem:$0x18280] =	vst v63  }
0xe8: {  	s22 =	simm.s32 $0xE280  }
0xe9: {  	[tilespmem:s22], [sflag:$0x2] =	stream.indirect_vreg.gather [hbm4b:s8+s3], $0x80, v3, vm0, $0xb8;
	[tilespmem:$0x18280] =	vst v63  }
0xea: {  	s21 =	simm.s32 $0xEA80  }
0xeb: {  	[tilespmem:s21], [sflag:$0x2] =	stream.indirect_vreg.gather [hbm4b:s9+s3], $0x80, v3, vm0, $0xb8;
	[tilespmem:$0x18280] =	vst v63  }
0xec: {  	s22 =	simm.s32 $0xF280  }
0xed: {  	[tilespmem:s22], [sflag:$0x2] =	stream.indirect_vreg.gather [hbm4b:s10+s3], $0x80, v3, vm0, $0xb8;
	[tilespmem:$0x18280] =	vst v63  }
0xee: {  	s14 =	simm.s32 $0xFA80  }
0xef: {  	[tilespmem:s14], [sflag:$0x2] =	stream.indirect_vreg.gather [hbm4b:s11+s3], $0x80, v3, vm0, $0xb8;
	[tilespmem:$0x18280] =	vst v63  }
0xf0: {  	_ =	swait.ge [sflag:s13], $0x8000  }
0xf1: {  	[sflag:s13] =	ssyncset.done $0x0  }
0xf2: {  	s2 =	rddreg [dreg:$0x7];
	[sflag:s13] =	ssyncadd.s32 $0xFFFF8000  }
0xf3: {  	[hbm4b:s2+s3] =	stream.linear.scatter [tilespmem:s20], [sflag:$0x4], $0x8000, $0x38;
	[tilespmem:$0x18280] =	vst v63  }
0xf4: {  	_ =	swait.ge [sflag:s17], $0x8000  }
0xf5: {  	[sflag:s17] =	ssyncset.done $0x0  }
0xf6: {  	[sflag:s17] =	ssyncadd.s32 $0xFFFF8000  }
0xf7: {  	v3 =	vld [tilespmem:$0x50];
	_ =	sdelay $0x4  }
0xf8: {  	v42 =	vshll.u32 v3, $0x4  }
0xf9: {  	v43 =	vand.u32 $0x7, v3;
	v4 =	vand.u32 $0xFFFFFF80, v42  }
0xfa: {  	v4 =	vor.u32 v43, v4  }
0xfb: {  	v5 =	vperm.xlane v4, v0;
	_ =	sdelay $0x1  }
0xfc: {  	v5 =	vadd.s32 v1, v5;
	_ =	sdelay $0x3  }
0xfd: {  	s4 =	simm.s32 $0x10280;
	[tilespmem:$0x200] =	vst v3  }
0xfe: {  	[tilespmem:s4], [sflag:$0x3] =	stream.indirect_vreg.gather [hbm4b:s1+s3], $0x80, v5, vm0, $0xb8;
	[tilespmem:$0x18280] =	vst v63  }
0xff: {  	s18 =	simm.s32 $0x10A80  }
0x100: {  	[tilespmem:s18], [sflag:$0x3] =	stream.indirect_vreg.gather [hbm4b:s5+s3], $0x80, v5, vm0, $0xb8;
	[tilespmem:$0x18280] =	vst v63  }
0x101: {  	s18 =	simm.s32 $0x11280  }
0x102: {  	[tilespmem:s18], [sflag:$0x3] =	stream.indirect_vreg.gather [hbm4b:s6+s3], $0x80, v5, vm0, $0xb8;
	[tilespmem:$0x18280] =	vst v63  }
0x103: {  	s18 =	simm.s32 $0x11A80  }
0x104: {  	[tilespmem:s18], [sflag:$0x3] =	stream.indirect_vreg.gather [hbm4b:s7+s3], $0x80, v5, vm0, $0xb8;
	[tilespmem:$0x18280] =	vst v63  }
0x105: {  	s18 =	simm.s32 $0x12280  }
0x106: {  	[tilespmem:s18], [sflag:$0x3] =	stream.indirect_vreg.gather [hbm4b:s8+s3], $0x80, v5, vm0, $0xb8;
	[tilespmem:$0x18280] =	vst v63  }
0x107: {  	v3 =	vperm.xlane v4, v2;
	s18 =	simm.s32 $0x12A80  }
0x108: {  	[tilespmem:s18], [sflag:$0x3] =	stream.indirect_vreg.gather [hbm4b:s9+s3], $0x80, v5, vm0, $0xb8;
	[tilespmem:$0x18280] =	vst v63  }
0x109: {  	v3 =	vadd.s32 v1, v3;
	s18 =	simm.s32 $0x13280  }
0x10a: {  	[tilespmem:s18], [sflag:$0x3] =	stream.indirect_vreg.gather [hbm4b:s10+s3], $0x80, v5, vm0, $0xb8;
	[tilespmem:$0x18280] =	vst v63  }
0x10b: {  	s18 =	simm.s32 $0x13A80  }
0x10c: {  	[tilespmem:s18], [sflag:$0x3] =	stream.indirect_vreg.gather [hbm4b:s11+s3], $0x80, v5, vm0, $0xb8;
	[tilespmem:$0x18280] =	vst v63  }
0x10d: {  	s18 =	simm.s32 $0x14280  }
0x10e: {  	[tilespmem:s18], [sflag:$0x3] =	stream.indirect_vreg.gather [hbm4b:s1+s3], $0x80, v3, vm0, $0xb8;
	[tilespmem:$0x18280] =	vst v63  }
0x10f: {  	s18 =	simm.s32 $0x14A80  }
0x110: {  	[tilespmem:s18], [sflag:$0x3] =	stream.indirect_vreg.gather [hbm4b:s5+s3], $0x80, v3, vm0, $0xb8;
	[tilespmem:$0x18280] =	vst v63  }
0x111: {  	s18 =	simm.s32 $0x15280  }
0x112: {  	[tilespmem:s18], [sflag:$0x3] =	stream.indirect_vreg.gather [hbm4b:s6+s3], $0x80, v3, vm0, $0xb8;
	[tilespmem:$0x18280] =	vst v63  }
0x113: {  	s18 =	simm.s32 $0x15A80  }
0x114: {  	[tilespmem:s18], [sflag:$0x3] =	stream.indirect_vreg.gather [hbm4b:s7+s3], $0x80, v3, vm0, $0xb8;
	[tilespmem:$0x18280] =	vst v63  }
0x115: {  	s18 =	simm.s32 $0x16280  }
0x116: {  	[tilespmem:s18], [sflag:$0x3] =	stream.indirect_vreg.gather [hbm4b:s8+s3], $0x80, v3, vm0, $0xb8;
	[tilespmem:$0x18280] =	vst v63  }
0x117: {  	s18 =	simm.s32 $0x16A80  }
0x118: {  	[tilespmem:s18], [sflag:$0x3] =	stream.indirect_vreg.gather [hbm4b:s9+s3], $0x80, v3, vm0, $0xb8;
	[tilespmem:$0x18280] =	vst v63  }
0x119: {  	s18 =	simm.s32 $0x17280  }
0x11a: {  	[tilespmem:s18], [sflag:$0x3] =	stream.indirect_vreg.gather [hbm4b:s10+s3], $0x80, v3, vm0, $0xb8;
	[tilespmem:$0x18280] =	vst v63  }
0x11b: {  	s18 =	simm.s32 $0x17A80  }
0x11c: {  	[tilespmem:s18], [sflag:$0x3] =	stream.indirect_vreg.gather [hbm4b:s11+s3], $0x80, v3, vm0, $0xb8;
	[tilespmem:$0x18280] =	vst v63  }
0x11d: {  	_ =	swait.ge [sflag:s19], $0x8000  }
0x11e: {  	[sflag:s19] =	ssyncset.done $0x0  }
0x11f: {  	s12 =	simm.s32 $0x8280;
	s4 =	rddreg [dreg:$0x8];
	[sflag:s19] =	ssyncadd.s32 $0xFFFF8000  }
0x120: {  	[hbm4b:s4+s3] =	stream.linear.scatter [tilespmem:s12], [sflag:$0x5], $0x8000, $0x38;
	[tilespmem:$0x18280] =	vst v63  }
0x121: {  	_ =	swait.ge [sflag:s0], $0x8000  }
0x122: {  	[sflag:s0] =	ssyncset.done $0x0  }
0x123: {  	[sflag:s0] =	ssyncadd.s32 $0xFFFF8000  }
0x124: {  	v3 =	vld [tilespmem:$0x60];
	_ =	sdelay $0x4  }
0x125: {  	v44 =	vshll.u32 v3, $0x4  }
0x126: {  	v45 =	vand.u32 $0x7, v3;
	v4 =	vand.u32 $0xFFFFFF80, v44  }
0x127: {  	v4 =	vor.u32 v45, v4  }
0x128: {  	v5 =	vperm.xlane v4, v0;
	_ =	sdelay $0x1  }
0x129: {  	v5 =	vadd.s32 v1, v5;
	_ =	sdelay $0x3  }
0x12a: {  	[tilespmem:$0x100] =	vst v3  }
0x12b: {  	[tilespmem:s20], [sflag:$0x1] =	stream.indirect_vreg.gather [hbm4b:s1+s3], $0x80, v5, vm0, $0xb8;
	[tilespmem:$0x18280] =	vst v63  }
0x12c: {  	s18 =	simm.s32 $0xA80  }
0x12d: {  	[tilespmem:s18], [sflag:$0x1] =	stream.indirect_vreg.gather [hbm4b:s5+s3], $0x80, v5, vm0, $0xb8;
	[tilespmem:$0x18280] =	vst v63  }
0x12e: {  	s18 =	simm.s32 $0x1280  }
0x12f: {  	[tilespmem:s18], [sflag:$0x1] =	stream.indirect_vreg.gather [hbm4b:s6+s3], $0x80, v5, vm0, $0xb8;
	[tilespmem:$0x18280] =	vst v63  }
0x130: {  	s18 =	simm.s32 $0x1A80  }
0x131: {  	[tilespmem:s18], [sflag:$0x1] =	stream.indirect_vreg.gather [hbm4b:s7+s3], $0x80, v5, vm0, $0xb8;
	[tilespmem:$0x18280] =	vst v63  }
0x132: {  	s18 =	simm.s32 $0x2280  }
0x133: {  	[tilespmem:s18], [sflag:$0x1] =	stream.indirect_vreg.gather [hbm4b:s8+s3], $0x80, v5, vm0, $0xb8;
	[tilespmem:$0x18280] =	vst v63  }
0x134: {  	v3 =	vperm.xlane v4, v2;
	s18 =	simm.s32 $0x2A80  }
0x135: {  	[tilespmem:s18], [sflag:$0x1] =	stream.indirect_vreg.gather [hbm4b:s9+s3], $0x80, v5, vm0, $0xb8;
	[tilespmem:$0x18280] =	vst v63  }
0x136: {  	v3 =	vadd.s32 v1, v3;
	s18 =	simm.s32 $0x3280  }
0x137: {  	[tilespmem:s18], [sflag:$0x1] =	stream.indirect_vreg.gather [hbm4b:s10+s3], $0x80, v5, vm0, $0xb8;
	[tilespmem:$0x18280] =	vst v63  }
0x138: {  	s18 =	simm.s32 $0x3A80  }
0x139: {  	[tilespmem:s18], [sflag:$0x1] =	stream.indirect_vreg.gather [hbm4b:s11+s3], $0x80, v5, vm0, $0xb8;
	[tilespmem:$0x18280] =	vst v63  }
0x13a: {  	s18 =	simm.s32 $0x4280  }
0x13b: {  	[tilespmem:s18], [sflag:$0x1] =	stream.indirect_vreg.gather [hbm4b:s1+s3], $0x80, v3, vm0, $0xb8;
	[tilespmem:$0x18280] =	vst v63  }
0x13c: {  	s18 =	simm.s32 $0x4A80  }
0x13d: {  	[tilespmem:s18], [sflag:$0x1] =	stream.indirect_vreg.gather [hbm4b:s5+s3], $0x80, v3, vm0, $0xb8;
	[tilespmem:$0x18280] =	vst v63  }
0x13e: {  	s18 =	simm.s32 $0x5280  }
0x13f: {  	[tilespmem:s18], [sflag:$0x1] =	stream.indirect_vreg.gather [hbm4b:s6+s3], $0x80, v3, vm0, $0xb8;
	[tilespmem:$0x18280] =	vst v63  }
0x140: {  	s18 =	simm.s32 $0x5A80  }
0x141: {  	[tilespmem:s18], [sflag:$0x1] =	stream.indirect_vreg.gather [hbm4b:s7+s3], $0x80, v3, vm0, $0xb8;
	[tilespmem:$0x18280] =	vst v63  }
0x142: {  	s18 =	simm.s32 $0x6280  }
0x143: {  	[tilespmem:s18], [sflag:$0x1] =	stream.indirect_vreg.gather [hbm4b:s8+s3], $0x80, v3, vm0, $0xb8;
	[tilespmem:$0x18280] =	vst v63  }
0x144: {  	s18 =	simm.s32 $0x6A80  }
0x145: {  	[tilespmem:s18], [sflag:$0x1] =	stream.indirect_vreg.gather [hbm4b:s9+s3], $0x80, v3, vm0, $0xb8;
	[tilespmem:$0x18280] =	vst v63  }
0x146: {  	s18 =	simm.s32 $0x7280  }
0x147: {  	[tilespmem:s18], [sflag:$0x1] =	stream.indirect_vreg.gather [hbm4b:s10+s3], $0x80, v3, vm0, $0xb8;
	[tilespmem:$0x18280] =	vst v63  }
0x148: {  	s18 =	simm.s32 $0x7A80  }
0x149: {  	[tilespmem:s18], [sflag:$0x1] =	stream.indirect_vreg.gather [hbm4b:s11+s3], $0x80, v3, vm0, $0xb8;
	[tilespmem:$0x18280] =	vst v63  }
0x14a: {  	_ =	swait.ge [sflag:s15], $0x8000  }
0x14b: {  	[sflag:s15] =	ssyncset.done $0x0  }
0x14c: {  	s2 =	simm.s32 $0x10280;
	s12 =	rddreg [dreg:$0x9];
	[sflag:s15] =	ssyncadd.s32 $0xFFFF8000  }
0x14d: {  	[hbm4b:s12+s3] =	stream.linear.scatter [tilespmem:s2], [sflag:$0x6], $0x8000, $0x38;
	[tilespmem:$0x18280] =	vst v63  }
0x14e: {  	_ =	swait.ge [sflag:s16], $0x8000  }
0x14f: {  	[sflag:s16] =	ssyncset.done $0x0  }
0x150: {  	[sflag:s16] =	ssyncadd.s32 $0xFFFF8000  }
0x151: {  	v3 =	vld [tilespmem:$0x70];
	_ =	sdelay $0x4  }
0x152: {  	v46 =	vshll.u32 v3, $0x4  }
0x153: {  	v47 =	vand.u32 $0x7, v3;
	v4 =	vand.u32 $0xFFFFFF80, v46  }
0x154: {  	v4 =	vor.u32 v47, v4  }
0x155: {  	v5 =	vperm.xlane v4, v0;
	_ =	sdelay $0x1  }
0x156: {  	v5 =	vadd.s32 v1, v5;
	_ =	sdelay $0x3  }
0x157: {  	s4 =	simm.s32 $0x8280;
	[tilespmem:$0x180] =	vst v3  }
0x158: {  	[tilespmem:s4], [sflag:$0x2] =	stream.indirect_vreg.gather [hbm4b:s1+s3], $0x80, v5, vm0, $0xb8;
	[tilespmem:$0x18280] =	vst v63  }
0x159: {  	s18 =	simm.s32 $0x8A80  }
0x15a: {  	[tilespmem:s18], [sflag:$0x2] =	stream.indirect_vreg.gather [hbm4b:s5+s3], $0x80, v5, vm0, $0xb8;
	[tilespmem:$0x18280] =	vst v63  }
0x15b: {  	_ = 	snop  }
0x15c: {  	[tilespmem:s23], [sflag:$0x2] =	stream.indirect_vreg.gather [hbm4b:s6+s3], $0x80, v5, vm0, $0xb8;
	[tilespmem:$0x18280] =	vst v63  }
0x15d: {  	_ = 	snop  }
0x15e: {  	[tilespmem:s24], [sflag:$0x2] =	stream.indirect_vreg.gather [hbm4b:s7+s3], $0x80, v5, vm0, $0xb8;
	[tilespmem:$0x18280] =	vst v63  }
0x15f: {  	s18 =	simm.s32 $0xA280  }
0x160: {  	[tilespmem:s18], [sflag:$0x2] =	stream.indirect_vreg.gather [hbm4b:s8+s3], $0x80, v5, vm0, $0xb8;
	[tilespmem:$0x18280] =	vst v63  }
0x161: {  	v3 =	vperm.xlane v4, v2;
	s18 =	simm.s32 $0xAA80  }
0x162: {  	[tilespmem:s18], [sflag:$0x2] =	stream.indirect_vreg.gather [hbm4b:s9+s3], $0x80, v5, vm0, $0xb8;
	[tilespmem:$0x18280] =	vst v63  }
0x163: {  	v3 =	vadd.s32 v1, v3  }
0x164: {  	[tilespmem:s25], [sflag:$0x2] =	stream.indirect_vreg.gather [hbm4b:s10+s3], $0x80, v5, vm0, $0xb8;
	[tilespmem:$0x18280] =	vst v63  }
0x165: {  	_ = 	snop  }
0x166: {  	[tilespmem:s26], [sflag:$0x2] =	stream.indirect_vreg.gather [hbm4b:s11+s3], $0x80, v5, vm0, $0xb8;
	[tilespmem:$0x18280] =	vst v63  }
0x167: {  	_ = 	snop  }
0x168: {  	[tilespmem:s28], [sflag:$0x2] =	stream.indirect_vreg.gather [hbm4b:s1+s3], $0x80, v3, vm0, $0xb8;
	[tilespmem:$0x18280] =	vst v63  }
0x169: {  	_ = 	snop  }
0x16a: {  	[tilespmem:s29], [sflag:$0x2] =	stream.indirect_vreg.gather [hbm4b:s5+s3], $0x80, v3, vm0, $0xb8;
	[tilespmem:$0x18280] =	vst v63  }
0x16b: {  	_ = 	snop  }
0x16c: {  	[tilespmem:s30], [sflag:$0x2] =	stream.indirect_vreg.gather [hbm4b:s6+s3], $0x80, v3, vm0, $0xb8;
	[tilespmem:$0x18280] =	vst v63  }
0x16d: {  	_ = 	snop  }
0x16e: {  	[tilespmem:s31], [sflag:$0x2] =	stream.indirect_vreg.gather [hbm4b:s7+s3], $0x80, v3, vm0, $0xb8;
	[tilespmem:$0x18280] =	vst v63  }
0x16f: {  	s18 =	simm.s32 $0xE280  }
0x170: {  	[tilespmem:s18], [sflag:$0x2] =	stream.indirect_vreg.gather [hbm4b:s8+s3], $0x80, v3, vm0, $0xb8;
	[tilespmem:$0x18280] =	vst v63  }
0x171: {  	_ = 	snop  }
0x172: {  	[tilespmem:s21], [sflag:$0x2] =	stream.indirect_vreg.gather [hbm4b:s9+s3], $0x80, v3, vm0, $0xb8;
	[tilespmem:$0x18280] =	vst v63  }
0x173: {  	_ = 	snop  }
0x174: {  	[tilespmem:s22], [sflag:$0x2] =	stream.indirect_vreg.gather [hbm4b:s10+s3], $0x80, v3, vm0, $0xb8;
	[tilespmem:$0x18280] =	vst v63  }
0x175: {  	_ = 	snop  }
0x176: {  	[tilespmem:s14], [sflag:$0x2] =	stream.indirect_vreg.gather [hbm4b:s11+s3], $0x80, v3, vm0, $0xb8;
	[tilespmem:$0x18280] =	vst v63  }
0x177: {  	_ =	swait.ge [sflag:s13], $0x8000  }
0x178: {  	[sflag:s13] =	ssyncset.done $0x0  }
0x179: {  	s14 =	rddreg [dreg:$0xa];
	[sflag:s13] =	ssyncadd.s32 $0xFFFF8000  }
0x17a: {  	[hbm4b:s14+s3] =	stream.linear.scatter [tilespmem:s20], [sflag:$0x4], $0x8000, $0x38;
	[tilespmem:$0x18280] =	vst v63  }
0x17b: {  	_ =	swait.ge [sflag:s17], $0x8000  }
0x17c: {  	[sflag:s17] =	ssyncset.done $0x0  }
0x17d: {  	[sflag:s17] =	ssyncadd.s32 $0xFFFF8000  }
0x17e: {  	v3 =	vld [tilespmem:$0x80];
	_ =	sdelay $0x4  }
0x17f: {  	v48 =	vshll.u32 v3, $0x4  }
0x180: {  	v49 =	vand.u32 $0x7, v3;
	v4 =	vand.u32 $0xFFFFFF80, v48  }
0x181: {  	v4 =	vor.u32 v49, v4  }
0x182: {  	v5 =	vperm.xlane v4, v0;
	_ =	sdelay $0x1  }
0x183: {  	v5 =	vadd.s32 v1, v5;
	_ =	sdelay $0x3  }
0x184: {  	s12 =	simm.s32 $0x10280;
	[tilespmem:$0x200] =	vst v3  }
0x185: {  	[tilespmem:s12], [sflag:$0x3] =	stream.indirect_vreg.gather [hbm4b:s1+s3], $0x80, v5, vm0, $0xb8;
	[tilespmem:$0x18280] =	vst v63  }
0x186: {  	s18 =	simm.s32 $0x10A80  }
0x187: {  	[tilespmem:s18], [sflag:$0x3] =	stream.indirect_vreg.gather [hbm4b:s5+s3], $0x80, v5, vm0, $0xb8;
	[tilespmem:$0x18280] =	vst v63  }
0x188: {  	s18 =	simm.s32 $0x11280  }
0x189: {  	[tilespmem:s18], [sflag:$0x3] =	stream.indirect_vreg.gather [hbm4b:s6+s3], $0x80, v5, vm0, $0xb8;
	[tilespmem:$0x18280] =	vst v63  }
0x18a: {  	s18 =	simm.s32 $0x11A80  }
0x18b: {  	[tilespmem:s18], [sflag:$0x3] =	stream.indirect_vreg.gather [hbm4b:s7+s3], $0x80, v5, vm0, $0xb8;
	[tilespmem:$0x18280] =	vst v63  }
0x18c: {  	s18 =	simm.s32 $0x12280  }
0x18d: {  	[tilespmem:s18], [sflag:$0x3] =	stream.indirect_vreg.gather [hbm4b:s8+s3], $0x80, v5, vm0, $0xb8;
	[tilespmem:$0x18280] =	vst v63  }
0x18e: {  	v3 =	vperm.xlane v4, v2;
	s18 =	simm.s32 $0x12A80  }
0x18f: {  	[tilespmem:s18], [sflag:$0x3] =	stream.indirect_vreg.gather [hbm4b:s9+s3], $0x80, v5, vm0, $0xb8;
	[tilespmem:$0x18280] =	vst v63  }
0x190: {  	v3 =	vadd.s32 v1, v3;
	s18 =	simm.s32 $0x13280  }
0x191: {  	[tilespmem:s18], [sflag:$0x3] =	stream.indirect_vreg.gather [hbm4b:s10+s3], $0x80, v5, vm0, $0xb8;
	[tilespmem:$0x18280] =	vst v63  }
0x192: {  	s18 =	simm.s32 $0x13A80  }
0x193: {  	[tilespmem:s18], [sflag:$0x3] =	stream.indirect_vreg.gather [hbm4b:s11+s3], $0x80, v5, vm0, $0xb8;
	[tilespmem:$0x18280] =	vst v63  }
0x194: {  	s18 =	simm.s32 $0x14280  }
0x195: {  	[tilespmem:s18], [sflag:$0x3] =	stream.indirect_vreg.gather [hbm4b:s1+s3], $0x80, v3, vm0, $0xb8;
	[tilespmem:$0x18280] =	vst v63  }
0x196: {  	s18 =	simm.s32 $0x14A80  }
0x197: {  	[tilespmem:s18], [sflag:$0x3] =	stream.indirect_vreg.gather [hbm4b:s5+s3], $0x80, v3, vm0, $0xb8;
	[tilespmem:$0x18280] =	vst v63  }
0x198: {  	s18 =	simm.s32 $0x15280  }
0x199: {  	[tilespmem:s18], [sflag:$0x3] =	stream.indirect_vreg.gather [hbm4b:s6+s3], $0x80, v3, vm0, $0xb8;
	[tilespmem:$0x18280] =	vst v63  }
0x19a: {  	s18 =	simm.s32 $0x15A80  }
0x19b: {  	[tilespmem:s18], [sflag:$0x3] =	stream.indirect_vreg.gather [hbm4b:s7+s3], $0x80, v3, vm0, $0xb8;
	[tilespmem:$0x18280] =	vst v63  }
0x19c: {  	s18 =	simm.s32 $0x16280  }
0x19d: {  	[tilespmem:s18], [sflag:$0x3] =	stream.indirect_vreg.gather [hbm4b:s8+s3], $0x80, v3, vm0, $0xb8;
	[tilespmem:$0x18280] =	vst v63  }
0x19e: {  	s18 =	simm.s32 $0x16A80  }
0x19f: {  	[tilespmem:s18], [sflag:$0x3] =	stream.indirect_vreg.gather [hbm4b:s9+s3], $0x80, v3, vm0, $0xb8;
	[tilespmem:$0x18280] =	vst v63  }
0x1a0: {  	s18 =	simm.s32 $0x17280  }
0x1a1: {  	[tilespmem:s18], [sflag:$0x3] =	stream.indirect_vreg.gather [hbm4b:s10+s3], $0x80, v3, vm0, $0xb8;
	[tilespmem:$0x18280] =	vst v63  }
0x1a2: {  	s18 =	simm.s32 $0x17A80  }
0x1a3: {  	[tilespmem:s18], [sflag:$0x3] =	stream.indirect_vreg.gather [hbm4b:s11+s3], $0x80, v3, vm0, $0xb8;
	[tilespmem:$0x18280] =	vst v63  }
0x1a4: {  	_ =	swait.ge [sflag:s19], $0x8000  }
0x1a5: {  	[sflag:s19] =	ssyncset.done $0x0  }
0x1a6: {  	s14 =	rddreg [dreg:$0xb];
	[sflag:s19] =	ssyncadd.s32 $0xFFFF8000  }
0x1a7: {  	[hbm4b:s14+s3] =	stream.linear.scatter [tilespmem:s4], [sflag:$0x5], $0x8000, $0x38;
	[tilespmem:$0x18280] =	vst v63  }
0x1a8: {  	_ =	swait.ge [sflag:s0], $0x8000  }
0x1a9: {  	[sflag:s0] =	ssyncset.done $0x0  }
0x1aa: {  	[sflag:s0] =	ssyncadd.s32 $0xFFFF8000  }
0x1ab: {  	v3 =	vld [tilespmem:$0x90];
	_ =	sdelay $0x4  }
0x1ac: {  	v50 =	vshll.u32 v3, $0x4  }
0x1ad: {  	v51 =	vand.u32 $0x7, v3;
	v4 =	vand.u32 $0xFFFFFF80, v50  }
0x1ae: {  	v4 =	vor.u32 v51, v4  }
0x1af: {  	v5 =	vperm.xlane v4, v0;
	_ =	sdelay $0x1  }
0x1b0: {  	v5 =	vadd.s32 v1, v5;
	_ =	sdelay $0x3  }
0x1b1: {  	[tilespmem:$0x100] =	vst v3  }
0x1b2: {  	[tilespmem:s20], [sflag:$0x1] =	stream.indirect_vreg.gather [hbm4b:s1+s3], $0x80, v5, vm0, $0xb8;
	[tilespmem:$0x18280] =	vst v63  }
0x1b3: {  	s18 =	simm.s32 $0xA80  }
0x1b4: {  	[tilespmem:s18], [sflag:$0x1] =	stream.indirect_vreg.gather [hbm4b:s5+s3], $0x80, v5, vm0, $0xb8;
	[tilespmem:$0x18280] =	vst v63  }
0x1b5: {  	s18 =	simm.s32 $0x1280  }
0x1b6: {  	[tilespmem:s18], [sflag:$0x1] =	stream.indirect_vreg.gather [hbm4b:s6+s3], $0x80, v5, vm0, $0xb8;
	[tilespmem:$0x18280] =	vst v63  }
0x1b7: {  	s18 =	simm.s32 $0x1A80  }
0x1b8: {  	[tilespmem:s18], [sflag:$0x1] =	stream.indirect_vreg.gather [hbm4b:s7+s3], $0x80, v5, vm0, $0xb8;
	[tilespmem:$0x18280] =	vst v63  }
0x1b9: {  	s18 =	simm.s32 $0x2280  }
0x1ba: {  	[tilespmem:s18], [sflag:$0x1] =	stream.indirect_vreg.gather [hbm4b:s8+s3], $0x80, v5, vm0, $0xb8;
	[tilespmem:$0x18280] =	vst v63  }
0x1bb: {  	v3 =	vperm.xlane v4, v2;
	s18 =	simm.s32 $0x2A80  }
0x1bc: {  	[tilespmem:s18], [sflag:$0x1] =	stream.indirect_vreg.gather [hbm4b:s9+s3], $0x80, v5, vm0, $0xb8;
	[tilespmem:$0x18280] =	vst v63  }
0x1bd: {  	v3 =	vadd.s32 v1, v3;
	s18 =	simm.s32 $0x3280  }
0x1be: {  	[tilespmem:s18], [sflag:$0x1] =	stream.indirect_vreg.gather [hbm4b:s10+s3], $0x80, v5, vm0, $0xb8;
	[tilespmem:$0x18280] =	vst v63  }
0x1bf: {  	s18 =	simm.s32 $0x3A80  }
0x1c0: {  	[tilespmem:s18], [sflag:$0x1] =	stream.indirect_vreg.gather [hbm4b:s11+s3], $0x80, v5, vm0, $0xb8;
	[tilespmem:$0x18280] =	vst v63  }
0x1c1: {  	s18 =	simm.s32 $0x4280  }
0x1c2: {  	[tilespmem:s18], [sflag:$0x1] =	stream.indirect_vreg.gather [hbm4b:s1+s3], $0x80, v3, vm0, $0xb8;
	[tilespmem:$0x18280] =	vst v63  }
0x1c3: {  	s18 =	simm.s32 $0x4A80  }
0x1c4: {  	[tilespmem:s18], [sflag:$0x1] =	stream.indirect_vreg.gather [hbm4b:s5+s3], $0x80, v3, vm0, $0xb8;
	[tilespmem:$0x18280] =	vst v63  }
0x1c5: {  	s18 =	simm.s32 $0x5280  }
0x1c6: {  	[tilespmem:s18], [sflag:$0x1] =	stream.indirect_vreg.gather [hbm4b:s6+s3], $0x80, v3, vm0, $0xb8;
	[tilespmem:$0x18280] =	vst v63  }
0x1c7: {  	s18 =	simm.s32 $0x5A80  }
0x1c8: {  	[tilespmem:s18], [sflag:$0x1] =	stream.indirect_vreg.gather [hbm4b:s7+s3], $0x80, v3, vm0, $0xb8;
	[tilespmem:$0x18280] =	vst v63  }
0x1c9: {  	s18 =	simm.s32 $0x6280  }
0x1ca: {  	[tilespmem:s18], [sflag:$0x1] =	stream.indirect_vreg.gather [hbm4b:s8+s3], $0x80, v3, vm0, $0xb8;
	[tilespmem:$0x18280] =	vst v63  }
0x1cb: {  	s18 =	simm.s32 $0x6A80  }
0x1cc: {  	[tilespmem:s18], [sflag:$0x1] =	stream.indirect_vreg.gather [hbm4b:s9+s3], $0x80, v3, vm0, $0xb8;
	[tilespmem:$0x18280] =	vst v63  }
0x1cd: {  	s18 =	simm.s32 $0x7280  }
0x1ce: {  	[tilespmem:s18], [sflag:$0x1] =	stream.indirect_vreg.gather [hbm4b:s10+s3], $0x80, v3, vm0, $0xb8;
	[tilespmem:$0x18280] =	vst v63  }
0x1cf: {  	s18 =	simm.s32 $0x7A80  }
0x1d0: {  	[tilespmem:s18], [sflag:$0x1] =	stream.indirect_vreg.gather [hbm4b:s11+s3], $0x80, v3, vm0, $0xb8;
	[tilespmem:$0x18280] =	vst v63  }
0x1d1: {  	_ =	swait.ge [sflag:s15], $0x8000  }
0x1d2: {  	[sflag:s15] =	ssyncset.done $0x0  }
0x1d3: {  	s12 =	simm.s32 $0x10280;
	s14 =	rddreg [dreg:$0xc];
	[sflag:s15] =	ssyncadd.s32 $0xFFFF8000  }
0x1d4: {  	[hbm4b:s14+s3] =	stream.linear.scatter [tilespmem:s12], [sflag:$0x6], $0x8000, $0x38;
	[tilespmem:$0x18280] =	vst v63  }
0x1d5: {  	_ =	swait.ge [sflag:s16], $0x8000  }
0x1d6: {  	[sflag:s16] =	ssyncset.done $0x0  }
0x1d7: {  	[sflag:s16] =	ssyncadd.s32 $0xFFFF8000  }
0x1d8: {  	v3 =	vld [tilespmem:$0xA0];
	_ =	sdelay $0x4  }
0x1d9: {  	v52 =	vshll.u32 v3, $0x4  }
0x1da: {  	v53 =	vand.u32 $0x7, v3;
	v4 =	vand.u32 $0xFFFFFF80, v52  }
0x1db: {  	v4 =	vor.u32 v53, v4  }
0x1dc: {  	v5 =	vperm.xlane v4, v0;
	_ =	sdelay $0x1  }
0x1dd: {  	v5 =	vadd.s32 v1, v5;
	_ =	sdelay $0x3  }
0x1de: {  	[tilespmem:$0x180] =	vst v3  }
0x1df: {  	[tilespmem:s4], [sflag:$0x2] =	stream.indirect_vreg.gather [hbm4b:s1+s3], $0x80, v5, vm0, $0xb8;
	[tilespmem:$0x18280] =	vst v63  }
0x1e0: {  	s2 =	simm.s32 $0x8A80  }
0x1e1: {  	[tilespmem:s2], [sflag:$0x2] =	stream.indirect_vreg.gather [hbm4b:s5+s3], $0x80, v5, vm0, $0xb8;
	[tilespmem:$0x18280] =	vst v63  }
0x1e2: {  	s23 =	simm.s32 $0x9280  }
0x1e3: {  	[tilespmem:s23], [sflag:$0x2] =	stream.indirect_vreg.gather [hbm4b:s6+s3], $0x80, v5, vm0, $0xb8;
	[tilespmem:$0x18280] =	vst v63  }
0x1e4: {  	s24 =	simm.s32 $0x9A80  }
0x1e5: {  	[tilespmem:s24], [sflag:$0x2] =	stream.indirect_vreg.gather [hbm4b:s7+s3], $0x80, v5, vm0, $0xb8;
	[tilespmem:$0x18280] =	vst v63  }
0x1e6: {  	s24 =	simm.s32 $0xA280  }
0x1e7: {  	[tilespmem:s24], [sflag:$0x2] =	stream.indirect_vreg.gather [hbm4b:s8+s3], $0x80, v5, vm0, $0xb8;
	[tilespmem:$0x18280] =	vst v63  }
0x1e8: {  	v3 =	vperm.xlane v4, v2;
	s24 =	simm.s32 $0xAA80  }
0x1e9: {  	[tilespmem:s24], [sflag:$0x2] =	stream.indirect_vreg.gather [hbm4b:s9+s3], $0x80, v5, vm0, $0xb8;
	[tilespmem:$0x18280] =	vst v63  }
0x1ea: {  	s25 =	simm.s32 $0xB280;
	v3 =	vadd.s32 v1, v3  }
0x1eb: {  	[tilespmem:s25], [sflag:$0x2] =	stream.indirect_vreg.gather [hbm4b:s10+s3], $0x80, v5, vm0, $0xb8;
	[tilespmem:$0x18280] =	vst v63  }
0x1ec: {  	s26 =	simm.s32 $0xBA80  }
0x1ed: {  	[tilespmem:s26], [sflag:$0x2] =	stream.indirect_vreg.gather [hbm4b:s11+s3], $0x80, v5, vm0, $0xb8;
	[tilespmem:$0x18280] =	vst v63  }
0x1ee: {  	s28 =	simm.s32 $0xC280  }
0x1ef: {  	[tilespmem:s28], [sflag:$0x2] =	stream.indirect_vreg.gather [hbm4b:s1+s3], $0x80, v3, vm0, $0xb8;
	[tilespmem:$0x18280] =	vst v63  }
0x1f0: {  	s29 =	simm.s32 $0xCA80  }
0x1f1: {  	[tilespmem:s29], [sflag:$0x2] =	stream.indirect_vreg.gather [hbm4b:s5+s3], $0x80, v3, vm0, $0xb8;
	[tilespmem:$0x18280] =	vst v63  }
0x1f2: {  	s30 =	simm.s32 $0xD280  }
0x1f3: {  	[tilespmem:s30], [sflag:$0x2] =	stream.indirect_vreg.gather [hbm4b:s6+s3], $0x80, v3, vm0, $0xb8;
	[tilespmem:$0x18280] =	vst v63  }
0x1f4: {  	s31 =	simm.s32 $0xDA80  }
0x1f5: {  	[tilespmem:s31], [sflag:$0x2] =	stream.indirect_vreg.gather [hbm4b:s7+s3], $0x80, v3, vm0, $0xb8;
	[tilespmem:$0x18280] =	vst v63  }
0x1f6: {  	s31 =	simm.s32 $0xE280  }
0x1f7: {  	[tilespmem:s31], [sflag:$0x2] =	stream.indirect_vreg.gather [hbm4b:s8+s3], $0x80, v3, vm0, $0xb8;
	[tilespmem:$0x18280] =	vst v63  }
0x1f8: {  	s21 =	simm.s32 $0xEA80  }
0x1f9: {  	[tilespmem:s21], [sflag:$0x2] =	stream.indirect_vreg.gather [hbm4b:s9+s3], $0x80, v3, vm0, $0xb8;
	[tilespmem:$0x18280] =	vst v63  }
0x1fa: {  	s22 =	simm.s32 $0xF280  }
0x1fb: {  	[tilespmem:s22], [sflag:$0x2] =	stream.indirect_vreg.gather [hbm4b:s10+s3], $0x80, v3, vm0, $0xb8;
	[tilespmem:$0x18280] =	vst v63  }
0x1fc: {  	s18 =	simm.s32 $0xFA80  }
0x1fd: {  	[tilespmem:s18], [sflag:$0x2] =	stream.indirect_vreg.gather [hbm4b:s11+s3], $0x80, v3, vm0, $0xb8;
	[tilespmem:$0x18280] =	vst v63  }
0x1fe: {  	_ =	swait.ge [sflag:s13], $0x8000  }
0x1ff: {  	[sflag:s13] =	ssyncset.done $0x0  }
0x200: {  	s18 =	rddreg [dreg:$0xd];
	[sflag:s13] =	ssyncadd.s32 $0xFFFF8000  }
0x201: {  	[hbm4b:s18+s3] =	stream.linear.scatter [tilespmem:s20], [sflag:$0x4], $0x8000, $0x38;
	[tilespmem:$0x18280] =	vst v63  }
0x202: {  	_ =	swait.ge [sflag:s17], $0x8000  }
0x203: {  	[sflag:s17] =	ssyncset.done $0x0  }
0x204: {  	[sflag:s17] =	ssyncadd.s32 $0xFFFF8000  }
0x205: {  	v3 =	vld [tilespmem:$0xB0];
	_ =	sdelay $0x4  }
0x206: {  	v54 =	vshll.u32 v3, $0x4  }
0x207: {  	v55 =	vand.u32 $0x7, v3;
	v4 =	vand.u32 $0xFFFFFF80, v54  }
0x208: {  	v4 =	vor.u32 v55, v4  }
0x209: {  	v5 =	vperm.xlane v4, v0;
	_ =	sdelay $0x1  }
0x20a: {  	v5 =	vadd.s32 v1, v5;
	_ =	sdelay $0x3  }
0x20b: {  	[tilespmem:$0x200] =	vst v3  }
0x20c: {  	[tilespmem:s12], [sflag:$0x3] =	stream.indirect_vreg.gather [hbm4b:s1+s3], $0x80, v5, vm0, $0xb8;
	[tilespmem:$0x18280] =	vst v63  }
0x20d: {  	s18 =	simm.s32 $0x10A80  }
0x20e: {  	[tilespmem:s18], [sflag:$0x3] =	stream.indirect_vreg.gather [hbm4b:s5+s3], $0x80, v5, vm0, $0xb8;
	[tilespmem:$0x18280] =	vst v63  }
0x20f: {  	s18 =	simm.s32 $0x11280  }
0x210: {  	[tilespmem:s18], [sflag:$0x3] =	stream.indirect_vreg.gather [hbm4b:s6+s3], $0x80, v5, vm0, $0xb8;
	[tilespmem:$0x18280] =	vst v63  }
0x211: {  	s18 =	simm.s32 $0x11A80  }
0x212: {  	[tilespmem:s18], [sflag:$0x3] =	stream.indirect_vreg.gather [hbm4b:s7+s3], $0x80, v5, vm0, $0xb8;
	[tilespmem:$0x18280] =	vst v63  }
0x213: {  	s18 =	simm.s32 $0x12280  }
0x214: {  	[tilespmem:s18], [sflag:$0x3] =	stream.indirect_vreg.gather [hbm4b:s8+s3], $0x80, v5, vm0, $0xb8;
	[tilespmem:$0x18280] =	vst v63  }
0x215: {  	v3 =	vperm.xlane v4, v2;
	s18 =	simm.s32 $0x12A80  }
0x216: {  	[tilespmem:s18], [sflag:$0x3] =	stream.indirect_vreg.gather [hbm4b:s9+s3], $0x80, v5, vm0, $0xb8;
	[tilespmem:$0x18280] =	vst v63  }
0x217: {  	v3 =	vadd.s32 v1, v3;
	s18 =	simm.s32 $0x13280  }
0x218: {  	[tilespmem:s18], [sflag:$0x3] =	stream.indirect_vreg.gather [hbm4b:s10+s3], $0x80, v5, vm0, $0xb8;
	[tilespmem:$0x18280] =	vst v63  }
0x219: {  	s18 =	simm.s32 $0x13A80  }
0x21a: {  	[tilespmem:s18], [sflag:$0x3] =	stream.indirect_vreg.gather [hbm4b:s11+s3], $0x80, v5, vm0, $0xb8;
	[tilespmem:$0x18280] =	vst v63  }
0x21b: {  	s18 =	simm.s32 $0x14280  }
0x21c: {  	[tilespmem:s18], [sflag:$0x3] =	stream.indirect_vreg.gather [hbm4b:s1+s3], $0x80, v3, vm0, $0xb8;
	[tilespmem:$0x18280] =	vst v63  }
0x21d: {  	s18 =	simm.s32 $0x14A80  }
0x21e: {  	[tilespmem:s18], [sflag:$0x3] =	stream.indirect_vreg.gather [hbm4b:s5+s3], $0x80, v3, vm0, $0xb8;
	[tilespmem:$0x18280] =	vst v63  }
0x21f: {  	s18 =	simm.s32 $0x15280  }
0x220: {  	[tilespmem:s18], [sflag:$0x3] =	stream.indirect_vreg.gather [hbm4b:s6+s3], $0x80, v3, vm0, $0xb8;
	[tilespmem:$0x18280] =	vst v63  }
0x221: {  	s18 =	simm.s32 $0x15A80  }
0x222: {  	[tilespmem:s18], [sflag:$0x3] =	stream.indirect_vreg.gather [hbm4b:s7+s3], $0x80, v3, vm0, $0xb8;
	[tilespmem:$0x18280] =	vst v63  }
0x223: {  	s18 =	simm.s32 $0x16280  }
0x224: {  	[tilespmem:s18], [sflag:$0x3] =	stream.indirect_vreg.gather [hbm4b:s8+s3], $0x80, v3, vm0, $0xb8;
	[tilespmem:$0x18280] =	vst v63  }
0x225: {  	s18 =	simm.s32 $0x16A80  }
0x226: {  	[tilespmem:s18], [sflag:$0x3] =	stream.indirect_vreg.gather [hbm4b:s9+s3], $0x80, v3, vm0, $0xb8;
	[tilespmem:$0x18280] =	vst v63  }
0x227: {  	s18 =	simm.s32 $0x17280  }
0x228: {  	[tilespmem:s18], [sflag:$0x3] =	stream.indirect_vreg.gather [hbm4b:s10+s3], $0x80, v3, vm0, $0xb8;
	[tilespmem:$0x18280] =	vst v63  }
0x229: {  	s18 =	simm.s32 $0x17A80  }
0x22a: {  	[tilespmem:s18], [sflag:$0x3] =	stream.indirect_vreg.gather [hbm4b:s11+s3], $0x80, v3, vm0, $0xb8;
	[tilespmem:$0x18280] =	vst v63  }
0x22b: {  	_ =	swait.ge [sflag:s19], $0x8000  }
0x22c: {  	[sflag:s19] =	ssyncset.done $0x0  }
0x22d: {  	s18 =	rddreg [dreg:$0xe];
	[sflag:s19] =	ssyncadd.s32 $0xFFFF8000  }
0x22e: {  	[hbm4b:s18+s3] =	stream.linear.scatter [tilespmem:s4], [sflag:$0x5], $0x8000, $0x38;
	[tilespmem:$0x18280] =	vst v63  }
0x22f: {  	_ =	swait.ge [sflag:s0], $0x8000  }
0x230: {  	[sflag:s0] =	ssyncset.done $0x0  }
0x231: {  	[sflag:s0] =	ssyncadd.s32 $0xFFFF8000  }
0x232: {  	v3 =	vld [tilespmem:$0xC0];
	_ =	sdelay $0x4  }
0x233: {  	v56 =	vshll.u32 v3, $0x4  }
0x234: {  	v57 =	vand.u32 $0x7, v3;
	v4 =	vand.u32 $0xFFFFFF80, v56  }
0x235: {  	v4 =	vor.u32 v57, v4  }
0x236: {  	v5 =	vperm.xlane v4, v0;
	_ =	sdelay $0x1  }
0x237: {  	v5 =	vadd.s32 v1, v5;
	_ =	sdelay $0x3  }
0x238: {  	[tilespmem:$0x100] =	vst v3  }
0x239: {  	[tilespmem:s20], [sflag:$0x1] =	stream.indirect_vreg.gather [hbm4b:s1+s3], $0x80, v5, vm0, $0xb8;
	[tilespmem:$0x18280] =	vst v63  }
0x23a: {  	s18 =	simm.s32 $0xA80  }
0x23b: {  	[tilespmem:s18], [sflag:$0x1] =	stream.indirect_vreg.gather [hbm4b:s5+s3], $0x80, v5, vm0, $0xb8;
	[tilespmem:$0x18280] =	vst v63  }
0x23c: {  	s18 =	simm.s32 $0x1280  }
0x23d: {  	[tilespmem:s18], [sflag:$0x1] =	stream.indirect_vreg.gather [hbm4b:s6+s3], $0x80, v5, vm0, $0xb8;
	[tilespmem:$0x18280] =	vst v63  }
0x23e: {  	s18 =	simm.s32 $0x1A80  }
0x23f: {  	[tilespmem:s18], [sflag:$0x1] =	stream.indirect_vreg.gather [hbm4b:s7+s3], $0x80, v5, vm0, $0xb8;
	[tilespmem:$0x18280] =	vst v63  }
0x240: {  	s18 =	simm.s32 $0x2280  }
0x241: {  	[tilespmem:s18], [sflag:$0x1] =	stream.indirect_vreg.gather [hbm4b:s8+s3], $0x80, v5, vm0, $0xb8;
	[tilespmem:$0x18280] =	vst v63  }
0x242: {  	v3 =	vperm.xlane v4, v2;
	s18 =	simm.s32 $0x2A80  }
0x243: {  	[tilespmem:s18], [sflag:$0x1] =	stream.indirect_vreg.gather [hbm4b:s9+s3], $0x80, v5, vm0, $0xb8;
	[tilespmem:$0x18280] =	vst v63  }
0x244: {  	v3 =	vadd.s32 v1, v3;
	s18 =	simm.s32 $0x3280  }
0x245: {  	[tilespmem:s18], [sflag:$0x1] =	stream.indirect_vreg.gather [hbm4b:s10+s3], $0x80, v5, vm0, $0xb8;
	[tilespmem:$0x18280] =	vst v63  }
0x246: {  	s18 =	simm.s32 $0x3A80  }
0x247: {  	[tilespmem:s18], [sflag:$0x1] =	stream.indirect_vreg.gather [hbm4b:s11+s3], $0x80, v5, vm0, $0xb8;
	[tilespmem:$0x18280] =	vst v63  }
0x248: {  	s18 =	simm.s32 $0x4280  }
0x249: {  	[tilespmem:s18], [sflag:$0x1] =	stream.indirect_vreg.gather [hbm4b:s1+s3], $0x80, v3, vm0, $0xb8;
	[tilespmem:$0x18280] =	vst v63  }
0x24a: {  	s18 =	simm.s32 $0x4A80  }
0x24b: {  	[tilespmem:s18], [sflag:$0x1] =	stream.indirect_vreg.gather [hbm4b:s5+s3], $0x80, v3, vm0, $0xb8;
	[tilespmem:$0x18280] =	vst v63  }
0x24c: {  	s18 =	simm.s32 $0x5280  }
0x24d: {  	[tilespmem:s18], [sflag:$0x1] =	stream.indirect_vreg.gather [hbm4b:s6+s3], $0x80, v3, vm0, $0xb8;
	[tilespmem:$0x18280] =	vst v63  }
0x24e: {  	s18 =	simm.s32 $0x5A80  }
0x24f: {  	[tilespmem:s18], [sflag:$0x1] =	stream.indirect_vreg.gather [hbm4b:s7+s3], $0x80, v3, vm0, $0xb8;
	[tilespmem:$0x18280] =	vst v63  }
0x250: {  	s18 =	simm.s32 $0x6280  }
0x251: {  	[tilespmem:s18], [sflag:$0x1] =	stream.indirect_vreg.gather [hbm4b:s8+s3], $0x80, v3, vm0, $0xb8;
	[tilespmem:$0x18280] =	vst v63  }
0x252: {  	s18 =	simm.s32 $0x6A80  }
0x253: {  	[tilespmem:s18], [sflag:$0x1] =	stream.indirect_vreg.gather [hbm4b:s9+s3], $0x80, v3, vm0, $0xb8;
	[tilespmem:$0x18280] =	vst v63  }
0x254: {  	s18 =	simm.s32 $0x7280  }
0x255: {  	[tilespmem:s18], [sflag:$0x1] =	stream.indirect_vreg.gather [hbm4b:s10+s3], $0x80, v3, vm0, $0xb8;
	[tilespmem:$0x18280] =	vst v63  }
0x256: {  	s18 =	simm.s32 $0x7A80  }
0x257: {  	[tilespmem:s18], [sflag:$0x1] =	stream.indirect_vreg.gather [hbm4b:s11+s3], $0x80, v3, vm0, $0xb8;
	[tilespmem:$0x18280] =	vst v63  }
0x258: {  	_ =	swait.ge [sflag:s15], $0x8000  }
0x259: {  	[sflag:s15] =	ssyncset.done $0x0  }
0x25a: {  	s18 =	rddreg [dreg:$0xf];
	[sflag:s15] =	ssyncadd.s32 $0xFFFF8000  }
0x25b: {  	[hbm4b:s18+s3] =	stream.linear.scatter [tilespmem:s12], [sflag:$0x6], $0x8000, $0x38;
	[tilespmem:$0x18280] =	vst v63  }
0x25c: {  	_ =	swait.ge [sflag:s16], $0x8000  }
0x25d: {  	[sflag:s16] =	ssyncset.done $0x0  }
0x25e: {  	[sflag:s16] =	ssyncadd.s32 $0xFFFF8000  }
0x25f: {  	v3 =	vld [tilespmem:$0xD0];
	_ =	sdelay $0x4  }
0x260: {  	v58 =	vshll.u32 v3, $0x4  }
0x261: {  	v59 =	vand.u32 $0x7, v3;
	v4 =	vand.u32 $0xFFFFFF80, v58  }
0x262: {  	v4 =	vor.u32 v59, v4  }
0x263: {  	v5 =	vperm.xlane v4, v0;
	_ =	sdelay $0x1  }
0x264: {  	v5 =	vadd.s32 v1, v5;
	_ =	sdelay $0x3  }
0x265: {  	[tilespmem:$0x180] =	vst v3  }
0x266: {  	[tilespmem:s4], [sflag:$0x2] =	stream.indirect_vreg.gather [hbm4b:s1+s3], $0x80, v5, vm0, $0xb8;
	[tilespmem:$0x18280] =	vst v63  }
0x267: {  	s2 =	simm.s32 $0x8A80  }
0x268: {  	[tilespmem:s2], [sflag:$0x2] =	stream.indirect_vreg.gather [hbm4b:s5+s3], $0x80, v5, vm0, $0xb8;
	[tilespmem:$0x18280] =	vst v63  }
0x269: {  	s14 =	simm.s32 $0x9280  }
0x26a: {  	[tilespmem:s14], [sflag:$0x2] =	stream.indirect_vreg.gather [hbm4b:s6+s3], $0x80, v5, vm0, $0xb8;
	[tilespmem:$0x18280] =	vst v63  }
0x26b: {  	s23 =	simm.s32 $0x9A80  }
0x26c: {  	[tilespmem:s23], [sflag:$0x2] =	stream.indirect_vreg.gather [hbm4b:s7+s3], $0x80, v5, vm0, $0xb8;
	[tilespmem:$0x18280] =	vst v63  }
0x26d: {  	s23 =	simm.s32 $0xA280  }
0x26e: {  	[tilespmem:s23], [sflag:$0x2] =	stream.indirect_vreg.gather [hbm4b:s8+s3], $0x80, v5, vm0, $0xb8;
	[tilespmem:$0x18280] =	vst v63  }
0x26f: {  	v3 =	vperm.xlane v4, v2;
	s14 =	simm.s32 $0xAA80  }
0x270: {  	[tilespmem:s14], [sflag:$0x2] =	stream.indirect_vreg.gather [hbm4b:s9+s3], $0x80, v5, vm0, $0xb8;
	[tilespmem:$0x18280] =	vst v63  }
0x271: {  	s24 =	simm.s32 $0xB280;
	v3 =	vadd.s32 v1, v3  }
0x272: {  	[tilespmem:s24], [sflag:$0x2] =	stream.indirect_vreg.gather [hbm4b:s10+s3], $0x80, v5, vm0, $0xb8;
	[tilespmem:$0x18280] =	vst v63  }
0x273: {  	s25 =	simm.s32 $0xBA80  }
0x274: {  	[tilespmem:s25], [sflag:$0x2] =	stream.indirect_vreg.gather [hbm4b:s11+s3], $0x80, v5, vm0, $0xb8;
	[tilespmem:$0x18280] =	vst v63  }
0x275: {  	s26 =	simm.s32 $0xC280  }
0x276: {  	[tilespmem:s26], [sflag:$0x2] =	stream.indirect_vreg.gather [hbm4b:s1+s3], $0x80, v3, vm0, $0xb8;
	[tilespmem:$0x18280] =	vst v63  }
0x277: {  	s28 =	simm.s32 $0xCA80  }
0x278: {  	[tilespmem:s28], [sflag:$0x2] =	stream.indirect_vreg.gather [hbm4b:s5+s3], $0x80, v3, vm0, $0xb8;
	[tilespmem:$0x18280] =	vst v63  }
0x279: {  	s29 =	simm.s32 $0xD280  }
0x27a: {  	[tilespmem:s29], [sflag:$0x2] =	stream.indirect_vreg.gather [hbm4b:s6+s3], $0x80, v3, vm0, $0xb8;
	[tilespmem:$0x18280] =	vst v63  }
0x27b: {  	s30 =	simm.s32 $0xDA80  }
0x27c: {  	[tilespmem:s30], [sflag:$0x2] =	stream.indirect_vreg.gather [hbm4b:s7+s3], $0x80, v3, vm0, $0xb8;
	[tilespmem:$0x18280] =	vst v63  }
0x27d: {  	s31 =	simm.s32 $0xE280  }
0x27e: {  	[tilespmem:s31], [sflag:$0x2] =	stream.indirect_vreg.gather [hbm4b:s8+s3], $0x80, v3, vm0, $0xb8;
	[tilespmem:$0x18280] =	vst v63  }
0x27f: {  	s21 =	simm.s32 $0xEA80  }
0x280: {  	[tilespmem:s21], [sflag:$0x2] =	stream.indirect_vreg.gather [hbm4b:s9+s3], $0x80, v3, vm0, $0xb8;
	[tilespmem:$0x18280] =	vst v63  }
0x281: {  	s22 =	simm.s32 $0xF280  }
0x282: {  	[tilespmem:s22], [sflag:$0x2] =	stream.indirect_vreg.gather [hbm4b:s10+s3], $0x80, v3, vm0, $0xb8;
	[tilespmem:$0x18280] =	vst v63  }
0x283: {  	s18 =	simm.s32 $0xFA80  }
0x284: {  	[tilespmem:s18], [sflag:$0x2] =	stream.indirect_vreg.gather [hbm4b:s11+s3], $0x80, v3, vm0, $0xb8;
	[tilespmem:$0x18280] =	vst v63  }
0x285: {  	_ =	swait.ge [sflag:s13], $0x8000  }
0x286: {  	[sflag:s13] =	ssyncset.done $0x0  }
0x287: {  	s21 =	rddreg [dreg:$0x10];
	[sflag:s13] =	ssyncadd.s32 $0xFFFF8000  }
0x288: {  	[hbm4b:s21+s3] =	stream.linear.scatter [tilespmem:s20], [sflag:$0x4], $0x8000, $0x38;
	[tilespmem:$0x18280] =	vst v63  }
0x289: {  	_ =	swait.ge [sflag:s17], $0x8000  }
0x28a: {  	[sflag:s17] =	ssyncset.done $0x0  }
0x28b: {  	[sflag:s17] =	ssyncadd.s32 $0xFFFF8000  }
0x28c: {  	v3 =	vld [tilespmem:$0xE0];
	_ =	sdelay $0x4  }
0x28d: {  	v60 =	vshll.u32 v3, $0x4  }
0x28e: {  	v61 =	vand.u32 $0x7, v3;
	v4 =	vand.u32 $0xFFFFFF80, v60  }
0x28f: {  	v4 =	vor.u32 v61, v4  }
0x290: {  	v5 =	vperm.xlane v4, v0;
	_ =	sdelay $0x1  }
0x291: {  	v5 =	vadd.s32 v1, v5;
	_ =	sdelay $0x3  }
0x292: {  	[tilespmem:$0x200] =	vst v3  }
0x293: {  	[tilespmem:s12], [sflag:$0x3] =	stream.indirect_vreg.gather [hbm4b:s1+s3], $0x80, v5, vm0, $0xb8;
	[tilespmem:$0x18280] =	vst v63  }
0x294: {  	s22 =	simm.s32 $0x10A80  }
0x295: {  	[tilespmem:s22], [sflag:$0x3] =	stream.indirect_vreg.gather [hbm4b:s5+s3], $0x80, v5, vm0, $0xb8;
	[tilespmem:$0x18280] =	vst v63  }
0x296: {  	s23 =	simm.s32 $0x11280  }
0x297: {  	[tilespmem:s23], [sflag:$0x3] =	stream.indirect_vreg.gather [hbm4b:s6+s3], $0x80, v5, vm0, $0xb8;
	[tilespmem:$0x18280] =	vst v63  }
0x298: {  	s24 =	simm.s32 $0x11A80  }
0x299: {  	[tilespmem:s24], [sflag:$0x3] =	stream.indirect_vreg.gather [hbm4b:s7+s3], $0x80, v5, vm0, $0xb8;
	[tilespmem:$0x18280] =	vst v63  }
0x29a: {  	s25 =	simm.s32 $0x12280  }
0x29b: {  	[tilespmem:s25], [sflag:$0x3] =	stream.indirect_vreg.gather [hbm4b:s8+s3], $0x80, v5, vm0, $0xb8;
	[tilespmem:$0x18280] =	vst v63  }
0x29c: {  	s26 =	simm.s32 $0x12A80;
	v3 =	vperm.xlane v4, v2  }
0x29d: {  	[tilespmem:s26], [sflag:$0x3] =	stream.indirect_vreg.gather [hbm4b:s9+s3], $0x80, v5, vm0, $0xb8;
	[tilespmem:$0x18280] =	vst v63  }
0x29e: {  	s28 =	simm.s32 $0x13280;
	v3 =	vadd.s32 v1, v3  }
0x29f: {  	[tilespmem:s28], [sflag:$0x3] =	stream.indirect_vreg.gather [hbm4b:s10+s3], $0x80, v5, vm0, $0xb8;
	[tilespmem:$0x18280] =	vst v63  }
0x2a0: {  	s29 =	simm.s32 $0x13A80  }
0x2a1: {  	[tilespmem:s29], [sflag:$0x3] =	stream.indirect_vreg.gather [hbm4b:s11+s3], $0x80, v5, vm0, $0xb8;
	[tilespmem:$0x18280] =	vst v63  }
0x2a2: {  	s30 =	simm.s32 $0x14280  }
0x2a3: {  	[tilespmem:s30], [sflag:$0x3] =	stream.indirect_vreg.gather [hbm4b:s1+s3], $0x80, v3, vm0, $0xb8;
	[tilespmem:$0x18280] =	vst v63  }
0x2a4: {  	s31 =	simm.s32 $0x14A80  }
0x2a5: {  	[tilespmem:s31], [sflag:$0x3] =	stream.indirect_vreg.gather [hbm4b:s5+s3], $0x80, v3, vm0, $0xb8;
	[tilespmem:$0x18280] =	vst v63  }
0x2a6: {  	s14 =	simm.s32 $0x15280  }
0x2a7: {  	[tilespmem:s14], [sflag:$0x3] =	stream.indirect_vreg.gather [hbm4b:s6+s3], $0x80, v3, vm0, $0xb8;
	[tilespmem:$0x18280] =	vst v63  }
0x2a8: {  	s18 =	simm.s32 $0x15A80  }
0x2a9: {  	[tilespmem:s18], [sflag:$0x3] =	stream.indirect_vreg.gather [hbm4b:s7+s3], $0x80, v3, vm0, $0xb8;
	[tilespmem:$0x18280] =	vst v63  }
0x2aa: {  	s21 =	simm.s32 $0x16280  }
0x2ab: {  	[tilespmem:s21], [sflag:$0x3] =	stream.indirect_vreg.gather [hbm4b:s8+s3], $0x80, v3, vm0, $0xb8;
	[tilespmem:$0x18280] =	vst v63  }
0x2ac: {  	s22 =	simm.s32 $0x16A80  }
0x2ad: {  	[tilespmem:s22], [sflag:$0x3] =	stream.indirect_vreg.gather [hbm4b:s9+s3], $0x80, v3, vm0, $0xb8;
	[tilespmem:$0x18280] =	vst v63  }
0x2ae: {  	s23 =	simm.s32 $0x17280  }
0x2af: {  	[tilespmem:s23], [sflag:$0x3] =	stream.indirect_vreg.gather [hbm4b:s10+s3], $0x80, v3, vm0, $0xb8;
	[tilespmem:$0x18280] =	vst v63  }
0x2b0: {  	s24 =	simm.s32 $0x17A80  }
0x2b1: {  	[tilespmem:s24], [sflag:$0x3] =	stream.indirect_vreg.gather [hbm4b:s11+s3], $0x80, v3, vm0, $0xb8;
	[tilespmem:$0x18280] =	vst v63  }
0x2b2: {  	_ =	swait.ge [sflag:s19], $0x8000  }
0x2b3: {  	[sflag:s19] =	ssyncset.done $0x0  }
0x2b4: {  	s25 =	rddreg [dreg:$0x11];
	[sflag:s19] =	ssyncadd.s32 $0xFFFF8000  }
0x2b5: {  	[hbm4b:s25+s3] =	stream.linear.scatter [tilespmem:s4], [sflag:$0x5], $0x8000, $0x38;
	[tilespmem:$0x18280] =	vst v63  }
0x2b6: {  	s2 =	rddreg [dreg:$0x15];
	_ =	swait.ge [sflag:s0], $0x8000  }
0x2b7: {  	[sflag:s0] =	ssyncset.done $0x0  }
0x2b8: {  	[sflag:s0] =	ssyncadd.s32 $0xFFFF8000  }
0x2b9: {  	v3 =	vld [tilespmem:$0xF0];
	_ =	sdelay $0x4  }
0x2ba: {  	v62 =	vshll.u32 v3, $0x4  }
0x2bb: {  	v63 =	vand.u32 $0x7, v3;
	v4 =	vand.u32 $0xFFFFFF80, v62  }
0x2bc: {  	v4 =	vor.u32 v63, v4  }
0x2bd: {  	v5 =	vperm.xlane v4, v0;
	_ =	sdelay $0x1  }
0x2be: {  	v5 =	vadd.s32 v1, v5;
	_ =	sdelay $0x3  }
0x2bf: {  	[tilespmem:$0x100] =	vst v3  }
0x2c0: {  	[tilespmem:s20], [sflag:$0x1] =	stream.indirect_vreg.gather [hbm4b:s1+s3], $0x80, v5, vm0, $0xb8;
	[tilespmem:$0x18280] =	vst v63  }
0x2c1: {  	s26 =	simm.s32 $0xA80  }
0x2c2: {  	[tilespmem:s26], [sflag:$0x1] =	stream.indirect_vreg.gather [hbm4b:s5+s3], $0x80, v5, vm0, $0xb8;
	[tilespmem:$0x18280] =	vst v63  }
0x2c3: {  	s28 =	simm.s32 $0x1280  }
0x2c4: {  	[tilespmem:s28], [sflag:$0x1] =	stream.indirect_vreg.gather [hbm4b:s6+s3], $0x80, v5, vm0, $0xb8;
	[tilespmem:$0x18280] =	vst v63  }
0x2c5: {  	s29 =	simm.s32 $0x1A80  }
0x2c6: {  	[tilespmem:s29], [sflag:$0x1] =	stream.indirect_vreg.gather [hbm4b:s7+s3], $0x80, v5, vm0, $0xb8;
	[tilespmem:$0x18280] =	vst v63  }
0x2c7: {  	s30 =	simm.s32 $0x2280  }
0x2c8: {  	[tilespmem:s30], [sflag:$0x1] =	stream.indirect_vreg.gather [hbm4b:s8+s3], $0x80, v5, vm0, $0xb8;
	[tilespmem:$0x18280] =	vst v63  }
0x2c9: {  	s31 =	simm.s32 $0x2A80;
	v3 =	vperm.xlane v4, v2  }
0x2ca: {  	[tilespmem:s31], [sflag:$0x1] =	stream.indirect_vreg.gather [hbm4b:s9+s3], $0x80, v5, vm0, $0xb8;
	[tilespmem:$0x18280] =	vst v63  }
0x2cb: {  	s14 =	simm.s32 $0x3280;
	v3 =	vadd.s32 v1, v3  }
0x2cc: {  	[tilespmem:s14], [sflag:$0x1] =	stream.indirect_vreg.gather [hbm4b:s10+s3], $0x80, v5, vm0, $0xb8;
	[tilespmem:$0x18280] =	vst v63  }
0x2cd: {  	s18 =	simm.s32 $0x3A80  }
0x2ce: {  	[tilespmem:s18], [sflag:$0x1] =	stream.indirect_vreg.gather [hbm4b:s11+s3], $0x80, v5, vm0, $0xb8;
	[tilespmem:$0x18280] =	vst v63  }
0x2cf: {  	s21 =	simm.s32 $0x4280  }
0x2d0: {  	[tilespmem:s21], [sflag:$0x1] =	stream.indirect_vreg.gather [hbm4b:s1+s3], $0x80, v3, vm0, $0xb8;
	[tilespmem:$0x18280] =	vst v63  }
0x2d1: {  	s22 =	simm.s32 $0x4A80  }
0x2d2: {  	[tilespmem:s22], [sflag:$0x1] =	stream.indirect_vreg.gather [hbm4b:s5+s3], $0x80, v3, vm0, $0xb8;
	[tilespmem:$0x18280] =	vst v63  }
0x2d3: {  	s23 =	simm.s32 $0x5280  }
0x2d4: {  	[tilespmem:s23], [sflag:$0x1] =	stream.indirect_vreg.gather [hbm4b:s6+s3], $0x80, v3, vm0, $0xb8;
	[tilespmem:$0x18280] =	vst v63  }
0x2d5: {  	s24 =	simm.s32 $0x5A80  }
0x2d6: {  	[tilespmem:s24], [sflag:$0x1] =	stream.indirect_vreg.gather [hbm4b:s7+s3], $0x80, v3, vm0, $0xb8;
	[tilespmem:$0x18280] =	vst v63  }
0x2d7: {  	s25 =	simm.s32 $0x6280  }
0x2d8: {  	[tilespmem:s25], [sflag:$0x1] =	stream.indirect_vreg.gather [hbm4b:s8+s3], $0x80, v3, vm0, $0xb8;
	[tilespmem:$0x18280] =	vst v63  }
0x2d9: {  	s26 =	simm.s32 $0x6A80  }
0x2da: {  	[tilespmem:s26], [sflag:$0x1] =	stream.indirect_vreg.gather [hbm4b:s9+s3], $0x80, v3, vm0, $0xb8;
	[tilespmem:$0x18280] =	vst v63  }
0x2db: {  	s28 =	simm.s32 $0x7280  }
0x2dc: {  	[tilespmem:s28], [sflag:$0x1] =	stream.indirect_vreg.gather [hbm4b:s10+s3], $0x80, v3, vm0, $0xb8;
	[tilespmem:$0x18280] =	vst v63  }
0x2dd: {  	s29 =	simm.s32 $0x7A80  }
0x2de: {  	[tilespmem:s29], [sflag:$0x1] =	stream.indirect_vreg.gather [hbm4b:s11+s3], $0x80, v3, vm0, $0xb8;
	[tilespmem:$0x18280] =	vst v63  }
0x2df: {  	_ =	swait.ge [sflag:s15], $0x8000  }
0x2e0: {  	[sflag:s15] =	ssyncset.done $0x0  }
0x2e1: {  	s30 =	rddreg [dreg:$0x12];
	[sflag:s15] =	ssyncadd.s32 $0xFFFF8000  }
0x2e2: {  	[hbm4b:s30+s3] =	stream.linear.scatter [tilespmem:s12], [sflag:$0x6], $0x8000, $0x38;
	[tilespmem:$0x18280] =	vst v63  }
0x2e3: {  	_ =	swait.ge [sflag:s13], $0x8000  }
0x2e4: {  	[sflag:s13] =	ssyncset.done $0x0  }
0x2e5: {  	s31 =	rddreg [dreg:$0x13];
	[sflag:s13] =	ssyncadd.s32 $0xFFFF8000  }
0x2e6: {  	[hbm4b:s31+s3] =	stream.linear.scatter [tilespmem:s20], [sflag:$0x4], $0x8000, $0x38;
	[tilespmem:$0x18280] =	vst v63  }
0x2e7: {  	_ =	swait.ge [sflag:s16], $0x8000  }
0x2e8: {  	[sflag:s16] =	ssyncset.done $0x0  }
0x2e9: {  	[sflag:s16] =	ssyncadd.s32 $0xFFFF8000  }
0x2ea: {  	p0 =	sne.s32 s2, $0x1;
	_ =	swait.ge [sflag:s17], $0x8000  }
.Ltmp0:
0x2eb: {  	[sflag:s17] =	ssyncset.done $0x0;
	(pc) =	sbr.rel @p0 .LBB2_1-.Ltmp0, $4  }
0x2ec: {  	[sflag:s17] =	ssyncadd.s32 $0xFFFF8000  }
0x2ed: {  	_ =	swait.ge [sflag:s0], $0x8000  }
0x2ee: {  	[sflag:s0] =	ssyncset.done $0x0  }
0x2ef: {  	s2 =	sadd.s32 $0xFFFFFFFF, s2;
	[sflag:s0] =	ssyncadd.s32 $0xFFFF8000  }
0x2f0: {  	_ =	sfence.sel $0x180000  }
0x2f1: {  	[bflag:$0x0] =	sbarrier.arrive $0xFFFF  }
0x2f2: {  	_ =	strace $0x90000047  }
0x2f3: {  	s0 =	stileid.u32;
	[bflag:$0x2] =	sbarrier.arrive $0xFFFF  }
0x2f4: {  	p0 =	sne.s32 s0, $0x0;
	s0 =	rddreg [dreg:$0x3]  }
0x2f5: {  	s0 =	sadd.s32 @!p0 $0x100000, s0  }
0x2f6: {  	[sflag:s0] =	ssyncadd.tile.s32 @!p0 $0x1;
	_ =	shalt  }
.Lfunc_end2:
_tile_overlayer_lowered:
.L_overlay_start_2:
0x2f7: {  	(tag) =	ssettag $0x2  }
0x2f8: {  	s0 =	rddreg [dreg:$0x0];
	s2 =	stileid.u32  }
0x2f9: {  	s1 =	rddreg [dreg:$0x1];
	p0 =	sne.s32 s2, $0x0  }
0x2fa: {  	s3 =	rddreg [dreg:$0x2];
	[bflag:$0x3] =	sbarrier.arrive $0xFFFF;
	s2 =	simm.s32 @!p0 $0x1C07  }
0x2fb: {  	[timem:s3], [sflag:s2] =	dma.local @!p0 [hbm:s0], s1  }
0x2fc: {  	s0 =	simm.s32 @!p0 $0x7  }
0x2fd: {  	_ =	swait.ge @!p0 [sflag:s0], s1  }
0x2fe: {  	s1 =	ssub.s32 @!p0 $0x0, s1;
	[sflag:s0] =	ssyncset.done @!p0 $0x0  }
0x2ff: {  	[sflag:s0] =	ssyncadd.s32 @!p0 s1  }
0x300: {  	[bflag:$0x3] =	sbarrier.arrive $0xFFFF  }
0x301: {  	_ =	shalt  }

</sc_bundles>
